<compile_context>
chip_gen: v7x
topology: tpu7x:2x2x1
jax: 0.10.2.dev20260603
libtpu: 0.0.44.dev20260713+nightly
codegen_flags: <defaults>
</compile_context>

<pallas_src>
import functools

import jax
import jax.numpy as jnp
import numpy as np
from jax import lax
from jax.experimental import pallas as pl
from jax.experimental.pallas import tpu as pltpu
from jax.experimental.pallas import tpu_sc as plsc

_BN_EPS = 1e-5
_BIG = 1e30


def _fuse_layer(layer):
    s = layer['gamma'] / jnp.sqrt(1.0 + _BN_EPS)
    A = layer['W'].T * s[None, :]
    c = layer['b'] * s + layer['beta']
    return A, c


def _fuse_mlp(layers):
    out = []
    for l in layers:
        out.extend(_fuse_layer(l))
    return out



def _square_distance(src, dst):
    return (jnp.sum(src ** 2, -1)[:, :, None] + jnp.sum(dst ** 2, -1)[:, None, :]
            - 2.0 * jnp.einsum('bnc,bmc->bnm', src, dst))


def _index_points(points, idx):
    return jax.vmap(lambda p, i: p[i])(points, idx)


def _farthest_point_sample(xyz, npoint):
    B, N, _ = xyz.shape

    def body(i, carry):
        centroids, distance, farthest = carry
        centroids = centroids.at[:, i].set(farthest)
        centroid = jnp.take_along_axis(xyz, farthest[:, None, None], axis=1)
        dist = jnp.sum((xyz - centroid) ** 2, -1)
        distance = jnp.minimum(distance, dist)
        farthest = jnp.argmax(distance, -1).astype(jnp.int32)
        return centroids, distance, farthest

    centroids = jnp.zeros((B, npoint), jnp.int32)
    distance = jnp.full((B, N), 1e10, jnp.float32)
    farthest = jnp.zeros((B,), jnp.int32)
    centroids, _, _ = jax.lax.fori_loop(0, npoint, body,
                                        (centroids, distance, farthest))
    return centroids


def _query_ball_point(radius, nsample, xyz, new_xyz):
    B, N, _ = xyz.shape
    S = new_xyz.shape[1]
    sqrdists = _square_distance(new_xyz, xyz)
    group_idx = jnp.broadcast_to(
        jnp.arange(N, dtype=jnp.int32)[None, None, :], (B, S, N))
    group_idx = jnp.where(sqrdists > radius ** 2, N, group_idx)
    group_idx = jnp.sort(group_idx, axis=-1)[:, :, :nsample]
    group_first = jnp.broadcast_to(group_idx[:, :, :1], group_idx.shape)
    group_idx = jnp.where(group_idx == N, group_first, group_idx)
    return group_idx


def _apply_layer_xla(x, layer):
    h = jnp.einsum('...i,oi->...o', x, layer['W']) + layer['b']
    h = h * (layer['gamma'] / jnp.sqrt(1.0 + _BN_EPS)) + layer['beta']
    return jax.nn.relu(h)


def _sa_msg_xla(xyz, points, npoint, radius_list, nsample_list, branch_params,
                new_xyz=None):
    if new_xyz is None:
        fps_idx = _farthest_point_sample(xyz, npoint)
        new_xyz = _index_points(xyz, fps_idx)
    outs = []
    for radius, K, layers in zip(radius_list, nsample_list, branch_params):
        group_idx = _query_ball_point(radius, K, xyz, new_xyz)
        grouped_xyz = _index_points(xyz, group_idx) - new_xyz[:, :, None, :]
        if points is not None:
            h = jnp.concatenate([_index_points(points, group_idx), grouped_xyz], -1)
        else:
            h = grouped_xyz
        for layer in layers:
            h = _apply_layer_xla(h, layer)
        outs.append(jnp.max(h, axis=2))
    return new_xyz, jnp.concatenate(outs, -1)



def _fps_body(x_ref, y_ref, z_ref, cent_ref, nx_ref, ny_ref, nz_ref):
    B, N = x_ref.shape
    S = cent_ref.shape[1]
    x = x_ref[...]
    y = y_ref[...]
    z = z_ref[...]
    iota = jax.lax.broadcasted_iota(jnp.int32, (B, N), 1)
    iota_s = jax.lax.broadcasted_iota(jnp.int32, (B, S), 1)

    cent_ref[...] = jnp.zeros((B, S), jnp.float32)
    nx_ref[...] = jnp.zeros((B, S), jnp.float32)
    ny_ref[...] = jnp.zeros((B, S), jnp.float32)
    nz_ref[...] = jnp.zeros((B, S), jnp.float32)

    def body(i, carry):
        distance, farthest = carry
        slotf = (iota_s == i).astype(jnp.float32)
        cent_ref[...] += slotf * farthest.astype(jnp.float32)
        onehot = (iota == farthest)
        cx = jnp.sum(jnp.where(onehot, x, 0.0), axis=1, keepdims=True)
        cy = jnp.sum(jnp.where(onehot, y, 0.0), axis=1, keepdims=True)
        cz = jnp.sum(jnp.where(onehot, z, 0.0), axis=1, keepdims=True)
        nx_ref[...] += slotf * cx
        ny_ref[...] += slotf * cy
        nz_ref[...] += slotf * cz
        dx = x - cx
        dy = y - cy
        dz = z - cz
        dist = (dx * dx + dy * dy) + dz * dz
        distance = jnp.minimum(distance, dist)
        m = jnp.max(distance, axis=1, keepdims=True)
        farthest = jnp.min(jnp.where(distance == m, iota, N),
                           axis=1, keepdims=True)
        return distance, farthest

    jax.lax.fori_loop(
        0, S, body,
        (jnp.full((B, N), 1e10, jnp.float32), jnp.zeros((B, 1), jnp.int32)))


def _fps_pallas(xyz, npoint):
    B, N, _ = xyz.shape
    x = xyz[:, :, 0]
    y = xyz[:, :, 1]
    z = xyz[:, :, 2]
    sds = jax.ShapeDtypeStruct
    cent, nx, ny, nz = pl.pallas_call(
        _fps_body,
        out_shape=(sds((B, npoint), jnp.float32), sds((B, npoint), jnp.float32),
                   sds((B, npoint), jnp.float32), sds((B, npoint), jnp.float32)),
    )(x, y, z)
    return cent.astype(jnp.int32), jnp.stack([nx, ny, nz], axis=-1)


def _sa3_body(xyz_ref, pts_ref, a1, c1, a2, c2, a3, c3, out_ref):
    B, S, _ = xyz_ref.shape
    h = jnp.concatenate([xyz_ref[...], pts_ref[...]], axis=-1)
    h = h.reshape(B * S, h.shape[-1])
    h = jnp.maximum(jnp.dot(h, a1[...], preferred_element_type=jnp.float32)
                    + c1[...][0], 0.0)
    h = jnp.maximum(jnp.dot(h, a2[...], preferred_element_type=jnp.float32)
                    + c2[...][0], 0.0)
    h = jnp.maximum(jnp.dot(h, a3[...], preferred_element_type=jnp.float32)
                    + c3[...][0], 0.0)
    h = h.reshape(B, S, h.shape[-1])
    out_ref[...] = jnp.max(h, axis=1)


def _sa3_pallas(l2_xyz, l2_points, layers):
    B, S, _ = l2_xyz.shape
    a1, c1, a2, c2, a3, c3 = _fuse_mlp(layers)
    cout = a3.shape[1]
    return pl.pallas_call(
        _sa3_body,
        out_shape=jax.ShapeDtypeStruct((B, cout), jnp.float32),
    )(l2_xyz, l2_points, a1, c1[None], a2, c2[None], a3, c3[None])


def _fp3_body(pts_ref, glob_ref, a1, c1, a2, c2, out_ref):
    B, S, C = pts_ref.shape
    G = glob_ref.shape[-1]
    glob = jnp.broadcast_to(glob_ref[...][:, None, :], (B, S, G))
    h = jnp.concatenate([pts_ref[...], glob], axis=-1).reshape(B * S, C + G)
    h = jnp.maximum(jnp.dot(h, a1[...], preferred_element_type=jnp.float32)
                    + c1[...][0], 0.0)
    h = jnp.maximum(jnp.dot(h, a2[...], preferred_element_type=jnp.float32)
                    + c2[...][0], 0.0)
    out_ref[...] = h.reshape(B, S, h.shape[-1])


def _fp3_pallas(l2_points, l3_points, layers):
    B, S, _ = l2_points.shape
    a1, c1, a2, c2 = _fuse_mlp(layers)
    cout = a2.shape[1]
    return pl.pallas_call(
        _fp3_body,
        out_shape=jax.ShapeDtypeStruct((B, S, cout), jnp.float32),
    )(l2_points, l3_points, a1, c1[None], a2, c2[None])


def _top3_interp(d, pts2):
    R, S = d.shape
    iota = jax.lax.broadcasted_iota(jnp.int32, (R, S), 1)
    wmat = jnp.zeros((R, S), jnp.float32)
    recips = []
    onehots = []
    dd = d
    for _ in range(3):
        m = jnp.min(dd, axis=-1, keepdims=True)
        sel = (dd == m)
        first = jnp.min(jnp.where(sel, iota, S), axis=-1, keepdims=True)
        hit = (iota == first)
        recips.append(1.0 / (jnp.maximum(m, 0.0) + 1e-8))
        onehots.append(hit)
        dd = jnp.where(hit, _BIG, dd)
    norm = recips[0] + recips[1] + recips[2]
    for r, hit in zip(recips, onehots):
        wmat = wmat + jnp.where(hit, r / norm, 0.0)
    return jnp.dot(wmat, pts2, preferred_element_type=jnp.float32)


def _fp2_body(x1_ref, x2_ref, p1_ref, p2_ref, a1, c1, a2, c2, out_ref):
    x1 = x1_ref[0]
    x2 = x2_ref[0]
    d = (jnp.sum(x1 * x1, -1, keepdims=True)
         + jnp.sum(x2 * x2, -1)[None, :]
         - 2.0 * jax.lax.dot_general(x1, x2, (((1,), (1,)), ((), ())),
                                     preferred_element_type=jnp.float32))
    interp = _top3_interp(d, p2_ref[0])
    h = jnp.concatenate([p1_ref[0], interp], axis=-1)
    h = jnp.maximum(jnp.dot(h, a1[...], preferred_element_type=jnp.float32)
                    + c1[...][0], 0.0)
    h = jnp.maximum(jnp.dot(h, a2[...], preferred_element_type=jnp.float32)
                    + c2[...][0], 0.0)
    out_ref[0] = h


def _fp2_pallas(xyz1, xyz2, points1, points2, layers):
    B, N, _ = xyz1.shape
    S = xyz2.shape[1]
    C1 = points1.shape[-1]
    C2 = points2.shape[-1]
    a1, c1, a2, c2 = _fuse_mlp(layers)
    cout = a2.shape[1]
    return pl.pallas_call(
        _fp2_body,
        grid=(B,),
        in_specs=[
            pl.BlockSpec((1, N, 3), lambda b: (b, 0, 0)),
            pl.BlockSpec((1, S, 3), lambda b: (b, 0, 0)),
            pl.BlockSpec((1, N, C1), lambda b: (b, 0, 0)),
            pl.BlockSpec((1, S, C2), lambda b: (b, 0, 0)),
            pl.BlockSpec(a1.shape, lambda b: (0, 0)),
            pl.BlockSpec((1,) + c1.shape, lambda b: (0, 0)),
            pl.BlockSpec(a2.shape, lambda b: (0, 0)),
            pl.BlockSpec((1,) + c2.shape, lambda b: (0, 0)),
        ],
        out_specs=pl.BlockSpec((1, N, cout), lambda b: (b, 0, 0)),
        out_shape=jax.ShapeDtypeStruct((B, N, cout), jnp.float32),
    )(xyz1, xyz2, points1, points2, a1, c1[None], a2, c2[None])


def _fp1_head_body(x1_ref, x2_ref, p2_ref, a1, c1, a2, c2, ah, ch, af, cf,
                   out_ref):
    x1 = x1_ref[0]
    x2 = x2_ref[0]
    d = (jnp.sum(x1 * x1, -1, keepdims=True)
         + jnp.sum(x2 * x2, -1)[None, :]
         - 2.0 * jax.lax.dot_general(x1, x2, (((1,), (1,)), ((), ())),
                                     preferred_element_type=jnp.float32))
    interp = _top3_interp(d, p2_ref[0])
    h = jnp.concatenate([x1, interp], axis=-1)
    h = jnp.maximum(jnp.dot(h, a1[...], preferred_element_type=jnp.float32)
                    + c1[...][0], 0.0)
    h = jnp.maximum(jnp.dot(h, a2[...], preferred_element_type=jnp.float32)
                    + c2[...][0], 0.0)
    h = jnp.maximum(jnp.dot(h, ah[...], preferred_element_type=jnp.float32)
                    + ch[...][0], 0.0)
    out_ref[0] = jnp.dot(h, af[...], preferred_element_type=jnp.float32) \
        + cf[...][0]


def _fp1_head_pallas(xyz, l1_xyz, l1_up, fp1_layers, head_layers, conv2, coord):
    B, N, _ = xyz.shape
    S = l1_xyz.shape[1]
    C2 = l1_up.shape[-1]
    a1, c1, a2, c2 = _fuse_mlp(fp1_layers)
    ah, ch = _fuse_layer(head_layers[0])
    wf = jnp.concatenate([conv2['W'], coord['W']], axis=0)
    bf = jnp.concatenate([conv2['b'], coord['b']], axis=0)
    af = jnp.zeros((wf.shape[1], 128), jnp.float32).at[:, :6].set(wf.T)
    cf = jnp.zeros((128,), jnp.float32).at[:6].set(bf)
    RC = 1024
    out = pl.pallas_call(
        _fp1_head_body,
        grid=(B, N // RC),
        in_specs=[
            pl.BlockSpec((1, RC, 3), lambda b, r: (b, r, 0)),
            pl.BlockSpec((1, S, 3), lambda b, r: (b, 0, 0)),
            pl.BlockSpec((1, S, C2), lambda b, r: (b, 0, 0)),
            pl.BlockSpec(a1.shape, lambda b, r: (0, 0)),
            pl.BlockSpec((1,) + c1.shape, lambda b, r: (0, 0)),
            pl.BlockSpec(a2.shape, lambda b, r: (0, 0)),
            pl.BlockSpec((1,) + c2.shape, lambda b, r: (0, 0)),
            pl.BlockSpec(ah.shape, lambda b, r: (0, 0)),
            pl.BlockSpec((1,) + ch.shape, lambda b, r: (0, 0)),
            pl.BlockSpec(af.shape, lambda b, r: (0, 0)),
            pl.BlockSpec((1,) + cf.shape, lambda b, r: (0, 0)),
        ],
        out_specs=pl.BlockSpec((1, RC, 128), lambda b, r: (b, r, 0)),
        out_shape=jax.ShapeDtypeStruct((B, N, 128), jnp.float32),
    )(xyz, l1_xyz, l1_up, a1, c1[None], a2, c2[None], ah, ch[None], af,
      cf[None])
    return out[..., :3], out[..., 3:6]



def _mask_body(new_ref, xyz_ref, out_ref, *, radii):
    new = new_ref[0]
    xyz = xyz_ref[0]
    N = xyz.shape[0]
    N8 = N // 8
    nb = len(radii)
    d = (jnp.sum(new * new, -1, keepdims=True)
         + jnp.sum(xyz * xyz, -1)[None, :]
         - 2.0 * lax.dot_general(new, xyz, (((1,), (1,)), ((), ())),
                                 preferred_element_type=jnp.float32))
    b = jnp.zeros(d.shape, jnp.int32)
    for bi, r in enumerate(radii):
        b = b + jnp.where(d > r * r, 0, 1 << bi)
    w = b[:, :N8]
    for u in range(1, 8):
        w = w | (b[:, u * N8:(u + 1) * N8] << (nb * u))
    out_ref[0] = w


def _radius_masks(new_xyz, xyz, radii):
    B, S, _ = new_xyz.shape
    N = xyz.shape[1]
    R = min(S, 128)
    return pl.pallas_call(
        functools.partial(_mask_body, radii=radii),
        grid=(B, S // R),
        in_specs=[
            pl.BlockSpec((1, R, 3), lambda b, s: (b, s, 0)),
            pl.BlockSpec((1, N, 3), lambda b, s: (b, 0, 0)),
        ],
        out_specs=pl.BlockSpec((1, R, N // 8), lambda b, s: (b, s, 0)),
        out_shape=jax.ShapeDtypeStruct((B, S, N // 8), jnp.int32),
    )(new_xyz, xyz)


def _sc_info():
    info = plsc.get_sparse_core_info()
    return info.num_cores, info.num_subcores


def _sc_ball_compact(mw_flat, B, S, N, Ks):
    NC, NS = _sc_info()
    NW = NC * NS
    G = (B * S) // 16
    GPW = G // NW
    GPS = S // 16
    N8 = N // 8
    nb = len(Ks)
    mesh = plsc.VectorSubcoreMesh(core_axis_name="c", subcore_axis_name="s")
    sds = jax.ShapeDtypeStruct
    scratch = [pltpu.VMEM((N8 * 16,), jnp.int32)]
    scratch += [pltpu.VMEM((16, K), jnp.int32) for K in Ks]

    @functools.partial(
        pl.kernel, mesh=mesh,
        out_type=tuple(sds((B * S, K), jnp.int32) for K in Ks),
        scratch_types=scratch,
        compiler_params=pltpu.CompilerParams(needs_layout_passes=False))
    def k(mw_hbm, *refs):
        outs = refs[:len(Ks)]
        mwv = refs[len(Ks)]
        bufs = refs[len(Ks) + 1:]
        wid = lax.axis_index("s") * NC + lax.axis_index("c")
        iota16 = lax.iota(jnp.int32, 16)
        zero16 = jnp.zeros((16,), jnp.int32)
        rowbase = iota16 * N8

        def group_body(gi, _):
            g = wid * GPW + gi
            b = g // GPS
            pltpu.sync_copy(mw_hbm.at[pl.ds(g * 16 * N8, 16 * N8)], mwv)
            base_val = b * N

            def ubody(u, offs):
                base_u = base_val + u * N8
                shift = nb * u

                def jbody(jw, offs):
                    mv = plsc.load_gather(mwv, [rowbase + jw]) >> shift
                    val = zero16 + (base_u + jw)
                    new_offs = []
                    for bi, K in enumerate(Ks):
                        m = (mv & (1 << bi)) != 0
                        can = m & (offs[bi] < K)
                        col = jnp.minimum(offs[bi], K - 1)
                        plsc.store_scatter(bufs[bi], [iota16, col], val,
                                           mask=can)
                        new_offs.append(offs[bi] + jnp.where(can, 1, 0))
                    return tuple(new_offs)

                return lax.fori_loop(0, N8, jbody, offs)

            offs = lax.fori_loop(0, 8, ubody,
                                 tuple(zero16 for _ in Ks))
            for bi, K in enumerate(Ks):
                first0 = plsc.load_gather(bufs[bi], [iota16, zero16])

                def fbody(kk, _, bi=bi, K=K, first0=first0):
                    need = offs[bi] <= kk
                    plsc.store_scatter(bufs[bi], [iota16, zero16 + kk],
                                       first0, mask=need)
                    return 0

                lax.fori_loop(1, K, fbody, 0)
                pltpu.sync_copy(bufs[bi], outs[bi].at[pl.ds(g * 16, 16)])
            return 0

        lax.fori_loop(0, GPW, group_body, 0)

    return k(mw_flat)


def _sc_gather_rows(table, idx):
    NC, NS = _sc_info()
    NW = NC * NS
    M = idx.shape[0]
    D = table.shape[1]
    m_per_w = M // NW
    ch = m_per_w
    while ch * D * 4 > 260000 or ch > 4096:
        ch //= 2
    nch = m_per_w // ch
    mesh = plsc.VectorSubcoreMesh(core_axis_name="c", subcore_axis_name="s")

    @functools.partial(
        pl.kernel, mesh=mesh,
        out_type=jax.ShapeDtypeStruct((M, D), jnp.float32),
        scratch_types=[pltpu.VMEM((ch,), jnp.int32),
                       pltpu.VMEM((ch, D), jnp.float32),
                       pltpu.SemaphoreType.DMA],
        compiler_params=pltpu.CompilerParams(needs_layout_passes=False,
                                             use_tc_tiling_on_sc=False))
    def k(table_hbm, idx_hbm, out_hbm, idx_v, rows_v, sem):
        wid = lax.axis_index("s") * NC + lax.axis_index("c")
        base = wid * m_per_w

        def body(c, _):
            off = base + c * ch
            pltpu.sync_copy(idx_hbm.at[pl.ds(off, ch)], idx_v)
            pltpu.async_copy(table_hbm.at[idx_v], rows_v, sem).wait()
            pltpu.sync_copy(rows_v, out_hbm.at[pl.ds(off, ch)])
            return 0

        lax.fori_loop(0, nch, body, 0)

    return k(table, idx)


def _sa1_mlp_body(g_ref, new_ref, a1, c1, a2, c2, a3, c3, out_ref, *, K):
    RK = g_ref.shape[0]
    R = RK // K
    new = new_ref[...]
    t = g_ref[...].reshape(R, K, 16)[:, :, :3] - new[:, None, :]
    h = t.reshape(RK, 3)
    h = jnp.maximum(jnp.dot(h, a1[...], preferred_element_type=jnp.float32)
                    + c1[...][0], 0.0)
    h = jnp.maximum(jnp.dot(h, a2[...], preferred_element_type=jnp.float32)
                    + c2[...][0], 0.0)
    h = jnp.maximum(jnp.dot(h, a3[...], preferred_element_type=jnp.float32)
                    + c3[...][0], 0.0)
    out_ref[...] = jnp.max(h.reshape(R, K, h.shape[-1]), axis=1)


def _sa1_branch_mlp(gathered, new_flat, K, layers):
    BS = new_flat.shape[0]
    a1, c1, a2, c2, a3, c3 = _fuse_mlp(layers)
    cout = a3.shape[1]
    R = 64
    return pl.pallas_call(
        functools.partial(_sa1_mlp_body, K=K),
        grid=(BS // R,),
        in_specs=[
            pl.BlockSpec((R * K, 16), lambda i: (i, 0)),
            pl.BlockSpec((R, 3), lambda i: (i, 0)),
            pl.BlockSpec(a1.shape, lambda i: (0, 0)),
            pl.BlockSpec((1,) + c1.shape, lambda i: (0, 0)),
            pl.BlockSpec(a2.shape, lambda i: (0, 0)),
            pl.BlockSpec((1,) + c2.shape, lambda i: (0, 0)),
            pl.BlockSpec(a3.shape, lambda i: (0, 0)),
            pl.BlockSpec((1,) + c3.shape, lambda i: (0, 0)),
        ],
        out_specs=pl.BlockSpec((R, cout), lambda i: (i, 0)),
        out_shape=jax.ShapeDtypeStruct((BS, cout), jnp.float32),
    )(gathered, new_flat, a1, c1[None], a2, c2[None], a3, c3[None])


def _sa2_tables_body(pts_ref, xyz_ref, a1_b1, c1_b1, a1_b2, c1_b2, t1_ref,
                     t2_ref):
    BN = t1_ref.shape[0]
    h = jnp.concatenate([pts_ref[...], xyz_ref[...]], axis=-1)
    h = h.reshape(BN, h.shape[-1])
    t1_ref[...] = jnp.dot(h, a1_b1[...], preferred_element_type=jnp.float32) \
        + c1_b1[...][0]
    t2_ref[...] = jnp.dot(h, a1_b2[...], preferred_element_type=jnp.float32) \
        + c1_b2[...][0]


def _sa2_tables(points, xyz, a1_b1, c1_b1, a1_b2, c1_b2):
    B, N, CF = points.shape
    cout = a1_b1.shape[1]
    sds = jax.ShapeDtypeStruct
    return pl.pallas_call(
        _sa2_tables_body,
        out_shape=(sds((B * N, cout), jnp.float32),
                   sds((B * N, cout), jnp.float32)),
    )(points, xyz, a1_b1, c1_b1[None], a1_b2, c1_b2[None])


def _sa2_mlp_body(g_ref, new_ref, a1x, a2, c2, a3, c3, out_ref, *, K):
    RK = g_ref.shape[0]
    R = RK // K
    ca = jnp.dot(new_ref[...], a1x[...], preferred_element_type=jnp.float32)
    h = g_ref[...].reshape(R, K, g_ref.shape[-1]) - ca[:, None, :]
    h = jnp.maximum(h.reshape(RK, h.shape[-1]), 0.0)
    h = jnp.maximum(jnp.dot(h, a2[...], preferred_element_type=jnp.float32)
                    + c2[...][0], 0.0)
    h = jnp.maximum(jnp.dot(h, a3[...], preferred_element_type=jnp.float32)
                    + c3[...][0], 0.0)
    out_ref[...] = jnp.max(h.reshape(R, K, h.shape[-1]), axis=1)


def _sa2_branch_mlp(gathered, new_flat, K, a1x, a2, c2, a3, c3):
    BS = new_flat.shape[0]
    C1 = gathered.shape[1]
    cout = a3.shape[1]
    R = 32
    return pl.pallas_call(
        functools.partial(_sa2_mlp_body, K=K),
        grid=(BS // R,),
        in_specs=[
            pl.BlockSpec((R * K, C1), lambda i: (i, 0)),
            pl.BlockSpec((R, 3), lambda i: (i, 0)),
            pl.BlockSpec(a1x.shape, lambda i: (0, 0)),
            pl.BlockSpec(a2.shape, lambda i: (0, 0)),
            pl.BlockSpec((1,) + c2.shape, lambda i: (0, 0)),
            pl.BlockSpec(a3.shape, lambda i: (0, 0)),
            pl.BlockSpec((1,) + c3.shape, lambda i: (0, 0)),
        ],
        out_specs=pl.BlockSpec((R, cout), lambda i: (i, 0)),
        out_shape=jax.ShapeDtypeStruct((BS, cout), jnp.float32),
    )(gathered, new_flat, a1x, a2, c2[None], a3, c3[None])


def _sa_msg_sc(xyz, points, new_xyz, radii, Ks, branch_params):
    B, N, _ = xyz.shape
    S = new_xyz.shape[1]
    BS = B * S
    mw = _radius_masks(new_xyz, xyz, radii)
    gidx = _sc_ball_compact(mw.reshape(B * S * (N // 8)), B, S, N, Ks)
    new_flat = new_xyz.reshape(BS, 3)
    Ksum = sum(Ks)
    outs = []
    if points is None:
        all_idx = jnp.concatenate(gidx, axis=1).reshape(-1)
        table = jnp.pad(xyz.reshape(B * N, 3), ((0, 0), (0, 13)))
        rows = _sc_gather_rows(table, all_idx)
        rows3 = rows.reshape(BS, Ksum, rows.shape[-1])
        col = 0
        for K, layers in zip(Ks, branch_params):
            gr = rows3[:, col:col + K, :].reshape(BS * K, rows.shape[-1])
            col += K
            outs.append(_sa1_branch_mlp(gr, new_flat, K, layers))
    else:
        CF = points.shape[-1]
        fused = [_fuse_mlp(layers) for layers in branch_params]
        t1, t2 = _sa2_tables(points, xyz, fused[0][0], fused[0][1],
                             fused[1][0], fused[1][1])
        all_idx = jnp.concatenate([gidx[0], gidx[1] + B * N],
                                  axis=1).reshape(-1)
        table = jnp.concatenate([t1, t2], axis=0)
        rows = _sc_gather_rows(table, all_idx)
        rows3 = rows.reshape(BS, Ksum, rows.shape[-1])
        col = 0
        for K, fl in zip(Ks, fused):
            gr = rows3[:, col:col + K, :].reshape(BS * K, rows.shape[-1])
            col += K
            a1x = fl[0][CF:CF + 3]
            outs.append(_sa2_branch_mlp(gr, new_flat, K, a1x,
                                        fl[2], fl[3], fl[4], fl[5]))
    return jnp.concatenate(outs, -1).reshape(B, S, -1)



def kernel(xyz, params):
    _, l1_xyz = _fps_pallas(xyz, 512)
    l1_points = _sa_msg_sc(xyz, None, l1_xyz, (0.1, 0.2, 0.4),
                           (32, 64, 128), params['sa1'])
    _, l2_xyz = _fps_pallas(l1_xyz, 128)
    l2_points = _sa_msg_sc(l1_xyz, l1_points, l2_xyz, (0.4, 0.8),
                           (64, 128), params['sa2'])
    l3_points = _sa3_pallas(l2_xyz, l2_points, params['sa3'])
    l2_up = _fp3_pallas(l2_points, l3_points, params['fp3'])
    l1_up = _fp2_pallas(l1_xyz, l2_xyz, l1_points, l2_up, params['fp2'])
    seg_logits, coords = _fp1_head_pallas(xyz, l1_xyz, l1_up, params['fp1'],
                                          params['head'], params['conv2'],
                                          params['coord'])
    return seg_logits, coords

# --- scband reference (transcript-rebuilt; emitter-appended) ---
"""Pipeline reference for scband-point-net2-seg-15496242004851 (READ-ONLY COPY).

The authoritative reference and input builder live on the scoring server;
editing this copy changes nothing except your own understanding.
"""

import jax, jax.numpy as jnp
import numpy as np

BN_EPS = 1e-5

def square_distance(src, dst):
    return (jnp.sum(src ** 2, -1)[:, :, None] + jnp.sum(dst ** 2, -1)[:, None, :]
            - 2.0 * jnp.einsum('bnc,bmc->bnm', src, dst))

def index_points(points, idx):
    return jax.vmap(lambda p, i: p[i])(points, idx)

def farthest_point_sample(xyz, npoint):
    xyz = jax.lax.stop_gradient(xyz)
    B, N, _ = xyz.shape
    def body(i, carry):
        centroids, distance, farthest = carry
        centroids = centroids.at[:, i].set(farthest)
        centroid = jnp.take_along_axis(xyz, farthest[:, None, None], axis=1)
        dist = jnp.sum((xyz - centroid) ** 2, -1)
        distance = jnp.minimum(distance, dist)
        farthest = jnp.argmax(distance, -1).astype(jnp.int32)
        return centroids, distance, farthest
    centroids = jnp.zeros((B, npoint), jnp.int32)
    distance = jnp.full((B, N), 1e10, jnp.float32)
    farthest = jnp.zeros((B,), jnp.int32)
    centroids, _, _ = jax.lax.fori_loop(0, npoint, body, (centroids, distance, farthest))
    return centroids

def query_ball_point(radius, nsample, xyz, new_xyz):
    B, N, _ = xyz.shape
    S = new_xyz.shape[1]
    sqrdists = jax.lax.stop_gradient(square_distance(new_xyz, xyz))
    group_idx = jnp.broadcast_to(jnp.arange(N, dtype=jnp.int32)[None, None, :], (B, S, N))
    group_idx = jnp.where(sqrdists > radius ** 2, N, group_idx)
    group_idx = jnp.sort(group_idx, axis=-1)[:, :, :nsample]
    group_first = jnp.broadcast_to(group_idx[:, :, :1], group_idx.shape)
    group_idx = jnp.where(group_idx == N, group_first, group_idx)
    return group_idx

def apply_layer(x, layer):
    h = jnp.einsum('...i,oi->...o', x, layer['W']) + layer['b']
    h = h * (layer['gamma'] / jnp.sqrt(1.0 + BN_EPS)) + layer['beta']
    return jax.nn.relu(h)

def sa_msg(xyz, points, npoint, radius_list, nsample_list, branch_params):
    fps_idx = farthest_point_sample(xyz, npoint)
    new_xyz = index_points(xyz, fps_idx)
    outs = []
    for radius, K, layers in zip(radius_list, nsample_list, branch_params):
        group_idx = query_ball_point(radius, K, xyz, new_xyz)
        grouped_xyz = index_points(xyz, group_idx) - new_xyz[:, :, None, :]
        if points is not None:
            h = jnp.concatenate([index_points(points, group_idx), grouped_xyz], -1)
        else:
            h = grouped_xyz
        for layer in layers:
            h = apply_layer(h, layer)
        outs.append(jnp.max(h, axis=2))
    return new_xyz, jnp.concatenate(outs, -1)

def sa_group_all(xyz, points, layers):
    B, N, _ = xyz.shape
    new_xyz = jnp.zeros((B, 1, 3), jnp.float32)
    h = jnp.concatenate([xyz[:, None, :, :], points[:, None, :, :]], -1)
    for layer in layers:
        h = apply_layer(h, layer)
    return new_xyz, jnp.max(h, axis=2)

def fp_module(xyz1, xyz2, points1, points2, layers):
    B, N, _ = xyz1.shape
    S = xyz2.shape[1]
    if S == 1:
        interpolated = jnp.broadcast_to(points2, (B, N, points2.shape[-1]))
    else:
        dists = square_distance(xyz1, xyz2)
        idx = jnp.argsort(jax.lax.stop_gradient(dists), axis=-1)[:, :, :3]
        d = jnp.maximum(jnp.take_along_axis(dists, idx, axis=-1), 0.0)
        dist_recip = 1.0 / (d + 1e-8)
        norm = jnp.sum(dist_recip, -1, keepdims=True)
        weight = dist_recip / norm
        interpolated = jnp.sum(index_points(points2, idx) * weight[..., None], axis=2)
    if points1 is not None:
        h = jnp.concatenate([points1, interpolated], -1)
    else:
        h = interpolated
    for layer in layers:
        h = apply_layer(h, layer)
    return h

def pointnet2_forward(xyz, params):
    l1_xyz, l1_points = sa_msg(xyz, None, 512, (0.1, 0.2, 0.4), (32, 64, 128), params['sa1'])
    l2_xyz, l2_points = sa_msg(l1_xyz, l1_points, 128, (0.4, 0.8), (64, 128), params['sa2'])
    l3_xyz, l3_points = sa_group_all(l2_xyz, l2_points, params['sa3'])
    l2_up = fp_module(l2_xyz, l3_xyz, l2_points, l3_points, params['fp3'])
    l1_up = fp_module(l1_xyz, l2_xyz, l1_points, l2_up, params['fp2'])
    l0_up = fp_module(xyz, l1_xyz, xyz, l1_up, params['fp1'])
    h = l0_up
    for layer in params['head']:
        h = apply_layer(h, layer)
    seg_logits = jnp.einsum('bnc,oc->bno', h, params['conv2']['W']) + params['conv2']['b']
    coords = jnp.einsum('bnc,oc->bno', h, params['coord']['W']) + params['coord']['b']
    return seg_logits, coords

def init_params(key):
    keys = jax.random.split(key, 12)
    def lin(k, cin, cout):
        return {'W': (jax.random.normal(k, (cout, cin), dtype=jnp.float32) * (1.0 / np.sqrt(cin))),
                'b': jnp.zeros((cout,), jnp.float32)}
    def layer(k, cin, cout):
        d = lin(k, cin, cout)
        d['gamma'] = jnp.ones((cout,), jnp.float32)
        d['beta'] = jnp.zeros((cout,), jnp.float32)
        return d
    def mlp(k, cin, outs):
        ks = jax.random.split(k, len(outs))
        layers = []
        for kk, co in zip(ks, outs):
            layers.append(layer(kk, cin, co))
            cin = co
        return layers
    return {
        'sa1': [mlp(keys[0], 3, [32, 32, 64]), mlp(keys[1], 3, [64, 64, 128]), mlp(keys[2], 3, [64, 96, 128])],
        'sa2': [mlp(keys[3], 323, [128, 128, 256]), mlp(keys[4], 323, [128, 196, 256])],
        'sa3': mlp(keys[5], 515, [256, 512, 1024]),
        'fp3': mlp(keys[6], 1536, [256, 256]),
        'fp2': mlp(keys[7], 576, [256, 128]),
        'fp1': mlp(keys[8], 131, [128, 128]),
        'head': mlp(keys[9], 128, [128]),
        'conv2': lin(keys[10], 128, 3),
        'coord': lin(keys[11], 128, 3),
    }

def setup_inputs(seed: int = 0):
    key = jax.random.key(seed)
    k_x, k_p = jax.random.split(key)
    xyz = jax.random.uniform(k_x, (8, 4096, 3), dtype=jnp.float32)
    return {'xyz': xyz, 'params': init_params(k_p)}

def reference(xyz, params):
    return pointnet2_forward(xyz, params)

if __name__ == "__main__":
    import jax
    _d = setup_inputs()
    print(jax.jit(kernel)(*tuple(_d.values())))

</pallas_src>

<mosaic_0001>
#map = affine_map<(d0, d1) -> (0, 0)>
#map1 = affine_map<(d0, d1) -> (0)>
module attributes {stable_mosaic.version = 14 : i64} {
  func.func @k(%arg0: i32, %arg1: i32, %arg2: memref<8192x128xf32, #tpu.memory_space<hbm>>, %arg3: memref<196608xi32, #tpu.memory_space<hbm>>, %arg4: memref<196608x128xf32, #tpu.memory_space<hbm>>, %arg5: memref<384xi32, #tpu.memory_space<vmem>>, %arg6: memref<384x128xf32, #tpu.memory_space<vmem>>, %arg7: memref<!tpu.dma_semaphore, #tpu.memory_space<semaphore_mem>>) attributes {dimension_semantics = [#tpu.dimension_semantics<core_parallel>, #tpu.dimension_semantics<subcore_parallel>], iteration_bounds = array<i64: 2, 16>, scalar_prefetch = 0 : i64, scratch_operands = 3 : i64, tpu.core_type = #tpu.core_type<sc_vector_subcore>, window_params = [{transform_indices = #map}, {transform_indices = #map1}, {transform_indices = #map}]} {
    %mul3A = arith.constant 2 : i32
    %mul3A_0 = arith.muli %arg1, %mul3A : i32
    %add3A = arith.addi %mul3A_0, %arg0 : i32
    %mul3A_1 = arith.constant 6144 : i32
    %mul3A_2 = arith.muli %add3A, %mul3A_1 : i32
    %scan3A = arith.constant 0 : i32
    %scan3A_3 = arith.constant 0 : i32
    %scan3A_4 = arith.constant 16 : i32
    %scan3A_5 = arith.addi %scan3A_3, %scan3A_4 : i32
    %scan3A_6 = arith.constant 1 : i32
    %scan3A_7 = scf.for %scan3A_9 = %scan3A_3 to %scan3A_5 step %scan3A_6 iter_args(%scan3A_10 = %scan3A) -> (i32)  : i32 {
      %mul3A_11 = arith.constant 384 : i32
      %mul3A_12 = arith.muli %scan3A_9, %mul3A_11 : i32
      %add3A_13 = arith.addi %mul3A_2, %mul3A_12 : i32
      "tpu.region"() ({
        %run_scoped3A = tpu.sem_alloc : memref<!tpu.dma_semaphore, #tpu.memory_space<semaphore_mem>>
        %dma_start3A_19 = tpu.memref_slice %arg3[%add3A_13] : memref<196608xi32, #tpu.memory_space<hbm>> -> memref<384xi32, #tpu.memory_space<hbm>>
        %dma_start3A_20 = tpu.memref_slice %arg3[%add3A_13] : memref<196608xi32, #tpu.memory_space<hbm>> -> memref<384xi32, #tpu.memory_space<hbm>>
        tpu.enqueue_dma source(%dma_start3A_20 : memref<384xi32, #tpu.memory_space<hbm>>) target(%arg5 : memref<384xi32, #tpu.memory_space<vmem>>) target_semaphore(%run_scoped3A : memref<!tpu.dma_semaphore, #tpu.memory_space<semaphore_mem>>)
        %dma_wait3A_21 = tpu.memref_slice %arg3[%add3A_13] : memref<196608xi32, #tpu.memory_space<hbm>> -> memref<384xi32, #tpu.memory_space<hbm>>
        %dma_wait3A_22 = tpu.memref_slice %arg3[%add3A_13] : memref<196608xi32, #tpu.memory_space<hbm>> -> memref<384xi32, #tpu.memory_space<hbm>>
        tpu.wait_dma2 semaphore(%run_scoped3A : memref<!tpu.dma_semaphore, #tpu.memory_space<semaphore_mem>>) src(%dma_wait3A_22 : memref<384xi32, #tpu.memory_space<hbm>>) dst(%arg5 : memref<384xi32, #tpu.memory_space<vmem>>)
        tpu.yield
      }) : () -> ()
      %dma_start3A = arith.constant 0 : i32
      %dma_start3A_14 = arith.constant 0 : i32
      %dma_start3A_15 = tpu.memref_slice %arg2[%dma_start3A, %dma_start3A_14] : memref<8192x128xf32, #tpu.memory_space<hbm>> -> memref<8192x128xf32, #tpu.memory_space<hbm>>
      tpu.enqueue_indirect_dma source(%dma_start3A_15 : memref<8192x128xf32, #tpu.memory_space<hbm>>) target(%arg6 : memref<384x128xf32, #tpu.memory_space<vmem>>) offsets(%arg5 : memref<384xi32, #tpu.memory_space<vmem>>) semaphore(%arg7 : memref<!tpu.dma_semaphore, #tpu.memory_space<semaphore_mem>>)
      %dma_wait3A = arith.constant 0 : i32
      %dma_wait3A_16 = arith.constant 0 : i32
      %dma_wait3A_17 = tpu.memref_slice %arg2[%dma_wait3A, %dma_wait3A_16] : memref<8192x128xf32, #tpu.memory_space<hbm>> -> memref<8192x128xf32, #tpu.memory_space<hbm>>
      tpu.wait_indirect_dma semaphore(%arg7 : memref<!tpu.dma_semaphore, #tpu.memory_space<semaphore_mem>>) src(%dma_wait3A_17 : memref<8192x128xf32, #tpu.memory_space<hbm>>) dst(%arg6 : memref<384x128xf32, #tpu.memory_space<vmem>>)
      "tpu.region"() ({
        %run_scoped3A = tpu.sem_alloc : memref<!tpu.dma_semaphore, #tpu.memory_space<semaphore_mem>>
        %dma_start3A_19 = arith.constant 0 : i32
        %dma_start3A_20 = tpu.memref_slice %arg4[%add3A_13, %dma_start3A_19] : memref<196608x128xf32, #tpu.memory_space<hbm>> -> memref<384x128xf32, #tpu.memory_space<hbm>>
        %dma_start3A_21 = arith.constant 0 : i32
        %dma_start3A_22 = tpu.memref_slice %arg4[%add3A_13, %dma_start3A_21] : memref<196608x128xf32, #tpu.memory_space<hbm>> -> memref<384x128xf32, #tpu.memory_space<hbm>>
        tpu.enqueue_dma source(%arg6 : memref<384x128xf32, #tpu.memory_space<vmem>>) target(%dma_start3A_22 : memref<384x128xf32, #tpu.memory_space<hbm>>) target_semaphore(%run_scoped3A : memref<!tpu.dma_semaphore, #tpu.memory_space<semaphore_mem>>)
        %dma_wait3A_23 = arith.constant 0 : i32
        %dma_wait3A_24 = tpu.memref_slice %arg4[%add3A_13, %dma_wait3A_23] : memref<196608x128xf32, #tpu.memory_space<hbm>> -> memref<384x128xf32, #tpu.memory_space<hbm>>
        %dma_wait3A_25 = arith.constant 0 : i32
        %dma_wait3A_26 = tpu.memref_slice %arg4[%add3A_13, %dma_wait3A_25] : memref<196608x128xf32, #tpu.memory_space<hbm>> -> memref<384x128xf32, #tpu.memory_space<hbm>>
        tpu.wait_dma2 semaphore(%run_scoped3A : memref<!tpu.dma_semaphore, #tpu.memory_space<semaphore_mem>>) src(%arg6 : memref<384x128xf32, #tpu.memory_space<vmem>>) dst(%dma_wait3A_26 : memref<384x128xf32, #tpu.memory_space<hbm>>)
        tpu.yield
      }) : () -> ()
      %scan3A_18 = arith.constant 0 : i32
      scf.yield %scan3A_18 : i32
    }
    %scan3A_8 = arith.constant 16 : i32
    return
  }
}

#map = affine_map<(d0, d1) -> (0)>
#map1 = affine_map<(d0, d1) -> (0, 0)>
module attributes {stable_mosaic.version = 14 : i64} {
  func.func @k(%arg0: i32, %arg1: i32, %arg2: memref<2097152xi32, #tpu.memory_space<hbm>>, %arg3: memref<4096x32xi32, #tpu.memory_space<hbm>>, %arg4: memref<4096x64xi32, #tpu.memory_space<hbm>>, %arg5: memref<4096x128xi32, #tpu.memory_space<hbm>>, %arg6: memref<8192xi32, #tpu.memory_space<vmem>>, %arg7: memref<16x32xi32, #tpu.memory_space<vmem>>, %arg8: memref<16x64xi32, #tpu.memory_space<vmem>>, %arg9: memref<16x128xi32, #tpu.memory_space<vmem>>) attributes {dimension_semantics = [#tpu.dimension_semantics<core_parallel>, #tpu.dimension_semantics<subcore_parallel>], iteration_bounds = array<i64: 2, 16>, scalar_prefetch = 0 : i64, scratch_operands = 4 : i64, tpu.core_type = #tpu.core_type<sc_vector_subcore>, window_params = [{transform_indices = #map}, {transform_indices = #map1}, {transform_indices = #map1}, {transform_indices = #map1}]} {
    %mul3A = arith.constant 2 : i32
    %mul3A_0 = arith.muli %arg1, %mul3A : i32
    %add3A = arith.addi %mul3A_0, %arg0 : i32
    %iota3A = tpu.iota {dimensions = array<i32: 0>} : vector<16xi32>
    %broadcast_in_dim3A = arith.constant 0 : i32
    %broadcast_in_dim3A_1 = vector.broadcast %broadcast_in_dim3A : i32 to vector<16xi32>
    %mul3A_2 = arith.constant 512 : i32
    %mul3A_3 = vector.broadcast %mul3A_2 : i32 to vector<16xi32>
    %mul3A_4 = arith.muli %iota3A, %mul3A_3 : vector<16xi32>
    %scan3A = arith.constant 0 : i32
    %scan3A_5 = arith.constant 0 : i32
    %scan3A_6 = arith.constant 8 : i32
    %scan3A_7 = arith.addi %scan3A_5, %scan3A_6 : i32
    %scan3A_8 = arith.constant 1 : i32
    %scan3A_9 = scf.for %scan3A_11 = %scan3A_5 to %scan3A_7 step %scan3A_8 iter_args(%scan3A_12 = %scan3A) -> (i32)  : i32 {
      %mul3A_13 = arith.constant 8 : i32
      %mul3A_14 = arith.muli %add3A, %mul3A_13 : i32
      %add3A_15 = arith.addi %mul3A_14, %scan3A_11 : i32
      %jit3A = arith.constant 32 : i32
      %div3A = arith.divsi %add3A_15, %jit3A : i32
      %sign3A = arith.constant 0 : i32
      %sign3A_16 = arith.cmpi sgt, %add3A_15, %sign3A : i32
      %sign3A_17 = arith.extui %sign3A_16 : i1 to i32
      %sign3A_18 = arith.constant 0 : i32
      %sign3A_19 = arith.cmpi slt, %add3A_15, %sign3A_18 : i32
      %sign3A_20 = arith.extui %sign3A_19 : i1 to i32
      %sign3A_21 = arith.subi %sign3A_17, %sign3A_20 : i32
      %sign3A_22 = arith.constant 0 : i32
      %sign3A_23 = arith.cmpi sgt, %jit3A, %sign3A_22 : i32
      %sign3A_24 = arith.extui %sign3A_23 : i1 to i32
      %sign3A_25 = arith.constant 0 : i32
      %sign3A_26 = arith.cmpi slt, %jit3A, %sign3A_25 : i32
      %sign3A_27 = arith.extui %sign3A_26 : i1 to i32
      %sign3A_28 = arith.subi %sign3A_24, %sign3A_27 : i32
      %ne3A = arith.cmpi ne, %sign3A_21, %sign3A_28 : i32
      %rem3A = arith.remsi %add3A_15, %jit3A : i32
      %ne3A_29 = arith.constant 0 : i32
      %ne3A_30 = arith.cmpi ne, %rem3A, %ne3A_29 : i32
      %and3A = arith.andi %ne3A, %ne3A_30 : i1
      %sub3A = arith.constant 1 : i32
      %sub3A_31 = arith.subi %div3A, %sub3A : i32
      %select_n3A = arith.select %and3A, %sub3A_31, %div3A : i32
      %mul3A_32 = arith.constant 16 : i32
      %mul3A_33 = arith.muli %add3A_15, %mul3A_32 : i32
      %mul3A_34 = arith.constant 512 : i32
      %mul3A_35 = arith.muli %mul3A_33, %mul3A_34 : i32
      "tpu.region"() ({
        %run_scoped3A = tpu.sem_alloc : memref<!tpu.dma_semaphore, #tpu.memory_space<semaphore_mem>>
        %dma_start3A = tpu.memref_slice %arg2[%mul3A_35] : memref<2097152xi32, #tpu.memory_space<hbm>> -> memref<8192xi32, #tpu.memory_space<hbm>>
        %dma_start3A_74 = tpu.memref_slice %arg2[%mul3A_35] : memref<2097152xi32, #tpu.memory_space<hbm>> -> memref<8192xi32, #tpu.memory_space<hbm>>
        tpu.enqueue_dma source(%dma_start3A_74 : memref<8192xi32, #tpu.memory_space<hbm>>) target(%arg6 : memref<8192xi32, #tpu.memory_space<vmem>>) target_semaphore(%run_scoped3A : memref<!tpu.dma_semaphore, #tpu.memory_space<semaphore_mem>>)
        %dma_wait3A = tpu.memref_slice %arg2[%mul3A_35] : memref<2097152xi32, #tpu.memory_space<hbm>> -> memref<8192xi32, #tpu.memory_space<hbm>>
        %dma_wait3A_75 = tpu.memref_slice %arg2[%mul3A_35] : memref<2097152xi32, #tpu.memory_space<hbm>> -> memref<8192xi32, #tpu.memory_space<hbm>>
        tpu.wait_dma2 semaphore(%run_scoped3A : memref<!tpu.dma_semaphore, #tpu.memory_space<semaphore_mem>>) src(%dma_wait3A_75 : memref<8192xi32, #tpu.memory_space<hbm>>) dst(%arg6 : memref<8192xi32, #tpu.memory_space<vmem>>)
        tpu.yield
      }) : () -> ()
      %mul3A_36 = arith.constant 4096 : i32
      %mul3A_37 = arith.muli %select_n3A, %mul3A_36 : i32
      %scan3A_38 = arith.constant 0 : i32
      %scan3A_39 = arith.constant 8 : i32
      %scan3A_40 = arith.addi %scan3A_38, %scan3A_39 : i32
      %scan3A_41 = arith.constant 1 : i32
      %scan3A_42:3 = scf.for %scan3A_74 = %scan3A_38 to %scan3A_40 step %scan3A_41 iter_args(%scan3A_75 = %broadcast_in_dim3A_1, %scan3A_76 = %broadcast_in_dim3A_1, %scan3A_77 = %broadcast_in_dim3A_1) -> (vector<16xi32>, vector<16xi32>, vector<16xi32>)  : i32 {
        %mul3A_78 = arith.constant 512 : i32
        %mul3A_79 = arith.muli %scan3A_74, %mul3A_78 : i32
        %add3A_80 = arith.addi %mul3A_37, %mul3A_79 : i32
        %mul3A_81 = arith.constant 3 : i32
        %mul3A_82 = arith.muli %mul3A_81, %scan3A_74 : i32
        %scan3A_83 = arith.constant 0 : i32
        %scan3A_84 = arith.constant 512 : i32
        %scan3A_85 = arith.addi %scan3A_83, %scan3A_84 : i32
        %scan3A_86 = arith.constant 1 : i32
        %scan3A_87:3 = scf.for %scan3A_89 = %scan3A_83 to %scan3A_85 step %scan3A_86 iter_args(%scan3A_90 = %scan3A_75, %scan3A_91 = %scan3A_76, %scan3A_92 = %scan3A_77) -> (vector<16xi32>, vector<16xi32>, vector<16xi32>)  : i32 {
          %add3A_93 = vector.broadcast %scan3A_89 : i32 to vector<16xi32>
          %add3A_94 = arith.addi %mul3A_4, %add3A_93 : vector<16xi32>
          %gather3A_95 = tpu.vector_load_idx %arg6[%add3A_94] : memref<8192xi32, #tpu.memory_space<vmem>>[vector<16xi32>], vector<16xi32>,
          %shift_right_arithmetic3A = vector.broadcast %mul3A_82 : i32 to vector<16xi32>
          %shift_right_arithmetic3A_96 = arith.shrsi %gather3A_95, %shift_right_arithmetic3A : vector<16xi32>
          %add3A_97 = arith.addi %add3A_80, %scan3A_89 : i32
          %add3A_98 = vector.broadcast %add3A_97 : i32 to vector<16xi32>
          %add3A_99 = arith.addi %broadcast_in_dim3A_1, %add3A_98 : vector<16xi32>
          %and3A_100 = arith.constant 1 : i32
          %and3A_101 = vector.broadcast %and3A_100 : i32 to vector<16xi32>
          %and3A_102 = arith.andi %shift_right_arithmetic3A_96, %and3A_101 : vector<16xi32>
          %ne3A_103 = arith.constant 0 : i32
          %ne3A_104 = vector.broadcast %ne3A_103 : i32 to vector<16xi32>
          %ne3A_105 = arith.cmpi ne, %and3A_102, %ne3A_104 : vector<16xi32>
          %lt3A = arith.constant 32 : i32
          %lt3A_106 = vector.broadcast %lt3A : i32 to vector<16xi32>
          %lt3A_107 = arith.cmpi slt, %scan3A_90, %lt3A_106 : vector<16xi32>
          %and3A_108 = arith.andi %ne3A_105, %lt3A_107 : vector<16xi1>
          %min3A = arith.constant 31 : i32
          %min3A_109 = vector.broadcast %min3A : i32 to vector<16xi32>
          %min3A_110 = arith.minsi %scan3A_90, %min3A_109 : vector<16xi32>
          tpu.vector_store_idx %arg7[%iota3A, %min3A_110], %add3A_99 masked %and3A_108 : memref<16x32xi32, #tpu.memory_space<vmem>>[vector<16xi32>, vector<16xi32>], vector<16xi32>, vector<16xi1>
          %jit3A_111 = arith.constant 1 : i32
          %jit3A_112 = arith.constant 0 : i32
          %broadcast_in_dim3A_113 = vector.broadcast %jit3A_111 : i32 to vector<16xi32>
          %broadcast_in_dim3A_114 = vector.broadcast %jit3A_112 : i32 to vector<16xi32>
          %select_n3A_115 = arith.select %and3A_108, %broadcast_in_dim3A_113, %broadcast_in_dim3A_114 : vector<16xi1>, vector<16xi32>
          %add3A_116 = arith.addi %scan3A_90, %select_n3A_115 : vector<16xi32>
          %and3A_117 = arith.constant 2 : i32
          %and3A_118 = vector.broadcast %and3A_117 : i32 to vector<16xi32>
          %and3A_119 = arith.andi %shift_right_arithmetic3A_96, %and3A_118 : vector<16xi32>
          %ne3A_120 = arith.constant 0 : i32
          %ne3A_121 = vector.broadcast %ne3A_120 : i32 to vector<16xi32>
          %ne3A_122 = arith.cmpi ne, %and3A_119, %ne3A_121 : vector<16xi32>
          %lt3A_123 = arith.constant 64 : i32
          %lt3A_124 = vector.broadcast %lt3A_123 : i32 to vector<16xi32>
          %lt3A_125 = arith.cmpi slt, %scan3A_91, %lt3A_124 : vector<16xi32>
          %and3A_126 = arith.andi %ne3A_122, %lt3A_125 : vector<16xi1>
          %min3A_127 = arith.constant 63 : i32
          %min3A_128 = vector.broadcast %min3A_127 : i32 to vector<16xi32>
          %min3A_129 = arith.minsi %scan3A_91, %min3A_128 : vector<16xi32>
          tpu.vector_store_idx %arg8[%iota3A, %min3A_129], %add3A_99 masked %and3A_126 : memref<16x64xi32, #tpu.memory_space<vmem>>[vector<16xi32>, vector<16xi32>], vector<16xi32>, vector<16xi1>
          %jit3A_130 = arith.constant 1 : i32
          %jit3A_131 = arith.constant 0 : i32
          %broadcast_in_dim3A_132 = vector.broadcast %jit3A_130 : i32 to vector<16xi32>
          %broadcast_in_dim3A_133 = vector.broadcast %jit3A_131 : i32 to vector<16xi32>
          %select_n3A_134 = arith.select %and3A_126, %broadcast_in_dim3A_132, %broadcast_in_dim3A_133 : vector<16xi1>, vector<16xi32>
          %add3A_135 = arith.addi %scan3A_91, %select_n3A_134 : vector<16xi32>
          %and3A_136 = arith.constant 4 : i32
          %and3A_137 = vector.broadcast %and3A_136 : i32 to vector<16xi32>
          %and3A_138 = arith.andi %shift_right_arithmetic3A_96, %and3A_137 : vector<16xi32>
          %ne3A_139 = arith.constant 0 : i32
          %ne3A_140 = vector.broadcast %ne3A_139 : i32 to vector<16xi32>
          %ne3A_141 = arith.cmpi ne, %and3A_138, %ne3A_140 : vector<16xi32>
          %lt3A_142 = arith.constant 128 : i32
          %lt3A_143 = vector.broadcast %lt3A_142 : i32 to vector<16xi32>
          %lt3A_144 = arith.cmpi slt, %scan3A_92, %lt3A_143 : vector<16xi32>
          %and3A_145 = arith.andi %ne3A_141, %lt3A_144 : vector<16xi1>
          %min3A_146 = arith.constant 127 : i32
          %min3A_147 = vector.broadcast %min3A_146 : i32 to vector<16xi32>
          %min3A_148 = arith.minsi %scan3A_92, %min3A_147 : vector<16xi32>
          tpu.vector_store_idx %arg9[%iota3A, %min3A_148], %add3A_99 masked %and3A_145 : memref<16x128xi32, #tpu.memory_space<vmem>>[vector<16xi32>, vector<16xi32>], vector<16xi32>, vector<16xi1>
          %jit3A_149 = arith.constant 1 : i32
          %jit3A_150 = arith.constant 0 : i32
          %broadcast_in_dim3A_151 = vector.broadcast %jit3A_149 : i32 to vector<16xi32>
          %broadcast_in_dim3A_152 = vector.broadcast %jit3A_150 : i32 to vector<16xi32>
          %select_n3A_153 = arith.select %and3A_145, %broadcast_in_dim3A_151, %broadcast_in_dim3A_152 : vector<16xi1>, vector<16xi32>
          %add3A_154 = arith.addi %scan3A_92, %select_n3A_153 : vector<16xi32>
          scf.yield %add3A_116, %add3A_135, %add3A_154 : vector<16xi32>, vector<16xi32>, vector<16xi32>
        }
        %scan3A_88 = arith.constant 512 : i32
        scf.yield %scan3A_87#0, %scan3A_87#1, %scan3A_87#2 : vector<16xi32>, vector<16xi32>, vector<16xi32>
      }
      %scan3A_43 = arith.constant 8 : i32
      %gather3A = tpu.vector_load_idx %arg7[%iota3A, %broadcast_in_dim3A_1] : memref<16x32xi32, #tpu.memory_space<vmem>>[vector<16xi32>, vector<16xi32>], vector<16xi32>,
      %scan3A_44 = arith.constant 0 : i32
      %scan3A_45 = arith.constant 1 : i32
      %scan3A_46 = arith.constant 31 : i32
      %scan3A_47 = arith.addi %scan3A_45, %scan3A_46 : i32
      %scan3A_48 = arith.constant 1 : i32
      %scan3A_49 = scf.for %scan3A_74 = %scan3A_45 to %scan3A_47 step %scan3A_48 iter_args(%scan3A_75 = %scan3A_44) -> (i32)  : i32 {
        %le3A = vector.broadcast %scan3A_74 : i32 to vector<16xi32>
        %le3A_76 = arith.cmpi sle, %scan3A_42#0, %le3A : vector<16xi32>
        %add3A_77 = vector.broadcast %scan3A_74 : i32 to vector<16xi32>
        %add3A_78 = arith.addi %broadcast_in_dim3A_1, %add3A_77 : vector<16xi32>
        tpu.vector_store_idx %arg7[%iota3A, %add3A_78], %gather3A masked %le3A_76 : memref<16x32xi32, #tpu.memory_space<vmem>>[vector<16xi32>, vector<16xi32>], vector<16xi32>, vector<16xi1>
        %scan3A_79 = arith.constant 0 : i32
        scf.yield %scan3A_79 : i32
      }
      %scan3A_50 = arith.constant 31 : i32
      %mul3A_51 = arith.constant 16 : i32
      %mul3A_52 = arith.muli %add3A_15, %mul3A_51 : i32
      "tpu.region"() ({
        %run_scoped3A = tpu.sem_alloc : memref<!tpu.dma_semaphore, #tpu.memory_space<semaphore_mem>>
        %dma_start3A = arith.constant 0 : i32
        %dma_start3A_74 = tpu.memref_slice %arg3[%mul3A_52, %dma_start3A] : memref<4096x32xi32, #tpu.memory_space<hbm>> -> memref<16x32xi32, #tpu.memory_space<hbm>>
        %dma_start3A_75 = arith.constant 0 : i32
        %dma_start3A_76 = tpu.memref_slice %arg3[%mul3A_52, %dma_start3A_75] : memref<4096x32xi32, #tpu.memory_space<hbm>> -> memref<16x32xi32, #tpu.memory_space<hbm>>
        tpu.enqueue_dma source(%arg7 : memref<16x32xi32, #tpu.memory_space<vmem>>) target(%dma_start3A_76 : memref<16x32xi32, #tpu.memory_space<hbm>>) target_semaphore(%run_scoped3A : memref<!tpu.dma_semaphore, #tpu.memory_space<semaphore_mem>>)
        %dma_wait3A = arith.constant 0 : i32
        %dma_wait3A_77 = tpu.memref_slice %arg3[%mul3A_52, %dma_wait3A] : memref<4096x32xi32, #tpu.memory_space<hbm>> -> memref<16x32xi32, #tpu.memory_space<hbm>>
        %dma_wait3A_78 = arith.constant 0 : i32
        %dma_wait3A_79 = tpu.memref_slice %arg3[%mul3A_52, %dma_wait3A_78] : memref<4096x32xi32, #tpu.memory_space<hbm>> -> memref<16x32xi32, #tpu.memory_space<hbm>>
        tpu.wait_dma2 semaphore(%run_scoped3A : memref<!tpu.dma_semaphore, #tpu.memory_space<semaphore_mem>>) src(%arg7 : memref<16x32xi32, #tpu.memory_space<vmem>>) dst(%dma_wait3A_79 : memref<16x32xi32, #tpu.memory_space<hbm>>)
        tpu.yield
      }) : () -> ()
      %gather3A_53 = tpu.vector_load_idx %arg8[%iota3A, %broadcast_in_dim3A_1] : memref<16x64xi32, #tpu.memory_space<vmem>>[vector<16xi32>, vector<16xi32>], vector<16xi32>,
      %scan3A_54 = arith.constant 0 : i32
      %scan3A_55 = arith.constant 1 : i32
      %scan3A_56 = arith.constant 63 : i32
      %scan3A_57 = arith.addi %scan3A_55, %scan3A_56 : i32
      %scan3A_58 = arith.constant 1 : i32
      %scan3A_59 = scf.for %scan3A_74 = %scan3A_55 to %scan3A_57 step %scan3A_58 iter_args(%scan3A_75 = %scan3A_54) -> (i32)  : i32 {
        %le3A = vector.broadcast %scan3A_74 : i32 to vector<16xi32>
        %le3A_76 = arith.cmpi sle, %scan3A_42#1, %le3A : vector<16xi32>
        %add3A_77 = vector.broadcast %scan3A_74 : i32 to vector<16xi32>
        %add3A_78 = arith.addi %broadcast_in_dim3A_1, %add3A_77 : vector<16xi32>
        tpu.vector_store_idx %arg8[%iota3A, %add3A_78], %gather3A_53 masked %le3A_76 : memref<16x64xi32, #tpu.memory_space<vmem>>[vector<16xi32>, vector<16xi32>], vector<16xi32>, vector<16xi1>
        %scan3A_79 = arith.constant 0 : i32
        scf.yield %scan3A_79 : i32
      }
      %scan3A_60 = arith.constant 63 : i32
      %mul3A_61 = arith.constant 16 : i32
      %mul3A_62 = arith.muli %add3A_15, %mul3A_61 : i32
      "tpu.region"() ({
        %run_scoped3A = tpu.sem_alloc : memref<!tpu.dma_semaphore, #tpu.memory_space<semaphore_mem>>
        %dma_start3A = arith.constant 0 : i32
        %dma_start3A_74 = tpu.memref_slice %arg4[%mul3A_62, %dma_start3A] : memref<4096x64xi32, #tpu.memory_space<hbm>> -> memref<16x64xi32, #tpu.memory_space<hbm>>
        %dma_start3A_75 = arith.constant 0 : i32
        %dma_start3A_76 = tpu.memref_slice %arg4[%mul3A_62, %dma_start3A_75] : memref<4096x64xi32, #tpu.memory_space<hbm>> -> memref<16x64xi32, #tpu.memory_space<hbm>>
        tpu.enqueue_dma source(%arg8 : memref<16x64xi32, #tpu.memory_space<vmem>>) target(%dma_start3A_76 : memref<16x64xi32, #tpu.memory_space<hbm>>) target_semaphore(%run_scoped3A : memref<!tpu.dma_semaphore, #tpu.memory_space<semaphore_mem>>)
        %dma_wait3A = arith.constant 0 : i32
        %dma_wait3A_77 = tpu.memref_slice %arg4[%mul3A_62, %dma_wait3A] : memref<4096x64xi32, #tpu.memory_space<hbm>> -> memref<16x64xi32, #tpu.memory_space<hbm>>
        %dma_wait3A_78 = arith.constant 0 : i32
        %dma_wait3A_79 = tpu.memref_slice %arg4[%mul3A_62, %dma_wait3A_78] : memref<4096x64xi32, #tpu.memory_space<hbm>> -> memref<16x64xi32, #tpu.memory_space<hbm>>
        tpu.wait_dma2 semaphore(%run_scoped3A : memref<!tpu.dma_semaphore, #tpu.memory_space<semaphore_mem>>) src(%arg8 : memref<16x64xi32, #tpu.memory_space<vmem>>) dst(%dma_wait3A_79 : memref<16x64xi32, #tpu.memory_space<hbm>>)
        tpu.yield
      }) : () -> ()
      %gather3A_63 = tpu.vector_load_idx %arg9[%iota3A, %broadcast_in_dim3A_1] : memref<16x128xi32, #tpu.memory_space<vmem>>[vector<16xi32>, vector<16xi32>], vector<16xi32>,
      %scan3A_64 = arith.constant 0 : i32
      %scan3A_65 = arith.constant 1 : i32
      %scan3A_66 = arith.constant 127 : i32
      %scan3A_67 = arith.addi %scan3A_65, %scan3A_66 : i32
      %scan3A_68 = arith.constant 1 : i32
      %scan3A_69 = scf.for %scan3A_74 = %scan3A_65 to %scan3A_67 step %scan3A_68 iter_args(%scan3A_75 = %scan3A_64) -> (i32)  : i32 {
        %le3A = vector.broadcast %scan3A_74 : i32 to vector<16xi32>
        %le3A_76 = arith.cmpi sle, %scan3A_42#2, %le3A : vector<16xi32>
        %add3A_77 = vector.broadcast %scan3A_74 : i32 to vector<16xi32>
        %add3A_78 = arith.addi %broadcast_in_dim3A_1, %add3A_77 : vector<16xi32>
        tpu.vector_store_idx %arg9[%iota3A, %add3A_78], %gather3A_63 masked %le3A_76 : memref<16x128xi32, #tpu.memory_space<vmem>>[vector<16xi32>, vector<16xi32>], vector<16xi32>, vector<16xi1>
        %scan3A_79 = arith.constant 0 : i32
        scf.yield %scan3A_79 : i32
      }
      %scan3A_70 = arith.constant 127 : i32
      %mul3A_71 = arith.constant 16 : i32
      %mul3A_72 = arith.muli %add3A_15, %mul3A_71 : i32
      "tpu.region"() ({
        %run_scoped3A = tpu.sem_alloc : memref<!tpu.dma_semaphore, #tpu.memory_space<semaphore_mem>>
        %dma_start3A = arith.constant 0 : i32
        %dma_start3A_74 = tpu.memref_slice %arg5[%mul3A_72, %dma_start3A] : memref<4096x128xi32, #tpu.memory_space<hbm>> -> memref<16x128xi32, #tpu.memory_space<hbm>>
        %dma_start3A_75 = arith.constant 0 : i32
        %dma_start3A_76 = tpu.memref_slice %arg5[%mul3A_72, %dma_start3A_75] : memref<4096x128xi32, #tpu.memory_space<hbm>> -> memref<16x128xi32, #tpu.memory_space<hbm>>
        tpu.enqueue_dma source(%arg9 : memref<16x128xi32, #tpu.memory_space<vmem>>) target(%dma_start3A_76 : memref<16x128xi32, #tpu.memory_space<hbm>>) target_semaphore(%run_scoped3A : memref<!tpu.dma_semaphore, #tpu.memory_space<semaphore_mem>>)
        %dma_wait3A = arith.constant 0 : i32
        %dma_wait3A_77 = tpu.memref_slice %arg5[%mul3A_72, %dma_wait3A] : memref<4096x128xi32, #tpu.memory_space<hbm>> -> memref<16x128xi32, #tpu.memory_space<hbm>>
        %dma_wait3A_78 = arith.constant 0 : i32
        %dma_wait3A_79 = tpu.memref_slice %arg5[%mul3A_72, %dma_wait3A_78] : memref<4096x128xi32, #tpu.memory_space<hbm>> -> memref<16x128xi32, #tpu.memory_space<hbm>>
        tpu.wait_dma2 semaphore(%run_scoped3A : memref<!tpu.dma_semaphore, #tpu.memory_space<semaphore_mem>>) src(%arg9 : memref<16x128xi32, #tpu.memory_space<vmem>>) dst(%dma_wait3A_79 : memref<16x128xi32, #tpu.memory_space<hbm>>)
        tpu.yield
      }) : () -> ()
      %scan3A_73 = arith.constant 0 : i32
      scf.yield %scan3A_73 : i32
    }
    %scan3A_10 = arith.constant 8 : i32
    return
  }
}

#map = affine_map<(d0, d1) -> (0)>
#map1 = affine_map<(d0, d1) -> (0, 0)>
module attributes {stable_mosaic.version = 14 : i64} {
  func.func @k(%arg0: i32, %arg1: i32, %arg2: memref<65536xi32, #tpu.memory_space<hbm>>, %arg3: memref<1024x64xi32, #tpu.memory_space<hbm>>, %arg4: memref<1024x128xi32, #tpu.memory_space<hbm>>, %arg5: memref<1024xi32, #tpu.memory_space<vmem>>, %arg6: memref<16x64xi32, #tpu.memory_space<vmem>>, %arg7: memref<16x128xi32, #tpu.memory_space<vmem>>) attributes {dimension_semantics = [#tpu.dimension_semantics<core_parallel>, #tpu.dimension_semantics<subcore_parallel>], iteration_bounds = array<i64: 2, 16>, scalar_prefetch = 0 : i64, scratch_operands = 3 : i64, tpu.core_type = #tpu.core_type<sc_vector_subcore>, window_params = [{transform_indices = #map}, {transform_indices = #map1}, {transform_indices = #map1}]} {
    %mul3A = arith.constant 2 : i32
    %mul3A_0 = arith.muli %arg1, %mul3A : i32
    %add3A = arith.addi %mul3A_0, %arg0 : i32
    %iota3A = tpu.iota {dimensions = array<i32: 0>} : vector<16xi32>
    %broadcast_in_dim3A = arith.constant 0 : i32
    %broadcast_in_dim3A_1 = vector.broadcast %broadcast_in_dim3A : i32 to vector<16xi32>
    %mul3A_2 = arith.constant 64 : i32
    %mul3A_3 = vector.broadcast %mul3A_2 : i32 to vector<16xi32>
    %mul3A_4 = arith.muli %iota3A, %mul3A_3 : vector<16xi32>
    %scan3A = arith.constant 0 : i32
    %scan3A_5 = arith.constant 0 : i32
    %scan3A_6 = arith.constant 2 : i32
    %scan3A_7 = arith.addi %scan3A_5, %scan3A_6 : i32
    %scan3A_8 = arith.constant 1 : i32
    %scan3A_9 = scf.for %scan3A_11 = %scan3A_5 to %scan3A_7 step %scan3A_8 iter_args(%scan3A_12 = %scan3A) -> (i32)  : i32 {
      %mul3A_13 = arith.constant 2 : i32
      %mul3A_14 = arith.muli %add3A, %mul3A_13 : i32
      %add3A_15 = arith.addi %mul3A_14, %scan3A_11 : i32
      %jit3A = arith.constant 8 : i32
      %div3A = arith.divsi %add3A_15, %jit3A : i32
      %sign3A = arith.constant 0 : i32
      %sign3A_16 = arith.cmpi sgt, %add3A_15, %sign3A : i32
      %sign3A_17 = arith.extui %sign3A_16 : i1 to i32
      %sign3A_18 = arith.constant 0 : i32
      %sign3A_19 = arith.cmpi slt, %add3A_15, %sign3A_18 : i32
      %sign3A_20 = arith.extui %sign3A_19 : i1 to i32
      %sign3A_21 = arith.subi %sign3A_17, %sign3A_20 : i32
      %sign3A_22 = arith.constant 0 : i32
      %sign3A_23 = arith.cmpi sgt, %jit3A, %sign3A_22 : i32
      %sign3A_24 = arith.extui %sign3A_23 : i1 to i32
      %sign3A_25 = arith.constant 0 : i32
      %sign3A_26 = arith.cmpi slt, %jit3A, %sign3A_25 : i32
      %sign3A_27 = arith.extui %sign3A_26 : i1 to i32
      %sign3A_28 = arith.subi %sign3A_24, %sign3A_27 : i32
      %ne3A = arith.cmpi ne, %sign3A_21, %sign3A_28 : i32
      %rem3A = arith.remsi %add3A_15, %jit3A : i32
      %ne3A_29 = arith.constant 0 : i32
      %ne3A_30 = arith.cmpi ne, %rem3A, %ne3A_29 : i32
      %and3A = arith.andi %ne3A, %ne3A_30 : i1
      %sub3A = arith.constant 1 : i32
      %sub3A_31 = arith.subi %div3A, %sub3A : i32
      %select_n3A = arith.select %and3A, %sub3A_31, %div3A : i32
      %mul3A_32 = arith.constant 16 : i32
      %mul3A_33 = arith.muli %add3A_15, %mul3A_32 : i32
      %mul3A_34 = arith.constant 64 : i32
      %mul3A_35 = arith.muli %mul3A_33, %mul3A_34 : i32
      "tpu.region"() ({
        %run_scoped3A = tpu.sem_alloc : memref<!tpu.dma_semaphore, #tpu.memory_space<semaphore_mem>>
        %dma_start3A = tpu.memref_slice %arg2[%mul3A_35] : memref<65536xi32, #tpu.memory_space<hbm>> -> memref<1024xi32, #tpu.memory_space<hbm>>
        %dma_start3A_64 = tpu.memref_slice %arg2[%mul3A_35] : memref<65536xi32, #tpu.memory_space<hbm>> -> memref<1024xi32, #tpu.memory_space<hbm>>
        tpu.enqueue_dma source(%dma_start3A_64 : memref<1024xi32, #tpu.memory_space<hbm>>) target(%arg5 : memref<1024xi32, #tpu.memory_space<vmem>>) target_semaphore(%run_scoped3A : memref<!tpu.dma_semaphore, #tpu.memory_space<semaphore_mem>>)
        %dma_wait3A = tpu.memref_slice %arg2[%mul3A_35] : memref<65536xi32, #tpu.memory_space<hbm>> -> memref<1024xi32, #tpu.memory_space<hbm>>
        %dma_wait3A_65 = tpu.memref_slice %arg2[%mul3A_35] : memref<65536xi32, #tpu.memory_space<hbm>> -> memref<1024xi32, #tpu.memory_space<hbm>>
        tpu.wait_dma2 semaphore(%run_scoped3A : memref<!tpu.dma_semaphore, #tpu.memory_space<semaphore_mem>>) src(%dma_wait3A_65 : memref<1024xi32, #tpu.memory_space<hbm>>) dst(%arg5 : memref<1024xi32, #tpu.memory_space<vmem>>)
        tpu.yield
      }) : () -> ()
      %mul3A_36 = arith.constant 512 : i32
      %mul3A_37 = arith.muli %select_n3A, %mul3A_36 : i32
      %scan3A_38 = arith.constant 0 : i32
      %scan3A_39 = arith.constant 8 : i32
      %scan3A_40 = arith.addi %scan3A_38, %scan3A_39 : i32
      %scan3A_41 = arith.constant 1 : i32
      %scan3A_42:2 = scf.for %scan3A_64 = %scan3A_38 to %scan3A_40 step %scan3A_41 iter_args(%scan3A_65 = %broadcast_in_dim3A_1, %scan3A_66 = %broadcast_in_dim3A_1) -> (vector<16xi32>, vector<16xi32>)  : i32 {
        %mul3A_67 = arith.constant 64 : i32
        %mul3A_68 = arith.muli %scan3A_64, %mul3A_67 : i32
        %add3A_69 = arith.addi %mul3A_37, %mul3A_68 : i32
        %mul3A_70 = arith.constant 2 : i32
        %mul3A_71 = arith.muli %mul3A_70, %scan3A_64 : i32
        %scan3A_72 = arith.constant 0 : i32
        %scan3A_73 = arith.constant 64 : i32
        %scan3A_74 = arith.addi %scan3A_72, %scan3A_73 : i32
        %scan3A_75 = arith.constant 1 : i32
        %scan3A_76:2 = scf.for %scan3A_78 = %scan3A_72 to %scan3A_74 step %scan3A_75 iter_args(%scan3A_79 = %scan3A_65, %scan3A_80 = %scan3A_66) -> (vector<16xi32>, vector<16xi32>)  : i32 {
          %add3A_81 = vector.broadcast %scan3A_78 : i32 to vector<16xi32>
          %add3A_82 = arith.addi %mul3A_4, %add3A_81 : vector<16xi32>
          %gather3A_83 = tpu.vector_load_idx %arg5[%add3A_82] : memref<1024xi32, #tpu.memory_space<vmem>>[vector<16xi32>], vector<16xi32>,
          %shift_right_arithmetic3A = vector.broadcast %mul3A_71 : i32 to vector<16xi32>
          %shift_right_arithmetic3A_84 = arith.shrsi %gather3A_83, %shift_right_arithmetic3A : vector<16xi32>
          %add3A_85 = arith.addi %add3A_69, %scan3A_78 : i32
          %add3A_86 = vector.broadcast %add3A_85 : i32 to vector<16xi32>
          %add3A_87 = arith.addi %broadcast_in_dim3A_1, %add3A_86 : vector<16xi32>
          %and3A_88 = arith.constant 1 : i32
          %and3A_89 = vector.broadcast %and3A_88 : i32 to vector<16xi32>
          %and3A_90 = arith.andi %shift_right_arithmetic3A_84, %and3A_89 : vector<16xi32>
          %ne3A_91 = arith.constant 0 : i32
          %ne3A_92 = vector.broadcast %ne3A_91 : i32 to vector<16xi32>
          %ne3A_93 = arith.cmpi ne, %and3A_90, %ne3A_92 : vector<16xi32>
          %lt3A = arith.constant 64 : i32
          %lt3A_94 = vector.broadcast %lt3A : i32 to vector<16xi32>
          %lt3A_95 = arith.cmpi slt, %scan3A_79, %lt3A_94 : vector<16xi32>
          %and3A_96 = arith.andi %ne3A_93, %lt3A_95 : vector<16xi1>
          %min3A = arith.constant 63 : i32
          %min3A_97 = vector.broadcast %min3A : i32 to vector<16xi32>
          %min3A_98 = arith.minsi %scan3A_79, %min3A_97 : vector<16xi32>
          tpu.vector_store_idx %arg6[%iota3A, %min3A_98], %add3A_87 masked %and3A_96 : memref<16x64xi32, #tpu.memory_space<vmem>>[vector<16xi32>, vector<16xi32>], vector<16xi32>, vector<16xi1>
          %jit3A_99 = arith.constant 1 : i32
          %jit3A_100 = arith.constant 0 : i32
          %broadcast_in_dim3A_101 = vector.broadcast %jit3A_99 : i32 to vector<16xi32>
          %broadcast_in_dim3A_102 = vector.broadcast %jit3A_100 : i32 to vector<16xi32>
          %select_n3A_103 = arith.select %and3A_96, %broadcast_in_dim3A_101, %broadcast_in_dim3A_102 : vector<16xi1>, vector<16xi32>
          %add3A_104 = arith.addi %scan3A_79, %select_n3A_103 : vector<16xi32>
          %and3A_105 = arith.constant 2 : i32
          %and3A_106 = vector.broadcast %and3A_105 : i32 to vector<16xi32>
          %and3A_107 = arith.andi %shift_right_arithmetic3A_84, %and3A_106 : vector<16xi32>
          %ne3A_108 = arith.constant 0 : i32
          %ne3A_109 = vector.broadcast %ne3A_108 : i32 to vector<16xi32>
          %ne3A_110 = arith.cmpi ne, %and3A_107, %ne3A_109 : vector<16xi32>
          %lt3A_111 = arith.constant 128 : i32
          %lt3A_112 = vector.broadcast %lt3A_111 : i32 to vector<16xi32>
          %lt3A_113 = arith.cmpi slt, %scan3A_80, %lt3A_112 : vector<16xi32>
          %and3A_114 = arith.andi %ne3A_110, %lt3A_113 : vector<16xi1>
          %min3A_115 = arith.constant 127 : i32
          %min3A_116 = vector.broadcast %min3A_115 : i32 to vector<16xi32>
          %min3A_117 = arith.minsi %scan3A_80, %min3A_116 : vector<16xi32>
          tpu.vector_store_idx %arg7[%iota3A, %min3A_117], %add3A_87 masked %and3A_114 : memref<16x128xi32, #tpu.memory_space<vmem>>[vector<16xi32>, vector<16xi32>], vector<16xi32>, vector<16xi1>
          %jit3A_118 = arith.constant 1 : i32
          %jit3A_119 = arith.constant 0 : i32
          %broadcast_in_dim3A_120 = vector.broadcast %jit3A_118 : i32 to vector<16xi32>
          %broadcast_in_dim3A_121 = vector.broadcast %jit3A_119 : i32 to vector<16xi32>
          %select_n3A_122 = arith.select %and3A_114, %broadcast_in_dim3A_120, %broadcast_in_dim3A_121 : vector<16xi1>, vector<16xi32>
          %add3A_123 = arith.addi %scan3A_80, %select_n3A_122 : vector<16xi32>
          scf.yield %add3A_104, %add3A_123 : vector<16xi32>, vector<16xi32>
        }
        %scan3A_77 = arith.constant 64 : i32
        scf.yield %scan3A_76#0, %scan3A_76#1 : vector<16xi32>, vector<16xi32>
      }
      %scan3A_43 = arith.constant 8 : i32
      %gather3A = tpu.vector_load_idx %arg6[%iota3A, %broadcast_in_dim3A_1] : memref<16x64xi32, #tpu.memory_space<vmem>>[vector<16xi32>, vector<16xi32>], vector<16xi32>,
      %scan3A_44 = arith.constant 0 : i32
      %scan3A_45 = arith.constant 1 : i32
      %scan3A_46 = arith.constant 63 : i32
      %scan3A_47 = arith.addi %scan3A_45, %scan3A_46 : i32
      %scan3A_48 = arith.constant 1 : i32
      %scan3A_49 = scf.for %scan3A_64 = %scan3A_45 to %scan3A_47 step %scan3A_48 iter_args(%scan3A_65 = %scan3A_44) -> (i32)  : i32 {
        %le3A = vector.broadcast %scan3A_64 : i32 to vector<16xi32>
        %le3A_66 = arith.cmpi sle, %scan3A_42#0, %le3A : vector<16xi32>
        %add3A_67 = vector.broadcast %scan3A_64 : i32 to vector<16xi32>
        %add3A_68 = arith.addi %broadcast_in_dim3A_1, %add3A_67 : vector<16xi32>
        tpu.vector_store_idx %arg6[%iota3A, %add3A_68], %gather3A masked %le3A_66 : memref<16x64xi32, #tpu.memory_space<vmem>>[vector<16xi32>, vector<16xi32>], vector<16xi32>, vector<16xi1>
        %scan3A_69 = arith.constant 0 : i32
        scf.yield %scan3A_69 : i32
      }
      %scan3A_50 = arith.constant 63 : i32
      %mul3A_51 = arith.constant 16 : i32
      %mul3A_52 = arith.muli %add3A_15, %mul3A_51 : i32
      "tpu.region"() ({
        %run_scoped3A = tpu.sem_alloc : memref<!tpu.dma_semaphore, #tpu.memory_space<semaphore_mem>>
        %dma_start3A = arith.constant 0 : i32
        %dma_start3A_64 = tpu.memref_slice %arg3[%mul3A_52, %dma_start3A] : memref<1024x64xi32, #tpu.memory_space<hbm>> -> memref<16x64xi32, #tpu.memory_space<hbm>>
        %dma_start3A_65 = arith.constant 0 : i32
        %dma_start3A_66 = tpu.memref_slice %arg3[%mul3A_52, %dma_start3A_65] : memref<1024x64xi32, #tpu.memory_space<hbm>> -> memref<16x64xi32, #tpu.memory_space<hbm>>
        tpu.enqueue_dma source(%arg6 : memref<16x64xi32, #tpu.memory_space<vmem>>) target(%dma_start3A_66 : memref<16x64xi32, #tpu.memory_space<hbm>>) target_semaphore(%run_scoped3A : memref<!tpu.dma_semaphore, #tpu.memory_space<semaphore_mem>>)
        %dma_wait3A = arith.constant 0 : i32
        %dma_wait3A_67 = tpu.memref_slice %arg3[%mul3A_52, %dma_wait3A] : memref<1024x64xi32, #tpu.memory_space<hbm>> -> memref<16x64xi32, #tpu.memory_space<hbm>>
        %dma_wait3A_68 = arith.constant 0 : i32
        %dma_wait3A_69 = tpu.memref_slice %arg3[%mul3A_52, %dma_wait3A_68] : memref<1024x64xi32, #tpu.memory_space<hbm>> -> memref<16x64xi32, #tpu.memory_space<hbm>>
        tpu.wait_dma2 semaphore(%run_scoped3A : memref<!tpu.dma_semaphore, #tpu.memory_space<semaphore_mem>>) src(%arg6 : memref<16x64xi32, #tpu.memory_space<vmem>>) dst(%dma_wait3A_69 : memref<16x64xi32, #tpu.memory_space<hbm>>)
        tpu.yield
      }) : () -> ()
      %gather3A_53 = tpu.vector_load_idx %arg7[%iota3A, %broadcast_in_dim3A_1] : memref<16x128xi32, #tpu.memory_space<vmem>>[vector<16xi32>, vector<16xi32>], vector<16xi32>,
      %scan3A_54 = arith.constant 0 : i32
      %scan3A_55 = arith.constant 1 : i32
      %scan3A_56 = arith.constant 127 : i32
      %scan3A_57 = arith.addi %scan3A_55, %scan3A_56 : i32
      %scan3A_58 = arith.constant 1 : i32
      %scan3A_59 = scf.for %scan3A_64 = %scan3A_55 to %scan3A_57 step %scan3A_58 iter_args(%scan3A_65 = %scan3A_54) -> (i32)  : i32 {
        %le3A = vector.broadcast %scan3A_64 : i32 to vector<16xi32>
        %le3A_66 = arith.cmpi sle, %scan3A_42#1, %le3A : vector<16xi32>
        %add3A_67 = vector.broadcast %scan3A_64 : i32 to vector<16xi32>
        %add3A_68 = arith.addi %broadcast_in_dim3A_1, %add3A_67 : vector<16xi32>
        tpu.vector_store_idx %arg7[%iota3A, %add3A_68], %gather3A_53 masked %le3A_66 : memref<16x128xi32, #tpu.memory_space<vmem>>[vector<16xi32>, vector<16xi32>], vector<16xi32>, vector<16xi1>
        %scan3A_69 = arith.constant 0 : i32
        scf.yield %scan3A_69 : i32
      }
      %scan3A_60 = arith.constant 127 : i32
      %mul3A_61 = arith.constant 16 : i32
      %mul3A_62 = arith.muli %add3A_15, %mul3A_61 : i32
      "tpu.region"() ({
        %run_scoped3A = tpu.sem_alloc : memref<!tpu.dma_semaphore, #tpu.memory_space<semaphore_mem>>
        %dma_start3A = arith.constant 0 : i32
        %dma_start3A_64 = tpu.memref_slice %arg4[%mul3A_62, %dma_start3A] : memref<1024x128xi32, #tpu.memory_space<hbm>> -> memref<16x128xi32, #tpu.memory_space<hbm>>
        %dma_start3A_65 = arith.constant 0 : i32
        %dma_start3A_66 = tpu.memref_slice %arg4[%mul3A_62, %dma_start3A_65] : memref<1024x128xi32, #tpu.memory_space<hbm>> -> memref<16x128xi32, #tpu.memory_space<hbm>>
        tpu.enqueue_dma source(%arg7 : memref<16x128xi32, #tpu.memory_space<vmem>>) target(%dma_start3A_66 : memref<16x128xi32, #tpu.memory_space<hbm>>) target_semaphore(%run_scoped3A : memref<!tpu.dma_semaphore, #tpu.memory_space<semaphore_mem>>)
        %dma_wait3A = arith.constant 0 : i32
        %dma_wait3A_67 = tpu.memref_slice %arg4[%mul3A_62, %dma_wait3A] : memref<1024x128xi32, #tpu.memory_space<hbm>> -> memref<16x128xi32, #tpu.memory_space<hbm>>
        %dma_wait3A_68 = arith.constant 0 : i32
        %dma_wait3A_69 = tpu.memref_slice %arg4[%mul3A_62, %dma_wait3A_68] : memref<1024x128xi32, #tpu.memory_space<hbm>> -> memref<16x128xi32, #tpu.memory_space<hbm>>
        tpu.wait_dma2 semaphore(%run_scoped3A : memref<!tpu.dma_semaphore, #tpu.memory_space<semaphore_mem>>) src(%arg7 : memref<16x128xi32, #tpu.memory_space<vmem>>) dst(%dma_wait3A_69 : memref<16x128xi32, #tpu.memory_space<hbm>>)
        tpu.yield
      }) : () -> ()
      %scan3A_63 = arith.constant 0 : i32
      scf.yield %scan3A_63 : i32
    }
    %scan3A_10 = arith.constant 2 : i32
    return
  }
}

#map = affine_map<(d0, d1) -> (0, 0)>
#map1 = affine_map<(d0, d1) -> (0)>
module attributes {stable_mosaic.version = 14 : i64} {
  func.func @k(%arg0: i32, %arg1: i32, %arg2: memref<32768x16xf32, #tpu.memory_space<hbm>>, %arg3: memref<917504xi32, #tpu.memory_space<hbm>>, %arg4: memref<917504x16xf32, #tpu.memory_space<hbm>>, %arg5: memref<3584xi32, #tpu.memory_space<vmem>>, %arg6: memref<3584x16xf32, #tpu.memory_space<vmem>>, %arg7: memref<!tpu.dma_semaphore, #tpu.memory_space<semaphore_mem>>) attributes {dimension_semantics = [#tpu.dimension_semantics<core_parallel>, #tpu.dimension_semantics<subcore_parallel>], iteration_bounds = array<i64: 2, 16>, scalar_prefetch = 0 : i64, scratch_operands = 3 : i64, tpu.core_type = #tpu.core_type<sc_vector_subcore>, window_params = [{transform_indices = #map}, {transform_indices = #map1}, {transform_indices = #map}]} {
    %mul3A = arith.constant 2 : i32
    %mul3A_0 = arith.muli %arg1, %mul3A : i32
    %add3A = arith.addi %mul3A_0, %arg0 : i32
    %mul3A_1 = arith.constant 28672 : i32
    %mul3A_2 = arith.muli %add3A, %mul3A_1 : i32
    %scan3A = arith.constant 0 : i32
    %scan3A_3 = arith.constant 0 : i32
    %scan3A_4 = arith.constant 8 : i32
    %scan3A_5 = arith.addi %scan3A_3, %scan3A_4 : i32
    %scan3A_6 = arith.constant 1 : i32
    %scan3A_7 = scf.for %scan3A_9 = %scan3A_3 to %scan3A_5 step %scan3A_6 iter_args(%scan3A_10 = %scan3A) -> (i32)  : i32 {
      %mul3A_11 = arith.constant 3584 : i32
      %mul3A_12 = arith.muli %scan3A_9, %mul3A_11 : i32
      %add3A_13 = arith.addi %mul3A_2, %mul3A_12 : i32
      "tpu.region"() ({
        %run_scoped3A = tpu.sem_alloc : memref<!tpu.dma_semaphore, #tpu.memory_space<semaphore_mem>>
        %dma_start3A_19 = tpu.memref_slice %arg3[%add3A_13] : memref<917504xi32, #tpu.memory_space<hbm>> -> memref<3584xi32, #tpu.memory_space<hbm>>
        %dma_start3A_20 = tpu.memref_slice %arg3[%add3A_13] : memref<917504xi32, #tpu.memory_space<hbm>> -> memref<3584xi32, #tpu.memory_space<hbm>>
        tpu.enqueue_dma source(%dma_start3A_20 : memref<3584xi32, #tpu.memory_space<hbm>>) target(%arg5 : memref<3584xi32, #tpu.memory_space<vmem>>) target_semaphore(%run_scoped3A : memref<!tpu.dma_semaphore, #tpu.memory_space<semaphore_mem>>)
        %dma_wait3A_21 = tpu.memref_slice %arg3[%add3A_13] : memref<917504xi32, #tpu.memory_space<hbm>> -> memref<3584xi32, #tpu.memory_space<hbm>>
        %dma_wait3A_22 = tpu.memref_slice %arg3[%add3A_13] : memref<917504xi32, #tpu.memory_space<hbm>> -> memref<3584xi32, #tpu.memory_space<hbm>>
        tpu.wait_dma2 semaphore(%run_scoped3A : memref<!tpu.dma_semaphore, #tpu.memory_space<semaphore_mem>>) src(%dma_wait3A_22 : memref<3584xi32, #tpu.memory_space<hbm>>) dst(%arg5 : memref<3584xi32, #tpu.memory_space<vmem>>)
        tpu.yield
      }) : () -> ()
      %dma_start3A = arith.constant 0 : i32
      %dma_start3A_14 = arith.constant 0 : i32
      %dma_start3A_15 = tpu.memref_slice %arg2[%dma_start3A, %dma_start3A_14] : memref<32768x16xf32, #tpu.memory_space<hbm>> -> memref<32768x16xf32, #tpu.memory_space<hbm>>
      tpu.enqueue_indirect_dma source(%dma_start3A_15 : memref<32768x16xf32, #tpu.memory_space<hbm>>) target(%arg6 : memref<3584x16xf32, #tpu.memory_space<vmem>>) offsets(%arg5 : memref<3584xi32, #tpu.memory_space<vmem>>) semaphore(%arg7 : memref<!tpu.dma_semaphore, #tpu.memory_space<semaphore_mem>>)
      %dma_wait3A = arith.constant 0 : i32
      %dma_wait3A_16 = arith.constant 0 : i32
      %dma_wait3A_17 = tpu.memref_slice %arg2[%dma_wait3A, %dma_wait3A_16] : memref<32768x16xf32, #tpu.memory_space<hbm>> -> memref<32768x16xf32, #tpu.memory_space<hbm>>
      tpu.wait_indirect_dma semaphore(%arg7 : memref<!tpu.dma_semaphore, #tpu.memory_space<semaphore_mem>>) src(%dma_wait3A_17 : memref<32768x16xf32, #tpu.memory_space<hbm>>) dst(%arg6 : memref<3584x16xf32, #tpu.memory_space<vmem>>)
      "tpu.region"() ({
        %run_scoped3A = tpu.sem_alloc : memref<!tpu.dma_semaphore, #tpu.memory_space<semaphore_mem>>
        %dma_start3A_19 = arith.constant 0 : i32
        %dma_start3A_20 = tpu.memref_slice %arg4[%add3A_13, %dma_start3A_19] : memref<917504x16xf32, #tpu.memory_space<hbm>> -> memref<3584x16xf32, #tpu.memory_space<hbm>>
        %dma_start3A_21 = arith.constant 0 : i32
        %dma_start3A_22 = tpu.memref_slice %arg4[%add3A_13, %dma_start3A_21] : memref<917504x16xf32, #tpu.memory_space<hbm>> -> memref<3584x16xf32, #tpu.memory_space<hbm>>
        tpu.enqueue_dma source(%arg6 : memref<3584x16xf32, #tpu.memory_space<vmem>>) target(%dma_start3A_22 : memref<3584x16xf32, #tpu.memory_space<hbm>>) target_semaphore(%run_scoped3A : memref<!tpu.dma_semaphore, #tpu.memory_space<semaphore_mem>>)
        %dma_wait3A_23 = arith.constant 0 : i32
        %dma_wait3A_24 = tpu.memref_slice %arg4[%add3A_13, %dma_wait3A_23] : memref<917504x16xf32, #tpu.memory_space<hbm>> -> memref<3584x16xf32, #tpu.memory_space<hbm>>
        %dma_wait3A_25 = arith.constant 0 : i32
        %dma_wait3A_26 = tpu.memref_slice %arg4[%add3A_13, %dma_wait3A_25] : memref<917504x16xf32, #tpu.memory_space<hbm>> -> memref<3584x16xf32, #tpu.memory_space<hbm>>
        tpu.wait_dma2 semaphore(%run_scoped3A : memref<!tpu.dma_semaphore, #tpu.memory_space<semaphore_mem>>) src(%arg6 : memref<3584x16xf32, #tpu.memory_space<vmem>>) dst(%dma_wait3A_26 : memref<3584x16xf32, #tpu.memory_space<hbm>>)
        tpu.yield
      }) : () -> ()
      %scan3A_18 = arith.constant 0 : i32
      scf.yield %scan3A_18 : i32
    }
    %scan3A_8 = arith.constant 8 : i32
    return
  }
}

module attributes {stable_mosaic.version = 14 : i64} {
  func.func @_fps_body(%arg0: memref<8x4096xf32, #tpu.memory_space<vmem>>, %arg1: memref<8x4096xf32, #tpu.memory_space<vmem>>, %arg2: memref<8x4096xf32, #tpu.memory_space<vmem>>, %arg3: memref<8x512xf32, #tpu.memory_space<vmem>>, %arg4: memref<8x512xf32, #tpu.memory_space<vmem>>, %arg5: memref<8x512xf32, #tpu.memory_space<vmem>>, %arg6: memref<8x512xf32, #tpu.memory_space<vmem>>) attributes {dimension_semantics = [], scalar_prefetch = 0 : i64, scratch_operands = 0 : i64, tpu.core_type = #tpu.core_type<tc>} {
    %get3A = arith.constant 0 : index
    %get3A_0 = arith.constant 0 : index
    %get3A_1 = vector.load %arg0[%get3A, %get3A_0] : memref<8x4096xf32, #tpu.memory_space<vmem>>, vector<8x4096xf32>
    %get3A_2 = arith.constant 0 : index
    %get3A_3 = arith.constant 0 : index
    %get3A_4 = vector.load %arg1[%get3A_2, %get3A_3] : memref<8x4096xf32, #tpu.memory_space<vmem>>, vector<8x4096xf32>
    %get3A_5 = arith.constant 0 : index
    %get3A_6 = arith.constant 0 : index
    %get3A_7 = vector.load %arg2[%get3A_5, %get3A_6] : memref<8x4096xf32, #tpu.memory_space<vmem>>, vector<8x4096xf32>
    %iota3A = tpu.iota {dimensions = array<i32: 1>} : vector<8x4096xi32>
    %iota3A_8 = tpu.iota {dimensions = array<i32: 1>} : vector<8x512xi32>
    %broadcast_in_dim3A = arith.constant 0.000000e+00 : f32
    %broadcast_in_dim3A_9 = vector.broadcast %broadcast_in_dim3A : f32 to vector<8x512xf32>
    %swap3A = arith.constant 0 : index
    %swap3A_10 = arith.constant 0 : index
    %swap3A_11 = vector.load %arg3[%swap3A, %swap3A_10] : memref<8x512xf32, #tpu.memory_space<vmem>>, vector<8x512xf32>
    tpu.vector_store %arg3[%swap3A, %swap3A_10], %broadcast_in_dim3A_9 {strides = array<i32>} : memref<8x512xf32, #tpu.memory_space<vmem>>, vector<8x512xf32>,
    %broadcast_in_dim3A_12 = arith.constant 0.000000e+00 : f32
    %broadcast_in_dim3A_13 = vector.broadcast %broadcast_in_dim3A_12 : f32 to vector<8x512xf32>
    %swap3A_14 = arith.constant 0 : index
    %swap3A_15 = arith.constant 0 : index
    %swap3A_16 = vector.load %arg4[%swap3A_14, %swap3A_15] : memref<8x512xf32, #tpu.memory_space<vmem>>, vector<8x512xf32>
    tpu.vector_store %arg4[%swap3A_14, %swap3A_15], %broadcast_in_dim3A_13 {strides = array<i32>} : memref<8x512xf32, #tpu.memory_space<vmem>>, vector<8x512xf32>,
    %broadcast_in_dim3A_17 = arith.constant 0.000000e+00 : f32
    %broadcast_in_dim3A_18 = vector.broadcast %broadcast_in_dim3A_17 : f32 to vector<8x512xf32>
    %swap3A_19 = arith.constant 0 : index
    %swap3A_20 = arith.constant 0 : index
    %swap3A_21 = vector.load %arg5[%swap3A_19, %swap3A_20] : memref<8x512xf32, #tpu.memory_space<vmem>>, vector<8x512xf32>
    tpu.vector_store %arg5[%swap3A_19, %swap3A_20], %broadcast_in_dim3A_18 {strides = array<i32>} : memref<8x512xf32, #tpu.memory_space<vmem>>, vector<8x512xf32>,
    %broadcast_in_dim3A_22 = arith.constant 0.000000e+00 : f32
    %broadcast_in_dim3A_23 = vector.broadcast %broadcast_in_dim3A_22 : f32 to vector<8x512xf32>
    %swap3A_24 = arith.constant 0 : index
    %swap3A_25 = arith.constant 0 : index
    %swap3A_26 = vector.load %arg6[%swap3A_24, %swap3A_25] : memref<8x512xf32, #tpu.memory_space<vmem>>, vector<8x512xf32>
    tpu.vector_store %arg6[%swap3A_24, %swap3A_25], %broadcast_in_dim3A_23 {strides = array<i32>} : memref<8x512xf32, #tpu.memory_space<vmem>>, vector<8x512xf32>,
    %broadcast_in_dim3A_27 = arith.constant 1.000000e+10 : f32
    %broadcast_in_dim3A_28 = vector.broadcast %broadcast_in_dim3A_27 : f32 to vector<8x4096xf32>
    %broadcast_in_dim3A_29 = arith.constant 0 : i32
    %broadcast_in_dim3A_30 = vector.broadcast %broadcast_in_dim3A_29 : i32 to vector<8x1xi32>
    %scan3A = arith.constant 0 : i32
    %scan3A_31 = arith.constant 512 : i32
    %scan3A_32 = arith.addi %scan3A, %scan3A_31 : i32
    %scan3A_33 = arith.constant 1 : i32
    %scan3A_34:2 = scf.for %scan3A_36 = %scan3A to %scan3A_32 step %scan3A_33 iter_args(%scan3A_37 = %broadcast_in_dim3A_28, %scan3A_38 = %broadcast_in_dim3A_30) -> (vector<8x4096xf32>, vector<8x1xi32>)  : i32 {
      %eq3A = vector.broadcast %scan3A_36 : i32 to vector<8x512xi32>
      %eq3A_39 = arith.cmpi eq, %iota3A_8, %eq3A : vector<8x512xi32>
      %convert_element_type3A = arith.extui %eq3A_39 : vector<8x512xi1> to vector<8x512xi32>
      %convert_element_type3A_40 = arith.sitofp %convert_element_type3A : vector<8x512xi32> to vector<8x512xf32>
      %get3A_41 = arith.constant 0 : index
      %get3A_42 = arith.constant 0 : index
      %get3A_43 = vector.load %arg3[%get3A_41, %get3A_42] : memref<8x512xf32, #tpu.memory_space<vmem>>, vector<8x512xf32>
      %convert_element_type3A_44 = arith.sitofp %scan3A_38 : vector<8x1xi32> to vector<8x1xf32>
      %mul3A = vector.broadcast %convert_element_type3A_44 : vector<8x1xf32> to vector<8x512xf32>
      %mul3A_45 = arith.mulf %convert_element_type3A_40, %mul3A : vector<8x512xf32>
      %add3A = arith.addf %get3A_43, %mul3A_45 : vector<8x512xf32>
      %swap3A_46 = arith.constant 0 : index
      %swap3A_47 = arith.constant 0 : index
      %swap3A_48 = vector.load %arg3[%swap3A_46, %swap3A_47] : memref<8x512xf32, #tpu.memory_space<vmem>>, vector<8x512xf32>
      tpu.vector_store %arg3[%swap3A_46, %swap3A_47], %add3A {strides = array<i32>} : memref<8x512xf32, #tpu.memory_space<vmem>>, vector<8x512xf32>,
      %eq3A_49 = vector.broadcast %scan3A_38 : vector<8x1xi32> to vector<8x4096xi32>
      %eq3A_50 = arith.cmpi eq, %iota3A, %eq3A_49 : vector<8x4096xi32>
      %jit3A = arith.constant 0.000000e+00 : f32
      %broadcast_in_dim3A_51 = vector.broadcast %jit3A : f32 to vector<8x4096xf32>
      %select_n3A = arith.select %eq3A_50, %get3A_1, %broadcast_in_dim3A_51 : vector<8x4096xi1>, vector<8x4096xf32>
      %reduce_sum3A = arith.constant dense<0.000000e+00> : vector<8xf32>
      %reduce_sum3A_52 = vector.multi_reduction <add>, %select_n3A, %reduce_sum3A [1] : vector<8x4096xf32> to vector<8xf32>
      %broadcast_in_dim3A_53 = vector.shape_cast %reduce_sum3A_52 : vector<8xf32> to vector<8x1xf32>
      %jit3A_54 = arith.constant 0.000000e+00 : f32
      %broadcast_in_dim3A_55 = vector.broadcast %jit3A_54 : f32 to vector<8x4096xf32>
      %select_n3A_56 = arith.select %eq3A_50, %get3A_4, %broadcast_in_dim3A_55 : vector<8x4096xi1>, vector<8x4096xf32>
      %reduce_sum3A_57 = arith.constant dense<0.000000e+00> : vector<8xf32>
      %reduce_sum3A_58 = vector.multi_reduction <add>, %select_n3A_56, %reduce_sum3A_57 [1] : vector<8x4096xf32> to vector<8xf32>
      %broadcast_in_dim3A_59 = vector.shape_cast %reduce_sum3A_58 : vector<8xf32> to vector<8x1xf32>
      %jit3A_60 = arith.constant 0.000000e+00 : f32
      %broadcast_in_dim3A_61 = vector.broadcast %jit3A_60 : f32 to vector<8x4096xf32>
      %select_n3A_62 = arith.select %eq3A_50, %get3A_7, %broadcast_in_dim3A_61 : vector<8x4096xi1>, vector<8x4096xf32>
      %reduce_sum3A_63 = arith.constant dense<0.000000e+00> : vector<8xf32>
      %reduce_sum3A_64 = vector.multi_reduction <add>, %select_n3A_62, %reduce_sum3A_63 [1] : vector<8x4096xf32> to vector<8xf32>
      %broadcast_in_dim3A_65 = vector.shape_cast %reduce_sum3A_64 : vector<8xf32> to vector<8x1xf32>
      %get3A_66 = arith.constant 0 : index
      %get3A_67 = arith.constant 0 : index
      %get3A_68 = vector.load %arg4[%get3A_66, %get3A_67] : memref<8x512xf32, #tpu.memory_space<vmem>>, vector<8x512xf32>
      %mul3A_69 = vector.broadcast %broadcast_in_dim3A_53 : vector<8x1xf32> to vector<8x512xf32>
      %mul3A_70 = arith.mulf %convert_element_type3A_40, %mul3A_69 : vector<8x512xf32>
      %add3A_71 = arith.addf %get3A_68, %mul3A_70 : vector<8x512xf32>
      %swap3A_72 = arith.constant 0 : index
      %swap3A_73 = arith.constant 0 : index
      %swap3A_74 = vector.load %arg4[%swap3A_72, %swap3A_73] : memref<8x512xf32, #tpu.memory_space<vmem>>, vector<8x512xf32>
      tpu.vector_store %arg4[%swap3A_72, %swap3A_73], %add3A_71 {strides = array<i32>} : memref<8x512xf32, #tpu.memory_space<vmem>>, vector<8x512xf32>,
      %get3A_75 = arith.constant 0 : index
      %get3A_76 = arith.constant 0 : index
      %get3A_77 = vector.load %arg5[%get3A_75, %get3A_76] : memref<8x512xf32, #tpu.memory_space<vmem>>, vector<8x512xf32>
      %mul3A_78 = vector.broadcast %broadcast_in_dim3A_59 : vector<8x1xf32> to vector<8x512xf32>
      %mul3A_79 = arith.mulf %convert_element_type3A_40, %mul3A_78 : vector<8x512xf32>
      %add3A_80 = arith.addf %get3A_77, %mul3A_79 : vector<8x512xf32>
      %swap3A_81 = arith.constant 0 : index
      %swap3A_82 = arith.constant 0 : index
      %swap3A_83 = vector.load %arg5[%swap3A_81, %swap3A_82] : memref<8x512xf32, #tpu.memory_space<vmem>>, vector<8x512xf32>
      tpu.vector_store %arg5[%swap3A_81, %swap3A_82], %add3A_80 {strides = array<i32>} : memref<8x512xf32, #tpu.memory_space<vmem>>, vector<8x512xf32>,
      %get3A_84 = arith.constant 0 : index
      %get3A_85 = arith.constant 0 : index
      %get3A_86 = vector.load %arg6[%get3A_84, %get3A_85] : memref<8x512xf32, #tpu.memory_space<vmem>>, vector<8x512xf32>
      %mul3A_87 = vector.broadcast %broadcast_in_dim3A_65 : vector<8x1xf32> to vector<8x512xf32>
      %mul3A_88 = arith.mulf %convert_element_type3A_40, %mul3A_87 : vector<8x512xf32>
      %add3A_89 = arith.addf %get3A_86, %mul3A_88 : vector<8x512xf32>
      %swap3A_90 = arith.constant 0 : index
      %swap3A_91 = arith.constant 0 : index
      %swap3A_92 = vector.load %arg6[%swap3A_90, %swap3A_91] : memref<8x512xf32, #tpu.memory_space<vmem>>, vector<8x512xf32>
      tpu.vector_store %arg6[%swap3A_90, %swap3A_91], %add3A_89 {strides = array<i32>} : memref<8x512xf32, #tpu.memory_space<vmem>>, vector<8x512xf32>,
      %sub3A = vector.broadcast %broadcast_in_dim3A_53 : vector<8x1xf32> to vector<8x4096xf32>
      %sub3A_93 = arith.subf %get3A_1, %sub3A : vector<8x4096xf32>
      %sub3A_94 = vector.broadcast %broadcast_in_dim3A_59 : vector<8x1xf32> to vector<8x4096xf32>
      %sub3A_95 = arith.subf %get3A_4, %sub3A_94 : vector<8x4096xf32>
      %sub3A_96 = vector.broadcast %broadcast_in_dim3A_65 : vector<8x1xf32> to vector<8x4096xf32>
      %sub3A_97 = arith.subf %get3A_7, %sub3A_96 : vector<8x4096xf32>
      %mul3A_98 = arith.mulf %sub3A_93, %sub3A_93 : vector<8x4096xf32>
      %mul3A_99 = arith.mulf %sub3A_95, %sub3A_95 : vector<8x4096xf32>
      %add3A_100 = arith.addf %mul3A_98, %mul3A_99 : vector<8x4096xf32>
      %mul3A_101 = arith.mulf %sub3A_97, %sub3A_97 : vector<8x4096xf32>
      %add3A_102 = arith.addf %add3A_100, %mul3A_101 : vector<8x4096xf32>
      %min3A = arith.minimumf %scan3A_37, %add3A_102 : vector<8x4096xf32>
      %reduce_max3A = arith.constant dense<0xFF800000> : vector<8xf32>
      %reduce_max3A_103 = vector.multi_reduction <maximumf>, %min3A, %reduce_max3A [1] : vector<8x4096xf32> to vector<8xf32>
      %broadcast_in_dim3A_104 = vector.shape_cast %reduce_max3A_103 : vector<8xf32> to vector<8x1xf32>
      %eq3A_105 = vector.broadcast %broadcast_in_dim3A_104 : vector<8x1xf32> to vector<8x4096xf32>
      %eq3A_106 = arith.cmpf oeq, %min3A, %eq3A_105 : vector<8x4096xf32>
      %jit3A_107 = arith.constant 4096 : i32
      %broadcast_in_dim3A_108 = vector.broadcast %jit3A_107 : i32 to vector<8x4096xi32>
      %select_n3A_109 = arith.select %eq3A_106, %iota3A, %broadcast_in_dim3A_108 : vector<8x4096xi1>, vector<8x4096xi32>
      %reduce_min3A = arith.constant dense<2147483647> : vector<8xi32>
      %reduce_min3A_110 = vector.multi_reduction <minsi>, %select_n3A_109, %reduce_min3A [1] : vector<8x4096xi32> to vector<8xi32>
      %broadcast_in_dim3A_111 = vector.shape_cast %reduce_min3A_110 : vector<8xi32> to vector<8x1xi32>
      scf.yield %min3A, %broadcast_in_dim3A_111 : vector<8x4096xf32>, vector<8x1xi32>
    }
    %scan3A_35 = arith.constant 512 : i32
    return
  }
}

module attributes {stable_mosaic.version = 14 : i64} {
  func.func @_mask_body(%arg0: i32, %arg1: i32, %arg2: memref<1x128x3xf32, #tpu.memory_space<vmem>>, %arg3: memref<1x4096x3xf32, #tpu.memory_space<vmem>>, %arg4: memref<1x128x512xi32, #tpu.memory_space<vmem>>) attributes {dimension_semantics = [#tpu.dimension_semantics<arbitrary>, #tpu.dimension_semantics<arbitrary>], iteration_bounds = array<i64: 8, 4>, scalar_prefetch = 0 : i64, scratch_operands = 0 : i64, tpu.core_type = #tpu.core_type<tc>, window_params = [{transform_indices = @transform_0, window_bounds = array<i64: 1, 128, 3>}, {transform_indices = @transform_1, window_bounds = array<i64: 1, 4096, 3>}, {transform_indices = @transform_2, window_bounds = array<i64: 1, 128, 512>}]} {
    %get3A = arith.constant 0 : index
    %get3A_0 = arith.constant 0 : index
    %get3A_1 = arith.constant 0 : index
    %get3A_2 = vector.load %arg2[%get3A, %get3A_0, %get3A_1] : memref<1x128x3xf32, #tpu.memory_space<vmem>>, vector<1x128x3xf32>
    %get3A_3 = vector.shape_cast %get3A_2 : vector<1x128x3xf32> to vector<128x3xf32>
    %get3A_4 = arith.constant 0 : index
    %get3A_5 = arith.constant 0 : index
    %get3A_6 = arith.constant 0 : index
    %get3A_7 = vector.load %arg3[%get3A_4, %get3A_5, %get3A_6] : memref<1x4096x3xf32, #tpu.memory_space<vmem>>, vector<1x4096x3xf32>
    %get3A_8 = vector.shape_cast %get3A_7 : vector<1x4096x3xf32> to vector<4096x3xf32>
    %mul3A = arith.mulf %get3A_3, %get3A_3 : vector<128x3xf32>
    %reduce_sum3A = arith.constant dense<0.000000e+00> : vector<128xf32>
    %reduce_sum3A_9 = vector.multi_reduction <add>, %mul3A, %reduce_sum3A [1] : vector<128x3xf32> to vector<128xf32>
    %broadcast_in_dim3A = vector.shape_cast %reduce_sum3A_9 : vector<128xf32> to vector<128x1xf32>
    %mul3A_10 = arith.mulf %get3A_8, %get3A_8 : vector<4096x3xf32>
    %reduce_sum3A_11 = arith.constant dense<0.000000e+00> : vector<4096xf32>
    %reduce_sum3A_12 = vector.multi_reduction <add>, %mul3A_10, %reduce_sum3A_11 [1] : vector<4096x3xf32> to vector<4096xf32>
    %broadcast_in_dim3A_13 = vector.shape_cast %reduce_sum3A_12 : vector<4096xf32> to vector<1x4096xf32>
    %add3A = vector.broadcast %broadcast_in_dim3A : vector<128x1xf32> to vector<128x4096xf32>
    %add3A_14 = vector.broadcast %broadcast_in_dim3A_13 : vector<1x4096xf32> to vector<128x4096xf32>
    %add3A_15 = arith.addf %add3A, %add3A_14 : vector<128x4096xf32>
    %dot_general3A = arith.constant dense<0.000000e+00> : vector<128x4096xf32>
    %dot_general3A_16 = tpu.matmul %get3A_3, %get3A_8, %dot_general3A {dimension_numbers = #tpu.dot_dimension_numbers<[1], [1], [0], [0], [0, 0, 1, 0], [], []>, transpose_lhs_hint = false} : vector<128x3xf32>, vector<4096x3xf32>, vector<128x4096xf32> -> vector<128x4096xf32>
    %mul3A_17 = arith.constant 2.000000e+00 : f32
    %mul3A_18 = vector.broadcast %mul3A_17 : f32 to vector<128x4096xf32>
    %mul3A_19 = arith.mulf %mul3A_18, %dot_general3A_16 : vector<128x4096xf32>
    %sub3A = arith.subf %add3A_15, %mul3A_19 : vector<128x4096xf32>
    %broadcast_in_dim3A_20 = arith.constant 0 : i32
    %broadcast_in_dim3A_21 = vector.broadcast %broadcast_in_dim3A_20 : i32 to vector<128x4096xi32>
    %gt3A = arith.constant 0.00999999977 : f32
    %gt3A_22 = vector.broadcast %gt3A : f32 to vector<128x4096xf32>
    %gt3A_23 = arith.cmpf ogt, %sub3A, %gt3A_22 : vector<128x4096xf32>
    %jit3A = arith.constant 0 : i32
    %jit3A_24 = arith.constant 1 : i32
    %broadcast_in_dim3A_25 = vector.broadcast %jit3A : i32 to vector<128x4096xi32>
    %broadcast_in_dim3A_26 = vector.broadcast %jit3A_24 : i32 to vector<128x4096xi32>
    %select_n3A = arith.select %gt3A_23, %broadcast_in_dim3A_25, %broadcast_in_dim3A_26 : vector<128x4096xi1>, vector<128x4096xi32>
    %add3A_27 = arith.addi %broadcast_in_dim3A_21, %select_n3A : vector<128x4096xi32>
    %gt3A_28 = arith.constant 4.000000e-02 : f32
    %gt3A_29 = vector.broadcast %gt3A_28 : f32 to vector<128x4096xf32>
    %gt3A_30 = arith.cmpf ogt, %sub3A, %gt3A_29 : vector<128x4096xf32>
    %jit3A_31 = arith.constant 0 : i32
    %jit3A_32 = arith.constant 2 : i32
    %broadcast_in_dim3A_33 = vector.broadcast %jit3A_31 : i32 to vector<128x4096xi32>
    %broadcast_in_dim3A_34 = vector.broadcast %jit3A_32 : i32 to vector<128x4096xi32>
    %select_n3A_35 = arith.select %gt3A_30, %broadcast_in_dim3A_33, %broadcast_in_dim3A_34 : vector<128x4096xi1>, vector<128x4096xi32>
    %add3A_36 = arith.addi %add3A_27, %select_n3A_35 : vector<128x4096xi32>
    %gt3A_37 = arith.constant 1.600000e-01 : f32
    %gt3A_38 = vector.broadcast %gt3A_37 : f32 to vector<128x4096xf32>
    %gt3A_39 = arith.cmpf ogt, %sub3A, %gt3A_38 : vector<128x4096xf32>
    %jit3A_40 = arith.constant 0 : i32
    %jit3A_41 = arith.constant 4 : i32
    %broadcast_in_dim3A_42 = vector.broadcast %jit3A_40 : i32 to vector<128x4096xi32>
    %broadcast_in_dim3A_43 = vector.broadcast %jit3A_41 : i32 to vector<128x4096xi32>
    %select_n3A_44 = arith.select %gt3A_39, %broadcast_in_dim3A_42, %broadcast_in_dim3A_43 : vector<128x4096xi1>, vector<128x4096xi32>
    %add3A_45 = arith.addi %add3A_36, %select_n3A_44 : vector<128x4096xi32>
    %slice3A = vector.extract_strided_slice %add3A_45 {offsets = [0, 0], sizes = [128, 512], strides = [1, 1]} : vector<128x4096xi32> to vector<128x512xi32>
    %slice3A_46 = vector.extract_strided_slice %add3A_45 {offsets = [0, 512], sizes = [128, 512], strides = [1, 1]} : vector<128x4096xi32> to vector<128x512xi32>
    %shift_left3A = arith.constant 3 : i32
    %shift_left3A_47 = vector.broadcast %shift_left3A : i32 to vector<128x512xi32>
    %shift_left3A_48 = arith.shli %slice3A_46, %shift_left3A_47 : vector<128x512xi32>
    %or3A = arith.ori %slice3A, %shift_left3A_48 : vector<128x512xi32>
    %slice3A_49 = vector.extract_strided_slice %add3A_45 {offsets = [0, 1024], sizes = [128, 512], strides = [1, 1]} : vector<128x4096xi32> to vector<128x512xi32>
    %shift_left3A_50 = arith.constant 6 : i32
    %shift_left3A_51 = vector.broadcast %shift_left3A_50 : i32 to vector<128x512xi32>
    %shift_left3A_52 = arith.shli %slice3A_49, %shift_left3A_51 : vector<128x512xi32>
    %or3A_53 = arith.ori %or3A, %shift_left3A_52 : vector<128x512xi32>
    %slice3A_54 = vector.extract_strided_slice %add3A_45 {offsets = [0, 1536], sizes = [128, 512], strides = [1, 1]} : vector<128x4096xi32> to vector<128x512xi32>
    %shift_left3A_55 = arith.constant 9 : i32
    %shift_left3A_56 = vector.broadcast %shift_left3A_55 : i32 to vector<128x512xi32>
    %shift_left3A_57 = arith.shli %slice3A_54, %shift_left3A_56 : vector<128x512xi32>
    %or3A_58 = arith.ori %or3A_53, %shift_left3A_57 : vector<128x512xi32>
    %slice3A_59 = vector.extract_strided_slice %add3A_45 {offsets = [0, 2048], sizes = [128, 512], strides = [1, 1]} : vector<128x4096xi32> to vector<128x512xi32>
    %shift_left3A_60 = arith.constant 12 : i32
    %shift_left3A_61 = vector.broadcast %shift_left3A_60 : i32 to vector<128x512xi32>
    %shift_left3A_62 = arith.shli %slice3A_59, %shift_left3A_61 : vector<128x512xi32>
    %or3A_63 = arith.ori %or3A_58, %shift_left3A_62 : vector<128x512xi32>
    %slice3A_64 = vector.extract_strided_slice %add3A_45 {offsets = [0, 2560], sizes = [128, 512], strides = [1, 1]} : vector<128x4096xi32> to vector<128x512xi32>
    %shift_left3A_65 = arith.constant 15 : i32
    %shift_left3A_66 = vector.broadcast %shift_left3A_65 : i32 to vector<128x512xi32>
    %shift_left3A_67 = arith.shli %slice3A_64, %shift_left3A_66 : vector<128x512xi32>
    %or3A_68 = arith.ori %or3A_63, %shift_left3A_67 : vector<128x512xi32>
    %slice3A_69 = vector.extract_strided_slice %add3A_45 {offsets = [0, 3072], sizes = [128, 512], strides = [1, 1]} : vector<128x4096xi32> to vector<128x512xi32>
    %shift_left3A_70 = arith.constant 18 : i32
    %shift_left3A_71 = vector.broadcast %shift_left3A_70 : i32 to vector<128x512xi32>
    %shift_left3A_72 = arith.shli %slice3A_69, %shift_left3A_71 : vector<128x512xi32>
    %or3A_73 = arith.ori %or3A_68, %shift_left3A_72 : vector<128x512xi32>
    %slice3A_74 = vector.extract_strided_slice %add3A_45 {offsets = [0, 3584], sizes = [128, 512], strides = [1, 1]} : vector<128x4096xi32> to vector<128x512xi32>
    %shift_left3A_75 = arith.constant 21 : i32
    %shift_left3A_76 = vector.broadcast %shift_left3A_75 : i32 to vector<128x512xi32>
    %shift_left3A_77 = arith.shli %slice3A_74, %shift_left3A_76 : vector<128x512xi32>
    %or3A_78 = arith.ori %or3A_73, %shift_left3A_77 : vector<128x512xi32>
    %swap3A = arith.constant 0 : index
    %swap3A_79 = arith.constant 0 : index
    %swap3A_80 = arith.constant 0 : index
    %swap3A_81 = vector.load %arg4[%swap3A, %swap3A_79, %swap3A_80] : memref<1x128x512xi32, #tpu.memory_space<vmem>>, vector<1x128x512xi32>
    %swap3A_82 = vector.shape_cast %swap3A_81 : vector<1x128x512xi32> to vector<128x512xi32>
    %swap3A_83 = vector.shape_cast %or3A_78 : vector<128x512xi32> to vector<1x128x512xi32>
    tpu.vector_store %arg4[%swap3A, %swap3A_79, %swap3A_80], %swap3A_83 {strides = array<i32>} : memref<1x128x512xi32, #tpu.memory_space<vmem>>, vector<1x128x512xi32>,
    return
  }
  func.func @transform_0(%arg0: i32, %arg1: i32) -> (i32, i32, i32) {
    %c0_i32 = arith.constant 0 : i32
    %c0_i32_0 = arith.constant 0 : i32
    return %arg0, %arg1, %c0_i32 : i32, i32, i32
  }
  func.func @transform_1(%arg0: i32, %arg1: i32) -> (i32, i32, i32) {
    %c0_i32 = arith.constant 0 : i32
    %c0_i32_0 = arith.constant 0 : i32
    %c0_i32_1 = arith.constant 0 : i32
    return %arg0, %c0_i32, %c0_i32_0 : i32, i32, i32
  }
  func.func @transform_2(%arg0: i32, %arg1: i32) -> (i32, i32, i32) {
    %c0_i32 = arith.constant 0 : i32
    %c0_i32_0 = arith.constant 0 : i32
    return %arg0, %arg1, %c0_i32 : i32, i32, i32
  }
}

module attributes {stable_mosaic.version = 14 : i64} {
  func.func @_fps_body(%arg0: memref<8x512xf32, #tpu.memory_space<vmem>>, %arg1: memref<8x512xf32, #tpu.memory_space<vmem>>, %arg2: memref<8x512xf32, #tpu.memory_space<vmem>>, %arg3: memref<8x128xf32, #tpu.memory_space<vmem>>, %arg4: memref<8x128xf32, #tpu.memory_space<vmem>>, %arg5: memref<8x128xf32, #tpu.memory_space<vmem>>, %arg6: memref<8x128xf32, #tpu.memory_space<vmem>>) attributes {dimension_semantics = [], scalar_prefetch = 0 : i64, scratch_operands = 0 : i64, tpu.core_type = #tpu.core_type<tc>} {
    %get3A = arith.constant 0 : index
    %get3A_0 = arith.constant 0 : index
    %get3A_1 = vector.load %arg0[%get3A, %get3A_0] : memref<8x512xf32, #tpu.memory_space<vmem>>, vector<8x512xf32>
    %get3A_2 = arith.constant 0 : index
    %get3A_3 = arith.constant 0 : index
    %get3A_4 = vector.load %arg1[%get3A_2, %get3A_3] : memref<8x512xf32, #tpu.memory_space<vmem>>, vector<8x512xf32>
    %get3A_5 = arith.constant 0 : index
    %get3A_6 = arith.constant 0 : index
    %get3A_7 = vector.load %arg2[%get3A_5, %get3A_6] : memref<8x512xf32, #tpu.memory_space<vmem>>, vector<8x512xf32>
    %iota3A = tpu.iota {dimensions = array<i32: 1>} : vector<8x512xi32>
    %iota3A_8 = tpu.iota {dimensions = array<i32: 1>} : vector<8x128xi32>
    %broadcast_in_dim3A = arith.constant 0.000000e+00 : f32
    %broadcast_in_dim3A_9 = vector.broadcast %broadcast_in_dim3A : f32 to vector<8x128xf32>
    %swap3A = arith.constant 0 : index
    %swap3A_10 = arith.constant 0 : index
    %swap3A_11 = vector.load %arg3[%swap3A, %swap3A_10] : memref<8x128xf32, #tpu.memory_space<vmem>>, vector<8x128xf32>
    tpu.vector_store %arg3[%swap3A, %swap3A_10], %broadcast_in_dim3A_9 {strides = array<i32>} : memref<8x128xf32, #tpu.memory_space<vmem>>, vector<8x128xf32>,
    %broadcast_in_dim3A_12 = arith.constant 0.000000e+00 : f32
    %broadcast_in_dim3A_13 = vector.broadcast %broadcast_in_dim3A_12 : f32 to vector<8x128xf32>
    %swap3A_14 = arith.constant 0 : index
    %swap3A_15 = arith.constant 0 : index
    %swap3A_16 = vector.load %arg4[%swap3A_14, %swap3A_15] : memref<8x128xf32, #tpu.memory_space<vmem>>, vector<8x128xf32>
    tpu.vector_store %arg4[%swap3A_14, %swap3A_15], %broadcast_in_dim3A_13 {strides = array<i32>} : memref<8x128xf32, #tpu.memory_space<vmem>>, vector<8x128xf32>,
    %broadcast_in_dim3A_17 = arith.constant 0.000000e+00 : f32
    %broadcast_in_dim3A_18 = vector.broadcast %broadcast_in_dim3A_17 : f32 to vector<8x128xf32>
    %swap3A_19 = arith.constant 0 : index
    %swap3A_20 = arith.constant 0 : index
    %swap3A_21 = vector.load %arg5[%swap3A_19, %swap3A_20] : memref<8x128xf32, #tpu.memory_space<vmem>>, vector<8x128xf32>
    tpu.vector_store %arg5[%swap3A_19, %swap3A_20], %broadcast_in_dim3A_18 {strides = array<i32>} : memref<8x128xf32, #tpu.memory_space<vmem>>, vector<8x128xf32>,
    %broadcast_in_dim3A_22 = arith.constant 0.000000e+00 : f32
    %broadcast_in_dim3A_23 = vector.broadcast %broadcast_in_dim3A_22 : f32 to vector<8x128xf32>
    %swap3A_24 = arith.constant 0 : index
    %swap3A_25 = arith.constant 0 : index
    %swap3A_26 = vector.load %arg6[%swap3A_24, %swap3A_25] : memref<8x128xf32, #tpu.memory_space<vmem>>, vector<8x128xf32>
    tpu.vector_store %arg6[%swap3A_24, %swap3A_25], %broadcast_in_dim3A_23 {strides = array<i32>} : memref<8x128xf32, #tpu.memory_space<vmem>>, vector<8x128xf32>,
    %broadcast_in_dim3A_27 = arith.constant 1.000000e+10 : f32
    %broadcast_in_dim3A_28 = vector.broadcast %broadcast_in_dim3A_27 : f32 to vector<8x512xf32>
    %broadcast_in_dim3A_29 = arith.constant 0 : i32
    %broadcast_in_dim3A_30 = vector.broadcast %broadcast_in_dim3A_29 : i32 to vector<8x1xi32>
    %scan3A = arith.constant 0 : i32
    %scan3A_31 = arith.constant 128 : i32
    %scan3A_32 = arith.addi %scan3A, %scan3A_31 : i32
    %scan3A_33 = arith.constant 1 : i32
    %scan3A_34:2 = scf.for %scan3A_36 = %scan3A to %scan3A_32 step %scan3A_33 iter_args(%scan3A_37 = %broadcast_in_dim3A_28, %scan3A_38 = %broadcast_in_dim3A_30) -> (vector<8x512xf32>, vector<8x1xi32>)  : i32 {
      %eq3A = vector.broadcast %scan3A_36 : i32 to vector<8x128xi32>
      %eq3A_39 = arith.cmpi eq, %iota3A_8, %eq3A : vector<8x128xi32>
      %convert_element_type3A = arith.extui %eq3A_39 : vector<8x128xi1> to vector<8x128xi32>
      %convert_element_type3A_40 = arith.sitofp %convert_element_type3A : vector<8x128xi32> to vector<8x128xf32>
      %get3A_41 = arith.constant 0 : index
      %get3A_42 = arith.constant 0 : index
      %get3A_43 = vector.load %arg3[%get3A_41, %get3A_42] : memref<8x128xf32, #tpu.memory_space<vmem>>, vector<8x128xf32>
      %convert_element_type3A_44 = arith.sitofp %scan3A_38 : vector<8x1xi32> to vector<8x1xf32>
      %mul3A = vector.broadcast %convert_element_type3A_44 : vector<8x1xf32> to vector<8x128xf32>
      %mul3A_45 = arith.mulf %convert_element_type3A_40, %mul3A : vector<8x128xf32>
      %add3A = arith.addf %get3A_43, %mul3A_45 : vector<8x128xf32>
      %swap3A_46 = arith.constant 0 : index
      %swap3A_47 = arith.constant 0 : index
      %swap3A_48 = vector.load %arg3[%swap3A_46, %swap3A_47] : memref<8x128xf32, #tpu.memory_space<vmem>>, vector<8x128xf32>
      tpu.vector_store %arg3[%swap3A_46, %swap3A_47], %add3A {strides = array<i32>} : memref<8x128xf32, #tpu.memory_space<vmem>>, vector<8x128xf32>,
      %eq3A_49 = vector.broadcast %scan3A_38 : vector<8x1xi32> to vector<8x512xi32>
      %eq3A_50 = arith.cmpi eq, %iota3A, %eq3A_49 : vector<8x512xi32>
      %jit3A = arith.constant 0.000000e+00 : f32
      %broadcast_in_dim3A_51 = vector.broadcast %jit3A : f32 to vector<8x512xf32>
      %select_n3A = arith.select %eq3A_50, %get3A_1, %broadcast_in_dim3A_51 : vector<8x512xi1>, vector<8x512xf32>
      %reduce_sum3A = arith.constant dense<0.000000e+00> : vector<8xf32>
      %reduce_sum3A_52 = vector.multi_reduction <add>, %select_n3A, %reduce_sum3A [1] : vector<8x512xf32> to vector<8xf32>
      %broadcast_in_dim3A_53 = vector.shape_cast %reduce_sum3A_52 : vector<8xf32> to vector<8x1xf32>
      %jit3A_54 = arith.constant 0.000000e+00 : f32
      %broadcast_in_dim3A_55 = vector.broadcast %jit3A_54 : f32 to vector<8x512xf32>
      %select_n3A_56 = arith.select %eq3A_50, %get3A_4, %broadcast_in_dim3A_55 : vector<8x512xi1>, vector<8x512xf32>
      %reduce_sum3A_57 = arith.constant dense<0.000000e+00> : vector<8xf32>
      %reduce_sum3A_58 = vector.multi_reduction <add>, %select_n3A_56, %reduce_sum3A_57 [1] : vector<8x512xf32> to vector<8xf32>
      %broadcast_in_dim3A_59 = vector.shape_cast %reduce_sum3A_58 : vector<8xf32> to vector<8x1xf32>
      %jit3A_60 = arith.constant 0.000000e+00 : f32
      %broadcast_in_dim3A_61 = vector.broadcast %jit3A_60 : f32 to vector<8x512xf32>
      %select_n3A_62 = arith.select %eq3A_50, %get3A_7, %broadcast_in_dim3A_61 : vector<8x512xi1>, vector<8x512xf32>
      %reduce_sum3A_63 = arith.constant dense<0.000000e+00> : vector<8xf32>
      %reduce_sum3A_64 = vector.multi_reduction <add>, %select_n3A_62, %reduce_sum3A_63 [1] : vector<8x512xf32> to vector<8xf32>
      %broadcast_in_dim3A_65 = vector.shape_cast %reduce_sum3A_64 : vector<8xf32> to vector<8x1xf32>
      %get3A_66 = arith.constant 0 : index
      %get3A_67 = arith.constant 0 : index
      %get3A_68 = vector.load %arg4[%get3A_66, %get3A_67] : memref<8x128xf32, #tpu.memory_space<vmem>>, vector<8x128xf32>
      %mul3A_69 = vector.broadcast %broadcast_in_dim3A_53 : vector<8x1xf32> to vector<8x128xf32>
      %mul3A_70 = arith.mulf %convert_element_type3A_40, %mul3A_69 : vector<8x128xf32>
      %add3A_71 = arith.addf %get3A_68, %mul3A_70 : vector<8x128xf32>
      %swap3A_72 = arith.constant 0 : index
      %swap3A_73 = arith.constant 0 : index
      %swap3A_74 = vector.load %arg4[%swap3A_72, %swap3A_73] : memref<8x128xf32, #tpu.memory_space<vmem>>, vector<8x128xf32>
      tpu.vector_store %arg4[%swap3A_72, %swap3A_73], %add3A_71 {strides = array<i32>} : memref<8x128xf32, #tpu.memory_space<vmem>>, vector<8x128xf32>,
      %get3A_75 = arith.constant 0 : index
      %get3A_76 = arith.constant 0 : index
      %get3A_77 = vector.load %arg5[%get3A_75, %get3A_76] : memref<8x128xf32, #tpu.memory_space<vmem>>, vector<8x128xf32>
      %mul3A_78 = vector.broadcast %broadcast_in_dim3A_59 : vector<8x1xf32> to vector<8x128xf32>
      %mul3A_79 = arith.mulf %convert_element_type3A_40, %mul3A_78 : vector<8x128xf32>
      %add3A_80 = arith.addf %get3A_77, %mul3A_79 : vector<8x128xf32>
      %swap3A_81 = arith.constant 0 : index
      %swap3A_82 = arith.constant 0 : index
      %swap3A_83 = vector.load %arg5[%swap3A_81, %swap3A_82] : memref<8x128xf32, #tpu.memory_space<vmem>>, vector<8x128xf32>
      tpu.vector_store %arg5[%swap3A_81, %swap3A_82], %add3A_80 {strides = array<i32>} : memref<8x128xf32, #tpu.memory_space<vmem>>, vector<8x128xf32>,
      %get3A_84 = arith.constant 0 : index
      %get3A_85 = arith.constant 0 : index
      %get3A_86 = vector.load %arg6[%get3A_84, %get3A_85] : memref<8x128xf32, #tpu.memory_space<vmem>>, vector<8x128xf32>
      %mul3A_87 = vector.broadcast %broadcast_in_dim3A_65 : vector<8x1xf32> to vector<8x128xf32>
      %mul3A_88 = arith.mulf %convert_element_type3A_40, %mul3A_87 : vector<8x128xf32>
      %add3A_89 = arith.addf %get3A_86, %mul3A_88 : vector<8x128xf32>
      %swap3A_90 = arith.constant 0 : index
      %swap3A_91 = arith.constant 0 : index
      %swap3A_92 = vector.load %arg6[%swap3A_90, %swap3A_91] : memref<8x128xf32, #tpu.memory_space<vmem>>, vector<8x128xf32>
      tpu.vector_store %arg6[%swap3A_90, %swap3A_91], %add3A_89 {strides = array<i32>} : memref<8x128xf32, #tpu.memory_space<vmem>>, vector<8x128xf32>,
      %sub3A = vector.broadcast %broadcast_in_dim3A_53 : vector<8x1xf32> to vector<8x512xf32>
      %sub3A_93 = arith.subf %get3A_1, %sub3A : vector<8x512xf32>
      %sub3A_94 = vector.broadcast %broadcast_in_dim3A_59 : vector<8x1xf32> to vector<8x512xf32>
      %sub3A_95 = arith.subf %get3A_4, %sub3A_94 : vector<8x512xf32>
      %sub3A_96 = vector.broadcast %broadcast_in_dim3A_65 : vector<8x1xf32> to vector<8x512xf32>
      %sub3A_97 = arith.subf %get3A_7, %sub3A_96 : vector<8x512xf32>
      %mul3A_98 = arith.mulf %sub3A_93, %sub3A_93 : vector<8x512xf32>
      %mul3A_99 = arith.mulf %sub3A_95, %sub3A_95 : vector<8x512xf32>
      %add3A_100 = arith.addf %mul3A_98, %mul3A_99 : vector<8x512xf32>
      %mul3A_101 = arith.mulf %sub3A_97, %sub3A_97 : vector<8x512xf32>
      %add3A_102 = arith.addf %add3A_100, %mul3A_101 : vector<8x512xf32>
      %min3A = arith.minimumf %scan3A_37, %add3A_102 : vector<8x512xf32>
      %reduce_max3A = arith.constant dense<0xFF800000> : vector<8xf32>
      %reduce_max3A_103 = vector.multi_reduction <maximumf>, %min3A, %reduce_max3A [1] : vector<8x512xf32> to vector<8xf32>
      %broadcast_in_dim3A_104 = vector.shape_cast %reduce_max3A_103 : vector<8xf32> to vector<8x1xf32>
      %eq3A_105 = vector.broadcast %broadcast_in_dim3A_104 : vector<8x1xf32> to vector<8x512xf32>
      %eq3A_106 = arith.cmpf oeq, %min3A, %eq3A_105 : vector<8x512xf32>
      %jit3A_107 = arith.constant 512 : i32
      %broadcast_in_dim3A_108 = vector.broadcast %jit3A_107 : i32 to vector<8x512xi32>
      %select_n3A_109 = arith.select %eq3A_106, %iota3A, %broadcast_in_dim3A_108 : vector<8x512xi1>, vector<8x512xi32>
      %reduce_min3A = arith.constant dense<2147483647> : vector<8xi32>
      %reduce_min3A_110 = vector.multi_reduction <minsi>, %select_n3A_109, %reduce_min3A [1] : vector<8x512xi32> to vector<8xi32>
      %broadcast_in_dim3A_111 = vector.shape_cast %reduce_min3A_110 : vector<8xi32> to vector<8x1xi32>
      scf.yield %min3A, %broadcast_in_dim3A_111 : vector<8x512xf32>, vector<8x1xi32>
    }
    %scan3A_35 = arith.constant 128 : i32
    return
  }
}

module attributes {stable_mosaic.version = 14 : i64} {
  func.func @_mask_body(%arg0: i32, %arg1: i32, %arg2: memref<1x128x3xf32, #tpu.memory_space<vmem>>, %arg3: memref<1x512x3xf32, #tpu.memory_space<vmem>>, %arg4: memref<1x128x64xi32, #tpu.memory_space<vmem>>) attributes {dimension_semantics = [#tpu.dimension_semantics<arbitrary>, #tpu.dimension_semantics<arbitrary>], iteration_bounds = array<i64: 8, 1>, scalar_prefetch = 0 : i64, scratch_operands = 0 : i64, tpu.core_type = #tpu.core_type<tc>, window_params = [{transform_indices = @transform_0, window_bounds = array<i64: 1, 128, 3>}, {transform_indices = @transform_1, window_bounds = array<i64: 1, 512, 3>}, {transform_indices = @transform_2, window_bounds = array<i64: 1, 128, 64>}]} {
    %get3A = arith.constant 0 : index
    %get3A_0 = arith.constant 0 : index
    %get3A_1 = arith.constant 0 : index
    %get3A_2 = vector.load %arg2[%get3A, %get3A_0, %get3A_1] : memref<1x128x3xf32, #tpu.memory_space<vmem>>, vector<1x128x3xf32>
    %get3A_3 = vector.shape_cast %get3A_2 : vector<1x128x3xf32> to vector<128x3xf32>
    %get3A_4 = arith.constant 0 : index
    %get3A_5 = arith.constant 0 : index
    %get3A_6 = arith.constant 0 : index
    %get3A_7 = vector.load %arg3[%get3A_4, %get3A_5, %get3A_6] : memref<1x512x3xf32, #tpu.memory_space<vmem>>, vector<1x512x3xf32>
    %get3A_8 = vector.shape_cast %get3A_7 : vector<1x512x3xf32> to vector<512x3xf32>
    %mul3A = arith.mulf %get3A_3, %get3A_3 : vector<128x3xf32>
    %reduce_sum3A = arith.constant dense<0.000000e+00> : vector<128xf32>
    %reduce_sum3A_9 = vector.multi_reduction <add>, %mul3A, %reduce_sum3A [1] : vector<128x3xf32> to vector<128xf32>
    %broadcast_in_dim3A = vector.shape_cast %reduce_sum3A_9 : vector<128xf32> to vector<128x1xf32>
    %mul3A_10 = arith.mulf %get3A_8, %get3A_8 : vector<512x3xf32>
    %reduce_sum3A_11 = arith.constant dense<0.000000e+00> : vector<512xf32>
    %reduce_sum3A_12 = vector.multi_reduction <add>, %mul3A_10, %reduce_sum3A_11 [1] : vector<512x3xf32> to vector<512xf32>
    %broadcast_in_dim3A_13 = vector.shape_cast %reduce_sum3A_12 : vector<512xf32> to vector<1x512xf32>
    %add3A = vector.broadcast %broadcast_in_dim3A : vector<128x1xf32> to vector<128x512xf32>
    %add3A_14 = vector.broadcast %broadcast_in_dim3A_13 : vector<1x512xf32> to vector<128x512xf32>
    %add3A_15 = arith.addf %add3A, %add3A_14 : vector<128x512xf32>
    %dot_general3A = arith.constant dense<0.000000e+00> : vector<128x512xf32>
    %dot_general3A_16 = tpu.matmul %get3A_3, %get3A_8, %dot_general3A {dimension_numbers = #tpu.dot_dimension_numbers<[1], [1], [0], [0], [0, 0, 1, 0], [], []>, transpose_lhs_hint = false} : vector<128x3xf32>, vector<512x3xf32>, vector<128x512xf32> -> vector<128x512xf32>
    %mul3A_17 = arith.constant 2.000000e+00 : f32
    %mul3A_18 = vector.broadcast %mul3A_17 : f32 to vector<128x512xf32>
    %mul3A_19 = arith.mulf %mul3A_18, %dot_general3A_16 : vector<128x512xf32>
    %sub3A = arith.subf %add3A_15, %mul3A_19 : vector<128x512xf32>
    %broadcast_in_dim3A_20 = arith.constant 0 : i32
    %broadcast_in_dim3A_21 = vector.broadcast %broadcast_in_dim3A_20 : i32 to vector<128x512xi32>
    %gt3A = arith.constant 1.600000e-01 : f32
    %gt3A_22 = vector.broadcast %gt3A : f32 to vector<128x512xf32>
    %gt3A_23 = arith.cmpf ogt, %sub3A, %gt3A_22 : vector<128x512xf32>
    %jit3A = arith.constant 0 : i32
    %jit3A_24 = arith.constant 1 : i32
    %broadcast_in_dim3A_25 = vector.broadcast %jit3A : i32 to vector<128x512xi32>
    %broadcast_in_dim3A_26 = vector.broadcast %jit3A_24 : i32 to vector<128x512xi32>
    %select_n3A = arith.select %gt3A_23, %broadcast_in_dim3A_25, %broadcast_in_dim3A_26 : vector<128x512xi1>, vector<128x512xi32>
    %add3A_27 = arith.addi %broadcast_in_dim3A_21, %select_n3A : vector<128x512xi32>
    %gt3A_28 = arith.constant 6.400000e-01 : f32
    %gt3A_29 = vector.broadcast %gt3A_28 : f32 to vector<128x512xf32>
    %gt3A_30 = arith.cmpf ogt, %sub3A, %gt3A_29 : vector<128x512xf32>
    %jit3A_31 = arith.constant 0 : i32
    %jit3A_32 = arith.constant 2 : i32
    %broadcast_in_dim3A_33 = vector.broadcast %jit3A_31 : i32 to vector<128x512xi32>
    %broadcast_in_dim3A_34 = vector.broadcast %jit3A_32 : i32 to vector<128x512xi32>
    %select_n3A_35 = arith.select %gt3A_30, %broadcast_in_dim3A_33, %broadcast_in_dim3A_34 : vector<128x512xi1>, vector<128x512xi32>
    %add3A_36 = arith.addi %add3A_27, %select_n3A_35 : vector<128x512xi32>
    %slice3A = vector.extract_strided_slice %add3A_36 {offsets = [0, 0], sizes = [128, 64], strides = [1, 1]} : vector<128x512xi32> to vector<128x64xi32>
    %slice3A_37 = vector.extract_strided_slice %add3A_36 {offsets = [0, 64], sizes = [128, 64], strides = [1, 1]} : vector<128x512xi32> to vector<128x64xi32>
    %shift_left3A = arith.constant 2 : i32
    %shift_left3A_38 = vector.broadcast %shift_left3A : i32 to vector<128x64xi32>
    %shift_left3A_39 = arith.shli %slice3A_37, %shift_left3A_38 : vector<128x64xi32>
    %or3A = arith.ori %slice3A, %shift_left3A_39 : vector<128x64xi32>
    %slice3A_40 = vector.extract_strided_slice %add3A_36 {offsets = [0, 128], sizes = [128, 64], strides = [1, 1]} : vector<128x512xi32> to vector<128x64xi32>
    %shift_left3A_41 = arith.constant 4 : i32
    %shift_left3A_42 = vector.broadcast %shift_left3A_41 : i32 to vector<128x64xi32>
    %shift_left3A_43 = arith.shli %slice3A_40, %shift_left3A_42 : vector<128x64xi32>
    %or3A_44 = arith.ori %or3A, %shift_left3A_43 : vector<128x64xi32>
    %slice3A_45 = vector.extract_strided_slice %add3A_36 {offsets = [0, 192], sizes = [128, 64], strides = [1, 1]} : vector<128x512xi32> to vector<128x64xi32>
    %shift_left3A_46 = arith.constant 6 : i32
    %shift_left3A_47 = vector.broadcast %shift_left3A_46 : i32 to vector<128x64xi32>
    %shift_left3A_48 = arith.shli %slice3A_45, %shift_left3A_47 : vector<128x64xi32>
    %or3A_49 = arith.ori %or3A_44, %shift_left3A_48 : vector<128x64xi32>
    %slice3A_50 = vector.extract_strided_slice %add3A_36 {offsets = [0, 256], sizes = [128, 64], strides = [1, 1]} : vector<128x512xi32> to vector<128x64xi32>
    %shift_left3A_51 = arith.constant 8 : i32
    %shift_left3A_52 = vector.broadcast %shift_left3A_51 : i32 to vector<128x64xi32>
    %shift_left3A_53 = arith.shli %slice3A_50, %shift_left3A_52 : vector<128x64xi32>
    %or3A_54 = arith.ori %or3A_49, %shift_left3A_53 : vector<128x64xi32>
    %slice3A_55 = vector.extract_strided_slice %add3A_36 {offsets = [0, 320], sizes = [128, 64], strides = [1, 1]} : vector<128x512xi32> to vector<128x64xi32>
    %shift_left3A_56 = arith.constant 10 : i32
    %shift_left3A_57 = vector.broadcast %shift_left3A_56 : i32 to vector<128x64xi32>
    %shift_left3A_58 = arith.shli %slice3A_55, %shift_left3A_57 : vector<128x64xi32>
    %or3A_59 = arith.ori %or3A_54, %shift_left3A_58 : vector<128x64xi32>
    %slice3A_60 = vector.extract_strided_slice %add3A_36 {offsets = [0, 384], sizes = [128, 64], strides = [1, 1]} : vector<128x512xi32> to vector<128x64xi32>
    %shift_left3A_61 = arith.constant 12 : i32
    %shift_left3A_62 = vector.broadcast %shift_left3A_61 : i32 to vector<128x64xi32>
    %shift_left3A_63 = arith.shli %slice3A_60, %shift_left3A_62 : vector<128x64xi32>
    %or3A_64 = arith.ori %or3A_59, %shift_left3A_63 : vector<128x64xi32>
    %slice3A_65 = vector.extract_strided_slice %add3A_36 {offsets = [0, 448], sizes = [128, 64], strides = [1, 1]} : vector<128x512xi32> to vector<128x64xi32>
    %shift_left3A_66 = arith.constant 14 : i32
    %shift_left3A_67 = vector.broadcast %shift_left3A_66 : i32 to vector<128x64xi32>
    %shift_left3A_68 = arith.shli %slice3A_65, %shift_left3A_67 : vector<128x64xi32>
    %or3A_69 = arith.ori %or3A_64, %shift_left3A_68 : vector<128x64xi32>
    %swap3A = arith.constant 0 : index
    %swap3A_70 = arith.constant 0 : index
    %swap3A_71 = arith.constant 0 : index
    %swap3A_72 = vector.load %arg4[%swap3A, %swap3A_70, %swap3A_71] : memref<1x128x64xi32, #tpu.memory_space<vmem>>, vector<1x128x64xi32>
    %swap3A_73 = vector.shape_cast %swap3A_72 : vector<1x128x64xi32> to vector<128x64xi32>
    %swap3A_74 = vector.shape_cast %or3A_69 : vector<128x64xi32> to vector<1x128x64xi32>
    tpu.vector_store %arg4[%swap3A, %swap3A_70, %swap3A_71], %swap3A_74 {strides = array<i32>} : memref<1x128x64xi32, #tpu.memory_space<vmem>>, vector<1x128x64xi32>,
    return
  }
  func.func @transform_0(%arg0: i32, %arg1: i32) -> (i32, i32, i32) {
    %c0_i32 = arith.constant 0 : i32
    %c0_i32_0 = arith.constant 0 : i32
    return %arg0, %arg1, %c0_i32 : i32, i32, i32
  }
  func.func @transform_1(%arg0: i32, %arg1: i32) -> (i32, i32, i32) {
    %c0_i32 = arith.constant 0 : i32
    %c0_i32_0 = arith.constant 0 : i32
    %c0_i32_1 = arith.constant 0 : i32
    return %arg0, %c0_i32, %c0_i32_0 : i32, i32, i32
  }
  func.func @transform_2(%arg0: i32, %arg1: i32) -> (i32, i32, i32) {
    %c0_i32 = arith.constant 0 : i32
    %c0_i32_0 = arith.constant 0 : i32
    return %arg0, %arg1, %c0_i32 : i32, i32, i32
  }
}

module attributes {stable_mosaic.version = 14 : i64} {
  func.func @_sa1_mlp_body(%arg0: i32, %arg1: memref<8192x16xf32, #tpu.memory_space<vmem>>, %arg2: memref<64x3xf32, #tpu.memory_space<vmem>>, %arg3: memref<3x64xf32, #tpu.memory_space<vmem>>, %arg4: memref<1x64xf32, #tpu.memory_space<vmem>>, %arg5: memref<64x96xf32, #tpu.memory_space<vmem>>, %arg6: memref<1x96xf32, #tpu.memory_space<vmem>>, %arg7: memref<96x128xf32, #tpu.memory_space<vmem>>, %arg8: memref<1x128xf32, #tpu.memory_space<vmem>>, %arg9: memref<64x128xf32, #tpu.memory_space<vmem>>) attributes {dimension_semantics = [#tpu.dimension_semantics<arbitrary>], iteration_bounds = array<i64: 64>, scalar_prefetch = 0 : i64, scratch_operands = 0 : i64, tpu.core_type = #tpu.core_type<tc>, window_params = [{transform_indices = @transform_0, window_bounds = array<i64: 8192, 16>}, {transform_indices = @transform_1, window_bounds = array<i64: 64, 3>}, {pipeline_mode = #tpu.pipeline_mode<synchronous>, transform_indices = @transform_2, window_bounds = array<i64: 3, 64>}, {pipeline_mode = #tpu.pipeline_mode<synchronous>, transform_indices = @transform_3, window_bounds = array<i64: 1, 64>}, {pipeline_mode = #tpu.pipeline_mode<synchronous>, transform_indices = @transform_4, window_bounds = array<i64: 64, 96>}, {pipeline_mode = #tpu.pipeline_mode<synchronous>, transform_indices = @transform_5, window_bounds = array<i64: 1, 96>}, {pipeline_mode = #tpu.pipeline_mode<synchronous>, transform_indices = @transform_6, window_bounds = array<i64: 96, 128>}, {pipeline_mode = #tpu.pipeline_mode<synchronous>, transform_indices = @transform_7, window_bounds = array<i64: 1, 128>}, {transform_indices = @transform_8, window_bounds = array<i64: 64, 128>}]} {
    %get3A = arith.constant 0 : index
    %get3A_0 = arith.constant 0 : index
    %get3A_1 = vector.load %arg2[%get3A, %get3A_0] : memref<64x3xf32, #tpu.memory_space<vmem>>, vector<64x3xf32>
    %get3A_2 = arith.constant 0 : index
    %get3A_3 = arith.constant 0 : index
    %get3A_4 = vector.load %arg1[%get3A_2, %get3A_3] : memref<8192x16xf32, #tpu.memory_space<vmem>>, vector<8192x16xf32>
    %reshape3A = vector.shape_cast %get3A_4 : vector<8192x16xf32> to vector<64x128x16xf32>
    %slice3A = vector.extract_strided_slice %reshape3A {offsets = [0, 0, 0], sizes = [64, 128, 3], strides = [1, 1, 1]} : vector<64x128x16xf32> to vector<64x128x3xf32>
    %broadcast_in_dim3A = vector.shape_cast %get3A_1 : vector<64x3xf32> to vector<64x1x3xf32>
    %sub3A = vector.broadcast %broadcast_in_dim3A : vector<64x1x3xf32> to vector<64x128x3xf32>
    %sub3A_5 = arith.subf %slice3A, %sub3A : vector<64x128x3xf32>
    %reshape3A_6 = vector.shape_cast %sub3A_5 : vector<64x128x3xf32> to vector<8192x3xf32>
    %get3A_7 = arith.constant 0 : index
    %get3A_8 = arith.constant 0 : index
    %get3A_9 = vector.load %arg3[%get3A_7, %get3A_8] : memref<3x64xf32, #tpu.memory_space<vmem>>, vector<3x64xf32>
    %dot_general3A = arith.constant dense<0.000000e+00> : vector<8192x64xf32>
    %dot_general3A_10 = tpu.matmul %reshape3A_6, %get3A_9, %dot_general3A {dimension_numbers = #tpu.dot_dimension_numbers<[1], [0], [0], [1], [0, 0, 1, 1], [], []>, transpose_lhs_hint = false} : vector<8192x3xf32>, vector<3x64xf32>, vector<8192x64xf32> -> vector<8192x64xf32>
    %get3A_11 = arith.constant 0 : index
    %get3A_12 = arith.constant 0 : index
    %get3A_13 = vector.load %arg4[%get3A_11, %get3A_12] : memref<1x64xf32, #tpu.memory_space<vmem>>, vector<1x64xf32>
    %squeeze3A = vector.shape_cast %get3A_13 : vector<1x64xf32> to vector<64xf32>
    %broadcast_in_dim3A_14 = vector.shape_cast %squeeze3A : vector<64xf32> to vector<1x64xf32>
    %add3A = vector.broadcast %broadcast_in_dim3A_14 : vector<1x64xf32> to vector<8192x64xf32>
    %add3A_15 = arith.addf %dot_general3A_10, %add3A : vector<8192x64xf32>
    %max3A = arith.constant 0.000000e+00 : f32
    %max3A_16 = vector.broadcast %max3A : f32 to vector<8192x64xf32>
    %max3A_17 = arith.maximumf %add3A_15, %max3A_16 : vector<8192x64xf32>
    %get3A_18 = arith.constant 0 : index
    %get3A_19 = arith.constant 0 : index
    %get3A_20 = vector.load %arg5[%get3A_18, %get3A_19] : memref<64x96xf32, #tpu.memory_space<vmem>>, vector<64x96xf32>
    %dot_general3A_21 = arith.constant dense<0.000000e+00> : vector<8192x96xf32>
    %dot_general3A_22 = tpu.matmul %max3A_17, %get3A_20, %dot_general3A_21 {dimension_numbers = #tpu.dot_dimension_numbers<[1], [0], [0], [1], [0, 0, 1, 1], [], []>, transpose_lhs_hint = false} : vector<8192x64xf32>, vector<64x96xf32>, vector<8192x96xf32> -> vector<8192x96xf32>
    %get3A_23 = arith.constant 0 : index
    %get3A_24 = arith.constant 0 : index
    %get3A_25 = vector.load %arg6[%get3A_23, %get3A_24] : memref<1x96xf32, #tpu.memory_space<vmem>>, vector<1x96xf32>
    %squeeze3A_26 = vector.shape_cast %get3A_25 : vector<1x96xf32> to vector<96xf32>
    %broadcast_in_dim3A_27 = vector.shape_cast %squeeze3A_26 : vector<96xf32> to vector<1x96xf32>
    %add3A_28 = vector.broadcast %broadcast_in_dim3A_27 : vector<1x96xf32> to vector<8192x96xf32>
    %add3A_29 = arith.addf %dot_general3A_22, %add3A_28 : vector<8192x96xf32>
    %max3A_30 = arith.constant 0.000000e+00 : f32
    %max3A_31 = vector.broadcast %max3A_30 : f32 to vector<8192x96xf32>
    %max3A_32 = arith.maximumf %add3A_29, %max3A_31 : vector<8192x96xf32>
    %get3A_33 = arith.constant 0 : index
    %get3A_34 = arith.constant 0 : index
    %get3A_35 = vector.load %arg7[%get3A_33, %get3A_34] : memref<96x128xf32, #tpu.memory_space<vmem>>, vector<96x128xf32>
    %dot_general3A_36 = arith.constant dense<0.000000e+00> : vector<8192x128xf32>
    %dot_general3A_37 = tpu.matmul %max3A_32, %get3A_35, %dot_general3A_36 {dimension_numbers = #tpu.dot_dimension_numbers<[1], [0], [0], [1], [0, 0, 1, 1], [], []>, transpose_lhs_hint = false} : vector<8192x96xf32>, vector<96x128xf32>, vector<8192x128xf32> -> vector<8192x128xf32>
    %get3A_38 = arith.constant 0 : index
    %get3A_39 = arith.constant 0 : index
    %get3A_40 = vector.load %arg8[%get3A_38, %get3A_39] : memref<1x128xf32, #tpu.memory_space<vmem>>, vector<1x128xf32>
    %squeeze3A_41 = vector.shape_cast %get3A_40 : vector<1x128xf32> to vector<128xf32>
    %broadcast_in_dim3A_42 = vector.shape_cast %squeeze3A_41 : vector<128xf32> to vector<1x128xf32>
    %add3A_43 = vector.broadcast %broadcast_in_dim3A_42 : vector<1x128xf32> to vector<8192x128xf32>
    %add3A_44 = arith.addf %dot_general3A_37, %add3A_43 : vector<8192x128xf32>
    %max3A_45 = arith.constant 0.000000e+00 : f32
    %max3A_46 = vector.broadcast %max3A_45 : f32 to vector<8192x128xf32>
    %max3A_47 = arith.maximumf %add3A_44, %max3A_46 : vector<8192x128xf32>
    %reshape3A_48 = vector.shape_cast %max3A_47 : vector<8192x128xf32> to vector<64x128x128xf32>
    %reduce_max3A = arith.constant dense<0xFF800000> : vector<64x128xf32>
    %reduce_max3A_49 = vector.multi_reduction <maximumf>, %reshape3A_48, %reduce_max3A [1] : vector<64x128x128xf32> to vector<64x128xf32>
    %swap3A = arith.constant 0 : index
    %swap3A_50 = arith.constant 0 : index
    %swap3A_51 = vector.load %arg9[%swap3A, %swap3A_50] : memref<64x128xf32, #tpu.memory_space<vmem>>, vector<64x128xf32>
    tpu.vector_store %arg9[%swap3A, %swap3A_50], %reduce_max3A_49 {strides = array<i32>} : memref<64x128xf32, #tpu.memory_space<vmem>>, vector<64x128xf32>,
    return
  }
  func.func @transform_0(%arg0: i32) -> (i32, i32) {
    %c0_i32 = arith.constant 0 : i32
    %c0_i32_0 = arith.constant 0 : i32
    return %arg0, %c0_i32 : i32, i32
  }
  func.func @transform_1(%arg0: i32) -> (i32, i32) {
    %c0_i32 = arith.constant 0 : i32
    %c0_i32_0 = arith.constant 0 : i32
    return %arg0, %c0_i32 : i32, i32
  }
  func.func @transform_2(%arg0: i32) -> (i32, i32) {
    %c0_i32 = arith.constant 0 : i32
    %c0_i32_0 = arith.constant 0 : i32
    %c0_i32_1 = arith.constant 0 : i32
    return %c0_i32, %c0_i32_0 : i32, i32
  }
  func.func @transform_3(%arg0: i32) -> (i32, i32) {
    %c0_i32 = arith.constant 0 : i32
    %c0_i32_0 = arith.constant 0 : i32
    %c0_i32_1 = arith.constant 0 : i32
    return %c0_i32, %c0_i32_0 : i32, i32
  }
  func.func @transform_4(%arg0: i32) -> (i32, i32) {
    %c0_i32 = arith.constant 0 : i32
    %c0_i32_0 = arith.constant 0 : i32
    %c0_i32_1 = arith.constant 0 : i32
    return %c0_i32, %c0_i32_0 : i32, i32
  }
  func.func @transform_5(%arg0: i32) -> (i32, i32) {
    %c0_i32 = arith.constant 0 : i32
    %c0_i32_0 = arith.constant 0 : i32
    %c0_i32_1 = arith.constant 0 : i32
    return %c0_i32, %c0_i32_0 : i32, i32
  }
  func.func @transform_6(%arg0: i32) -> (i32, i32) {
    %c0_i32 = arith.constant 0 : i32
    %c0_i32_0 = arith.constant 0 : i32
    %c0_i32_1 = arith.constant 0 : i32
    return %c0_i32, %c0_i32_0 : i32, i32
  }
  func.func @transform_7(%arg0: i32) -> (i32, i32) {
    %c0_i32 = arith.constant 0 : i32
    %c0_i32_0 = arith.constant 0 : i32
    %c0_i32_1 = arith.constant 0 : i32
    return %c0_i32, %c0_i32_0 : i32, i32
  }
  func.func @transform_8(%arg0: i32) -> (i32, i32) {
    %c0_i32 = arith.constant 0 : i32
    %c0_i32_0 = arith.constant 0 : i32
    return %arg0, %c0_i32 : i32, i32
  }
}

module attributes {stable_mosaic.version = 14 : i64} {
  func.func @_sa1_mlp_body(%arg0: i32, %arg1: memref<4096x16xf32, #tpu.memory_space<vmem>>, %arg2: memref<64x3xf32, #tpu.memory_space<vmem>>, %arg3: memref<3x64xf32, #tpu.memory_space<vmem>>, %arg4: memref<1x64xf32, #tpu.memory_space<vmem>>, %arg5: memref<64x64xf32, #tpu.memory_space<vmem>>, %arg6: memref<1x64xf32, #tpu.memory_space<vmem>>, %arg7: memref<64x128xf32, #tpu.memory_space<vmem>>, %arg8: memref<1x128xf32, #tpu.memory_space<vmem>>, %arg9: memref<64x128xf32, #tpu.memory_space<vmem>>) attributes {dimension_semantics = [#tpu.dimension_semantics<arbitrary>], iteration_bounds = array<i64: 64>, scalar_prefetch = 0 : i64, scratch_operands = 0 : i64, tpu.core_type = #tpu.core_type<tc>, window_params = [{transform_indices = @transform_0, window_bounds = array<i64: 4096, 16>}, {transform_indices = @transform_1, window_bounds = array<i64: 64, 3>}, {pipeline_mode = #tpu.pipeline_mode<synchronous>, transform_indices = @transform_2, window_bounds = array<i64: 3, 64>}, {pipeline_mode = #tpu.pipeline_mode<synchronous>, transform_indices = @transform_3, window_bounds = array<i64: 1, 64>}, {pipeline_mode = #tpu.pipeline_mode<synchronous>, transform_indices = @transform_4, window_bounds = array<i64: 64, 64>}, {pipeline_mode = #tpu.pipeline_mode<synchronous>, transform_indices = @transform_5, window_bounds = array<i64: 1, 64>}, {pipeline_mode = #tpu.pipeline_mode<synchronous>, transform_indices = @transform_6, window_bounds = array<i64: 64, 128>}, {pipeline_mode = #tpu.pipeline_mode<synchronous>, transform_indices = @transform_7, window_bounds = array<i64: 1, 128>}, {transform_indices = @transform_8, window_bounds = array<i64: 64, 128>}]} {
    %get3A = arith.constant 0 : index
    %get3A_0 = arith.constant 0 : index
    %get3A_1 = vector.load %arg2[%get3A, %get3A_0] : memref<64x3xf32, #tpu.memory_space<vmem>>, vector<64x3xf32>
    %get3A_2 = arith.constant 0 : index
    %get3A_3 = arith.constant 0 : index
    %get3A_4 = vector.load %arg1[%get3A_2, %get3A_3] : memref<4096x16xf32, #tpu.memory_space<vmem>>, vector<4096x16xf32>
    %reshape3A = vector.shape_cast %get3A_4 : vector<4096x16xf32> to vector<64x64x16xf32>
    %slice3A = vector.extract_strided_slice %reshape3A {offsets = [0, 0, 0], sizes = [64, 64, 3], strides = [1, 1, 1]} : vector<64x64x16xf32> to vector<64x64x3xf32>
    %broadcast_in_dim3A = vector.shape_cast %get3A_1 : vector<64x3xf32> to vector<64x1x3xf32>
    %sub3A = vector.broadcast %broadcast_in_dim3A : vector<64x1x3xf32> to vector<64x64x3xf32>
    %sub3A_5 = arith.subf %slice3A, %sub3A : vector<64x64x3xf32>
    %reshape3A_6 = vector.shape_cast %sub3A_5 : vector<64x64x3xf32> to vector<4096x3xf32>
    %get3A_7 = arith.constant 0 : index
    %get3A_8 = arith.constant 0 : index
    %get3A_9 = vector.load %arg3[%get3A_7, %get3A_8] : memref<3x64xf32, #tpu.memory_space<vmem>>, vector<3x64xf32>
    %dot_general3A = arith.constant dense<0.000000e+00> : vector<4096x64xf32>
    %dot_general3A_10 = tpu.matmul %reshape3A_6, %get3A_9, %dot_general3A {dimension_numbers = #tpu.dot_dimension_numbers<[1], [0], [0], [1], [0, 0, 1, 1], [], []>, transpose_lhs_hint = false} : vector<4096x3xf32>, vector<3x64xf32>, vector<4096x64xf32> -> vector<4096x64xf32>
    %get3A_11 = arith.constant 0 : index
    %get3A_12 = arith.constant 0 : index
    %get3A_13 = vector.load %arg4[%get3A_11, %get3A_12] : memref<1x64xf32, #tpu.memory_space<vmem>>, vector<1x64xf32>
    %squeeze3A = vector.shape_cast %get3A_13 : vector<1x64xf32> to vector<64xf32>
    %broadcast_in_dim3A_14 = vector.shape_cast %squeeze3A : vector<64xf32> to vector<1x64xf32>
    %add3A = vector.broadcast %broadcast_in_dim3A_14 : vector<1x64xf32> to vector<4096x64xf32>
    %add3A_15 = arith.addf %dot_general3A_10, %add3A : vector<4096x64xf32>
    %max3A = arith.constant 0.000000e+00 : f32
    %max3A_16 = vector.broadcast %max3A : f32 to vector<4096x64xf32>
    %max3A_17 = arith.maximumf %add3A_15, %max3A_16 : vector<4096x64xf32>
    %get3A_18 = arith.constant 0 : index
    %get3A_19 = arith.constant 0 : index
    %get3A_20 = vector.load %arg5[%get3A_18, %get3A_19] : memref<64x64xf32, #tpu.memory_space<vmem>>, vector<64x64xf32>
    %dot_general3A_21 = arith.constant dense<0.000000e+00> : vector<4096x64xf32>
    %dot_general3A_22 = tpu.matmul %max3A_17, %get3A_20, %dot_general3A_21 {dimension_numbers = #tpu.dot_dimension_numbers<[1], [0], [0], [1], [0, 0, 1, 1], [], []>, transpose_lhs_hint = false} : vector<4096x64xf32>, vector<64x64xf32>, vector<4096x64xf32> -> vector<4096x64xf32>
    %get3A_23 = arith.constant 0 : index
    %get3A_24 = arith.constant 0 : index
    %get3A_25 = vector.load %arg6[%get3A_23, %get3A_24] : memref<1x64xf32, #tpu.memory_space<vmem>>, vector<1x64xf32>
    %squeeze3A_26 = vector.shape_cast %get3A_25 : vector<1x64xf32> to vector<64xf32>
    %broadcast_in_dim3A_27 = vector.shape_cast %squeeze3A_26 : vector<64xf32> to vector<1x64xf32>
    %add3A_28 = vector.broadcast %broadcast_in_dim3A_27 : vector<1x64xf32> to vector<4096x64xf32>
    %add3A_29 = arith.addf %dot_general3A_22, %add3A_28 : vector<4096x64xf32>
    %max3A_30 = arith.constant 0.000000e+00 : f32
    %max3A_31 = vector.broadcast %max3A_30 : f32 to vector<4096x64xf32>
    %max3A_32 = arith.maximumf %add3A_29, %max3A_31 : vector<4096x64xf32>
    %get3A_33 = arith.constant 0 : index
    %get3A_34 = arith.constant 0 : index
    %get3A_35 = vector.load %arg7[%get3A_33, %get3A_34] : memref<64x128xf32, #tpu.memory_space<vmem>>, vector<64x128xf32>
    %dot_general3A_36 = arith.constant dense<0.000000e+00> : vector<4096x128xf32>
    %dot_general3A_37 = tpu.matmul %max3A_32, %get3A_35, %dot_general3A_36 {dimension_numbers = #tpu.dot_dimension_numbers<[1], [0], [0], [1], [0, 0, 1, 1], [], []>, transpose_lhs_hint = false} : vector<4096x64xf32>, vector<64x128xf32>, vector<4096x128xf32> -> vector<4096x128xf32>
    %get3A_38 = arith.constant 0 : index
    %get3A_39 = arith.constant 0 : index
    %get3A_40 = vector.load %arg8[%get3A_38, %get3A_39] : memref<1x128xf32, #tpu.memory_space<vmem>>, vector<1x128xf32>
    %squeeze3A_41 = vector.shape_cast %get3A_40 : vector<1x128xf32> to vector<128xf32>
    %broadcast_in_dim3A_42 = vector.shape_cast %squeeze3A_41 : vector<128xf32> to vector<1x128xf32>
    %add3A_43 = vector.broadcast %broadcast_in_dim3A_42 : vector<1x128xf32> to vector<4096x128xf32>
    %add3A_44 = arith.addf %dot_general3A_37, %add3A_43 : vector<4096x128xf32>
    %max3A_45 = arith.constant 0.000000e+00 : f32
    %max3A_46 = vector.broadcast %max3A_45 : f32 to vector<4096x128xf32>
    %max3A_47 = arith.maximumf %add3A_44, %max3A_46 : vector<4096x128xf32>
    %reshape3A_48 = vector.shape_cast %max3A_47 : vector<4096x128xf32> to vector<64x64x128xf32>
    %reduce_max3A = arith.constant dense<0xFF800000> : vector<64x128xf32>
    %reduce_max3A_49 = vector.multi_reduction <maximumf>, %reshape3A_48, %reduce_max3A [1] : vector<64x64x128xf32> to vector<64x128xf32>
    %swap3A = arith.constant 0 : index
    %swap3A_50 = arith.constant 0 : index
    %swap3A_51 = vector.load %arg9[%swap3A, %swap3A_50] : memref<64x128xf32, #tpu.memory_space<vmem>>, vector<64x128xf32>
    tpu.vector_store %arg9[%swap3A, %swap3A_50], %reduce_max3A_49 {strides = array<i32>} : memref<64x128xf32, #tpu.memory_space<vmem>>, vector<64x128xf32>,
    return
  }
  func.func @transform_0(%arg0: i32) -> (i32, i32) {
    %c0_i32 = arith.constant 0 : i32
    %c0_i32_0 = arith.constant 0 : i32
    return %arg0, %c0_i32 : i32, i32
  }
  func.func @transform_1(%arg0: i32) -> (i32, i32) {
    %c0_i32 = arith.constant 0 : i32
    %c0_i32_0 = arith.constant 0 : i32
    return %arg0, %c0_i32 : i32, i32
  }
  func.func @transform_2(%arg0: i32) -> (i32, i32) {
    %c0_i32 = arith.constant 0 : i32
    %c0_i32_0 = arith.constant 0 : i32
    %c0_i32_1 = arith.constant 0 : i32
    return %c0_i32, %c0_i32_0 : i32, i32
  }
  func.func @transform_3(%arg0: i32) -> (i32, i32) {
    %c0_i32 = arith.constant 0 : i32
    %c0_i32_0 = arith.constant 0 : i32
    %c0_i32_1 = arith.constant 0 : i32
    return %c0_i32, %c0_i32_0 : i32, i32
  }
  func.func @transform_4(%arg0: i32) -> (i32, i32) {
    %c0_i32 = arith.constant 0 : i32
    %c0_i32_0 = arith.constant 0 : i32
    %c0_i32_1 = arith.constant 0 : i32
    return %c0_i32, %c0_i32_0 : i32, i32
  }
  func.func @transform_5(%arg0: i32) -> (i32, i32) {
    %c0_i32 = arith.constant 0 : i32
    %c0_i32_0 = arith.constant 0 : i32
    %c0_i32_1 = arith.constant 0 : i32
    return %c0_i32, %c0_i32_0 : i32, i32
  }
  func.func @transform_6(%arg0: i32) -> (i32, i32) {
    %c0_i32 = arith.constant 0 : i32
    %c0_i32_0 = arith.constant 0 : i32
    %c0_i32_1 = arith.constant 0 : i32
    return %c0_i32, %c0_i32_0 : i32, i32
  }
  func.func @transform_7(%arg0: i32) -> (i32, i32) {
    %c0_i32 = arith.constant 0 : i32
    %c0_i32_0 = arith.constant 0 : i32
    %c0_i32_1 = arith.constant 0 : i32
    return %c0_i32, %c0_i32_0 : i32, i32
  }
  func.func @transform_8(%arg0: i32) -> (i32, i32) {
    %c0_i32 = arith.constant 0 : i32
    %c0_i32_0 = arith.constant 0 : i32
    return %arg0, %c0_i32 : i32, i32
  }
}

module attributes {stable_mosaic.version = 14 : i64} {
  func.func @_sa1_mlp_body(%arg0: i32, %arg1: memref<2048x16xf32, #tpu.memory_space<vmem>>, %arg2: memref<64x3xf32, #tpu.memory_space<vmem>>, %arg3: memref<3x32xf32, #tpu.memory_space<vmem>>, %arg4: memref<1x32xf32, #tpu.memory_space<vmem>>, %arg5: memref<32x32xf32, #tpu.memory_space<vmem>>, %arg6: memref<1x32xf32, #tpu.memory_space<vmem>>, %arg7: memref<32x64xf32, #tpu.memory_space<vmem>>, %arg8: memref<1x64xf32, #tpu.memory_space<vmem>>, %arg9: memref<64x64xf32, #tpu.memory_space<vmem>>) attributes {dimension_semantics = [#tpu.dimension_semantics<arbitrary>], iteration_bounds = array<i64: 64>, scalar_prefetch = 0 : i64, scratch_operands = 0 : i64, tpu.core_type = #tpu.core_type<tc>, window_params = [{transform_indices = @transform_0, window_bounds = array<i64: 2048, 16>}, {transform_indices = @transform_1, window_bounds = array<i64: 64, 3>}, {pipeline_mode = #tpu.pipeline_mode<synchronous>, transform_indices = @transform_2, window_bounds = array<i64: 3, 32>}, {pipeline_mode = #tpu.pipeline_mode<synchronous>, transform_indices = @transform_3, window_bounds = array<i64: 1, 32>}, {pipeline_mode = #tpu.pipeline_mode<synchronous>, transform_indices = @transform_4, window_bounds = array<i64: 32, 32>}, {pipeline_mode = #tpu.pipeline_mode<synchronous>, transform_indices = @transform_5, window_bounds = array<i64: 1, 32>}, {pipeline_mode = #tpu.pipeline_mode<synchronous>, transform_indices = @transform_6, window_bounds = array<i64: 32, 64>}, {pipeline_mode = #tpu.pipeline_mode<synchronous>, transform_indices = @transform_7, window_bounds = array<i64: 1, 64>}, {transform_indices = @transform_8, window_bounds = array<i64: 64, 64>}]} {
    %get3A = arith.constant 0 : index
    %get3A_0 = arith.constant 0 : index
    %get3A_1 = vector.load %arg2[%get3A, %get3A_0] : memref<64x3xf32, #tpu.memory_space<vmem>>, vector<64x3xf32>
    %get3A_2 = arith.constant 0 : index
    %get3A_3 = arith.constant 0 : index
    %get3A_4 = vector.load %arg1[%get3A_2, %get3A_3] : memref<2048x16xf32, #tpu.memory_space<vmem>>, vector<2048x16xf32>
    %reshape3A = vector.shape_cast %get3A_4 : vector<2048x16xf32> to vector<64x32x16xf32>
    %slice3A = vector.extract_strided_slice %reshape3A {offsets = [0, 0, 0], sizes = [64, 32, 3], strides = [1, 1, 1]} : vector<64x32x16xf32> to vector<64x32x3xf32>
    %broadcast_in_dim3A = vector.shape_cast %get3A_1 : vector<64x3xf32> to vector<64x1x3xf32>
    %sub3A = vector.broadcast %broadcast_in_dim3A : vector<64x1x3xf32> to vector<64x32x3xf32>
    %sub3A_5 = arith.subf %slice3A, %sub3A : vector<64x32x3xf32>
    %reshape3A_6 = vector.shape_cast %sub3A_5 : vector<64x32x3xf32> to vector<2048x3xf32>
    %get3A_7 = arith.constant 0 : index
    %get3A_8 = arith.constant 0 : index
    %get3A_9 = vector.load %arg3[%get3A_7, %get3A_8] : memref<3x32xf32, #tpu.memory_space<vmem>>, vector<3x32xf32>
    %dot_general3A = arith.constant dense<0.000000e+00> : vector<2048x32xf32>
    %dot_general3A_10 = tpu.matmul %reshape3A_6, %get3A_9, %dot_general3A {dimension_numbers = #tpu.dot_dimension_numbers<[1], [0], [0], [1], [0, 0, 1, 1], [], []>, transpose_lhs_hint = false} : vector<2048x3xf32>, vector<3x32xf32>, vector<2048x32xf32> -> vector<2048x32xf32>
    %get3A_11 = arith.constant 0 : index
    %get3A_12 = arith.constant 0 : index
    %get3A_13 = vector.load %arg4[%get3A_11, %get3A_12] : memref<1x32xf32, #tpu.memory_space<vmem>>, vector<1x32xf32>
    %squeeze3A = vector.shape_cast %get3A_13 : vector<1x32xf32> to vector<32xf32>
    %broadcast_in_dim3A_14 = vector.shape_cast %squeeze3A : vector<32xf32> to vector<1x32xf32>
    %add3A = vector.broadcast %broadcast_in_dim3A_14 : vector<1x32xf32> to vector<2048x32xf32>
    %add3A_15 = arith.addf %dot_general3A_10, %add3A : vector<2048x32xf32>
    %max3A = arith.constant 0.000000e+00 : f32
    %max3A_16 = vector.broadcast %max3A : f32 to vector<2048x32xf32>
    %max3A_17 = arith.maximumf %add3A_15, %max3A_16 : vector<2048x32xf32>
    %get3A_18 = arith.constant 0 : index
    %get3A_19 = arith.constant 0 : index
    %get3A_20 = vector.load %arg5[%get3A_18, %get3A_19] : memref<32x32xf32, #tpu.memory_space<vmem>>, vector<32x32xf32>
    %dot_general3A_21 = arith.constant dense<0.000000e+00> : vector<2048x32xf32>
    %dot_general3A_22 = tpu.matmul %max3A_17, %get3A_20, %dot_general3A_21 {dimension_numbers = #tpu.dot_dimension_numbers<[1], [0], [0], [1], [0, 0, 1, 1], [], []>, transpose_lhs_hint = false} : vector<2048x32xf32>, vector<32x32xf32>, vector<2048x32xf32> -> vector<2048x32xf32>
    %get3A_23 = arith.constant 0 : index
    %get3A_24 = arith.constant 0 : index
    %get3A_25 = vector.load %arg6[%get3A_23, %get3A_24] : memref<1x32xf32, #tpu.memory_space<vmem>>, vector<1x32xf32>
    %squeeze3A_26 = vector.shape_cast %get3A_25 : vector<1x32xf32> to vector<32xf32>
    %broadcast_in_dim3A_27 = vector.shape_cast %squeeze3A_26 : vector<32xf32> to vector<1x32xf32>
    %add3A_28 = vector.broadcast %broadcast_in_dim3A_27 : vector<1x32xf32> to vector<2048x32xf32>
    %add3A_29 = arith.addf %dot_general3A_22, %add3A_28 : vector<2048x32xf32>
    %max3A_30 = arith.constant 0.000000e+00 : f32
    %max3A_31 = vector.broadcast %max3A_30 : f32 to vector<2048x32xf32>
    %max3A_32 = arith.maximumf %add3A_29, %max3A_31 : vector<2048x32xf32>
    %get3A_33 = arith.constant 0 : index
    %get3A_34 = arith.constant 0 : index
    %get3A_35 = vector.load %arg7[%get3A_33, %get3A_34] : memref<32x64xf32, #tpu.memory_space<vmem>>, vector<32x64xf32>
    %dot_general3A_36 = arith.constant dense<0.000000e+00> : vector<2048x64xf32>
    %dot_general3A_37 = tpu.matmul %max3A_32, %get3A_35, %dot_general3A_36 {dimension_numbers = #tpu.dot_dimension_numbers<[1], [0], [0], [1], [0, 0, 1, 1], [], []>, transpose_lhs_hint = false} : vector<2048x32xf32>, vector<32x64xf32>, vector<2048x64xf32> -> vector<2048x64xf32>
    %get3A_38 = arith.constant 0 : index
    %get3A_39 = arith.constant 0 : index
    %get3A_40 = vector.load %arg8[%get3A_38, %get3A_39] : memref<1x64xf32, #tpu.memory_space<vmem>>, vector<1x64xf32>
    %squeeze3A_41 = vector.shape_cast %get3A_40 : vector<1x64xf32> to vector<64xf32>
    %broadcast_in_dim3A_42 = vector.shape_cast %squeeze3A_41 : vector<64xf32> to vector<1x64xf32>
    %add3A_43 = vector.broadcast %broadcast_in_dim3A_42 : vector<1x64xf32> to vector<2048x64xf32>
    %add3A_44 = arith.addf %dot_general3A_37, %add3A_43 : vector<2048x64xf32>
    %max3A_45 = arith.constant 0.000000e+00 : f32
    %max3A_46 = vector.broadcast %max3A_45 : f32 to vector<2048x64xf32>
    %max3A_47 = arith.maximumf %add3A_44, %max3A_46 : vector<2048x64xf32>
    %reshape3A_48 = vector.shape_cast %max3A_47 : vector<2048x64xf32> to vector<64x32x64xf32>
    %reduce_max3A = arith.constant dense<0xFF800000> : vector<64x64xf32>
    %reduce_max3A_49 = vector.multi_reduction <maximumf>, %reshape3A_48, %reduce_max3A [1] : vector<64x32x64xf32> to vector<64x64xf32>
    %swap3A = arith.constant 0 : index
    %swap3A_50 = arith.constant 0 : index
    %swap3A_51 = vector.load %arg9[%swap3A, %swap3A_50] : memref<64x64xf32, #tpu.memory_space<vmem>>, vector<64x64xf32>
    tpu.vector_store %arg9[%swap3A, %swap3A_50], %reduce_max3A_49 {strides = array<i32>} : memref<64x64xf32, #tpu.memory_space<vmem>>, vector<64x64xf32>,
    return
  }
  func.func @transform_0(%arg0: i32) -> (i32, i32) {
    %c0_i32 = arith.constant 0 : i32
    %c0_i32_0 = arith.constant 0 : i32
    return %arg0, %c0_i32 : i32, i32
  }
  func.func @transform_1(%arg0: i32) -> (i32, i32) {
    %c0_i32 = arith.constant 0 : i32
    %c0_i32_0 = arith.constant 0 : i32
    return %arg0, %c0_i32 : i32, i32
  }
  func.func @transform_2(%arg0: i32) -> (i32, i32) {
    %c0_i32 = arith.constant 0 : i32
    %c0_i32_0 = arith.constant 0 : i32
    %c0_i32_1 = arith.constant 0 : i32
    return %c0_i32, %c0_i32_0 : i32, i32
  }
  func.func @transform_3(%arg0: i32) -> (i32, i32) {
    %c0_i32 = arith.constant 0 : i32
    %c0_i32_0 = arith.constant 0 : i32
    %c0_i32_1 = arith.constant 0 : i32
    return %c0_i32, %c0_i32_0 : i32, i32
  }
  func.func @transform_4(%arg0: i32) -> (i32, i32) {
    %c0_i32 = arith.constant 0 : i32
    %c0_i32_0 = arith.constant 0 : i32
    %c0_i32_1 = arith.constant 0 : i32
    return %c0_i32, %c0_i32_0 : i32, i32
  }
  func.func @transform_5(%arg0: i32) -> (i32, i32) {
    %c0_i32 = arith.constant 0 : i32
    %c0_i32_0 = arith.constant 0 : i32
    %c0_i32_1 = arith.constant 0 : i32
    return %c0_i32, %c0_i32_0 : i32, i32
  }
  func.func @transform_6(%arg0: i32) -> (i32, i32) {
    %c0_i32 = arith.constant 0 : i32
    %c0_i32_0 = arith.constant 0 : i32
    %c0_i32_1 = arith.constant 0 : i32
    return %c0_i32, %c0_i32_0 : i32, i32
  }
  func.func @transform_7(%arg0: i32) -> (i32, i32) {
    %c0_i32 = arith.constant 0 : i32
    %c0_i32_0 = arith.constant 0 : i32
    %c0_i32_1 = arith.constant 0 : i32
    return %c0_i32, %c0_i32_0 : i32, i32
  }
  func.func @transform_8(%arg0: i32) -> (i32, i32) {
    %c0_i32 = arith.constant 0 : i32
    %c0_i32_0 = arith.constant 0 : i32
    return %arg0, %c0_i32 : i32, i32
  }
}

module attributes {stable_mosaic.version = 14 : i64} {
  func.func @_sa2_tables_body(%arg0: memref<8x512x320xf32, #tpu.memory_space<vmem>>, %arg1: memref<8x512x3xf32, #tpu.memory_space<vmem>>, %arg2: memref<323x128xf32, #tpu.memory_space<vmem>>, %arg3: memref<1x128xf32, #tpu.memory_space<vmem>>, %arg4: memref<323x128xf32, #tpu.memory_space<vmem>>, %arg5: memref<1x128xf32, #tpu.memory_space<vmem>>, %arg6: memref<4096x128xf32, #tpu.memory_space<vmem>>, %arg7: memref<4096x128xf32, #tpu.memory_space<vmem>>) attributes {dimension_semantics = [], scalar_prefetch = 0 : i64, scratch_operands = 0 : i64, tpu.core_type = #tpu.core_type<tc>} {
    %get3A = arith.constant 0 : index
    %get3A_0 = arith.constant 0 : index
    %get3A_1 = arith.constant 0 : index
    %get3A_2 = vector.load %arg0[%get3A, %get3A_0, %get3A_1] : memref<8x512x320xf32, #tpu.memory_space<vmem>>, vector<8x512x320xf32>
    %get3A_3 = arith.constant 0 : index
    %get3A_4 = arith.constant 0 : index
    %get3A_5 = arith.constant 0 : index
    %get3A_6 = vector.load %arg1[%get3A_3, %get3A_4, %get3A_5] : memref<8x512x3xf32, #tpu.memory_space<vmem>>, vector<8x512x3xf32>
    %concatenate3A = tpu.concatenate %get3A_2, %get3A_6 in 2 : vector<8x512x320xf32>, vector<8x512x3xf32> -> vector<8x512x323xf32>
    %reshape3A = vector.shape_cast %concatenate3A : vector<8x512x323xf32> to vector<4096x323xf32>
    %get3A_7 = arith.constant 0 : index
    %get3A_8 = arith.constant 0 : index
    %get3A_9 = vector.load %arg2[%get3A_7, %get3A_8] : memref<323x128xf32, #tpu.memory_space<vmem>>, vector<323x128xf32>
    %dot_general3A = arith.constant dense<0.000000e+00> : vector<4096x128xf32>
    %dot_general3A_10 = tpu.matmul %reshape3A, %get3A_9, %dot_general3A {dimension_numbers = #tpu.dot_dimension_numbers<[1], [0], [0], [1], [0, 0, 1, 1], [], []>, transpose_lhs_hint = false} : vector<4096x323xf32>, vector<323x128xf32>, vector<4096x128xf32> -> vector<4096x128xf32>
    %get3A_11 = arith.constant 0 : index
    %get3A_12 = arith.constant 0 : index
    %get3A_13 = vector.load %arg3[%get3A_11, %get3A_12] : memref<1x128xf32, #tpu.memory_space<vmem>>, vector<1x128xf32>
    %squeeze3A = vector.shape_cast %get3A_13 : vector<1x128xf32> to vector<128xf32>
    %broadcast_in_dim3A = vector.shape_cast %squeeze3A : vector<128xf32> to vector<1x128xf32>
    %add3A = vector.broadcast %broadcast_in_dim3A : vector<1x128xf32> to vector<4096x128xf32>
    %add3A_14 = arith.addf %dot_general3A_10, %add3A : vector<4096x128xf32>
    %swap3A = arith.constant 0 : index
    %swap3A_15 = arith.constant 0 : index
    %swap3A_16 = vector.load %arg6[%swap3A, %swap3A_15] : memref<4096x128xf32, #tpu.memory_space<vmem>>, vector<4096x128xf32>
    tpu.vector_store %arg6[%swap3A, %swap3A_15], %add3A_14 {strides = array<i32>} : memref<4096x128xf32, #tpu.memory_space<vmem>>, vector<4096x128xf32>,
    %get3A_17 = arith.constant 0 : index
    %get3A_18 = arith.constant 0 : index
    %get3A_19 = vector.load %arg4[%get3A_17, %get3A_18] : memref<323x128xf32, #tpu.memory_space<vmem>>, vector<323x128xf32>
    %dot_general3A_20 = arith.constant dense<0.000000e+00> : vector<4096x128xf32>
    %dot_general3A_21 = tpu.matmul %reshape3A, %get3A_19, %dot_general3A_20 {dimension_numbers = #tpu.dot_dimension_numbers<[1], [0], [0], [1], [0, 0, 1, 1], [], []>, transpose_lhs_hint = false} : vector<4096x323xf32>, vector<323x128xf32>, vector<4096x128xf32> -> vector<4096x128xf32>
    %get3A_22 = arith.constant 0 : index
    %get3A_23 = arith.constant 0 : index
    %get3A_24 = vector.load %arg5[%get3A_22, %get3A_23] : memref<1x128xf32, #tpu.memory_space<vmem>>, vector<1x128xf32>
    %squeeze3A_25 = vector.shape_cast %get3A_24 : vector<1x128xf32> to vector<128xf32>
    %broadcast_in_dim3A_26 = vector.shape_cast %squeeze3A_25 : vector<128xf32> to vector<1x128xf32>
    %add3A_27 = vector.broadcast %broadcast_in_dim3A_26 : vector<1x128xf32> to vector<4096x128xf32>
    %add3A_28 = arith.addf %dot_general3A_21, %add3A_27 : vector<4096x128xf32>
    %swap3A_29 = arith.constant 0 : index
    %swap3A_30 = arith.constant 0 : index
    %swap3A_31 = vector.load %arg7[%swap3A_29, %swap3A_30] : memref<4096x128xf32, #tpu.memory_space<vmem>>, vector<4096x128xf32>
    tpu.vector_store %arg7[%swap3A_29, %swap3A_30], %add3A_28 {strides = array<i32>} : memref<4096x128xf32, #tpu.memory_space<vmem>>, vector<4096x128xf32>,
    return
  }
}

module attributes {stable_mosaic.version = 14 : i64} {
  func.func @_sa2_mlp_body(%arg0: i32, %arg1: memref<4096x128xf32, #tpu.memory_space<vmem>>, %arg2: memref<32x3xf32, #tpu.memory_space<vmem>>, %arg3: memref<3x128xf32, #tpu.memory_space<vmem>>, %arg4: memref<128x196xf32, #tpu.memory_space<vmem>>, %arg5: memref<1x196xf32, #tpu.memory_space<vmem>>, %arg6: memref<196x256xf32, #tpu.memory_space<vmem>>, %arg7: memref<1x256xf32, #tpu.memory_space<vmem>>, %arg8: memref<32x256xf32, #tpu.memory_space<vmem>>) attributes {dimension_semantics = [#tpu.dimension_semantics<arbitrary>], iteration_bounds = array<i64: 32>, scalar_prefetch = 0 : i64, scratch_operands = 0 : i64, tpu.core_type = #tpu.core_type<tc>, window_params = [{transform_indices = @transform_0, window_bounds = array<i64: 4096, 128>}, {transform_indices = @transform_1, window_bounds = array<i64: 32, 3>}, {pipeline_mode = #tpu.pipeline_mode<synchronous>, transform_indices = @transform_2, window_bounds = array<i64: 3, 128>}, {pipeline_mode = #tpu.pipeline_mode<synchronous>, transform_indices = @transform_3, window_bounds = array<i64: 128, 196>}, {pipeline_mode = #tpu.pipeline_mode<synchronous>, transform_indices = @transform_4, window_bounds = array<i64: 1, 196>}, {pipeline_mode = #tpu.pipeline_mode<synchronous>, transform_indices = @transform_5, window_bounds = array<i64: 196, 256>}, {pipeline_mode = #tpu.pipeline_mode<synchronous>, transform_indices = @transform_6, window_bounds = array<i64: 1, 256>}, {transform_indices = @transform_7, window_bounds = array<i64: 32, 256>}]} {
    %get3A = arith.constant 0 : index
    %get3A_0 = arith.constant 0 : index
    %get3A_1 = vector.load %arg2[%get3A, %get3A_0] : memref<32x3xf32, #tpu.memory_space<vmem>>, vector<32x3xf32>
    %get3A_2 = arith.constant 0 : index
    %get3A_3 = arith.constant 0 : index
    %get3A_4 = vector.load %arg3[%get3A_2, %get3A_3] : memref<3x128xf32, #tpu.memory_space<vmem>>, vector<3x128xf32>
    %dot_general3A = arith.constant dense<0.000000e+00> : vector<32x128xf32>
    %dot_general3A_5 = tpu.matmul %get3A_1, %get3A_4, %dot_general3A {dimension_numbers = #tpu.dot_dimension_numbers<[1], [0], [0], [1], [0, 0, 1, 1], [], []>, transpose_lhs_hint = false} : vector<32x3xf32>, vector<3x128xf32>, vector<32x128xf32> -> vector<32x128xf32>
    %get3A_6 = arith.constant 0 : index
    %get3A_7 = arith.constant 0 : index
    %get3A_8 = vector.load %arg1[%get3A_6, %get3A_7] : memref<4096x128xf32, #tpu.memory_space<vmem>>, vector<4096x128xf32>
    %reshape3A = vector.shape_cast %get3A_8 : vector<4096x128xf32> to vector<32x128x128xf32>
    %broadcast_in_dim3A = vector.shape_cast %dot_general3A_5 : vector<32x128xf32> to vector<32x1x128xf32>
    %sub3A = vector.broadcast %broadcast_in_dim3A : vector<32x1x128xf32> to vector<32x128x128xf32>
    %sub3A_9 = arith.subf %reshape3A, %sub3A : vector<32x128x128xf32>
    %reshape3A_10 = vector.shape_cast %sub3A_9 : vector<32x128x128xf32> to vector<4096x128xf32>
    %max3A = arith.constant 0.000000e+00 : f32
    %max3A_11 = vector.broadcast %max3A : f32 to vector<4096x128xf32>
    %max3A_12 = arith.maximumf %reshape3A_10, %max3A_11 : vector<4096x128xf32>
    %get3A_13 = arith.constant 0 : index
    %get3A_14 = arith.constant 0 : index
    %get3A_15 = vector.load %arg4[%get3A_13, %get3A_14] : memref<128x196xf32, #tpu.memory_space<vmem>>, vector<128x196xf32>
    %dot_general3A_16 = arith.constant dense<0.000000e+00> : vector<4096x196xf32>
    %dot_general3A_17 = tpu.matmul %max3A_12, %get3A_15, %dot_general3A_16 {dimension_numbers = #tpu.dot_dimension_numbers<[1], [0], [0], [1], [0, 0, 1, 1], [], []>, transpose_lhs_hint = false} : vector<4096x128xf32>, vector<128x196xf32>, vector<4096x196xf32> -> vector<4096x196xf32>
    %get3A_18 = arith.constant 0 : index
    %get3A_19 = arith.constant 0 : index
    %get3A_20 = vector.load %arg5[%get3A_18, %get3A_19] : memref<1x196xf32, #tpu.memory_space<vmem>>, vector<1x196xf32>
    %squeeze3A = vector.shape_cast %get3A_20 : vector<1x196xf32> to vector<196xf32>
    %broadcast_in_dim3A_21 = vector.shape_cast %squeeze3A : vector<196xf32> to vector<1x196xf32>
    %add3A = vector.broadcast %broadcast_in_dim3A_21 : vector<1x196xf32> to vector<4096x196xf32>
    %add3A_22 = arith.addf %dot_general3A_17, %add3A : vector<4096x196xf32>
    %max3A_23 = arith.constant 0.000000e+00 : f32
    %max3A_24 = vector.broadcast %max3A_23 : f32 to vector<4096x196xf32>
    %max3A_25 = arith.maximumf %add3A_22, %max3A_24 : vector<4096x196xf32>
    %get3A_26 = arith.constant 0 : index
    %get3A_27 = arith.constant 0 : index
    %get3A_28 = vector.load %arg6[%get3A_26, %get3A_27] : memref<196x256xf32, #tpu.memory_space<vmem>>, vector<196x256xf32>
    %dot_general3A_29 = arith.constant dense<0.000000e+00> : vector<4096x256xf32>
    %dot_general3A_30 = tpu.matmul %max3A_25, %get3A_28, %dot_general3A_29 {dimension_numbers = #tpu.dot_dimension_numbers<[1], [0], [0], [1], [0, 0, 1, 1], [], []>, transpose_lhs_hint = false} : vector<4096x196xf32>, vector<196x256xf32>, vector<4096x256xf32> -> vector<4096x256xf32>
    %get3A_31 = arith.constant 0 : index
    %get3A_32 = arith.constant 0 : index
    %get3A_33 = vector.load %arg7[%get3A_31, %get3A_32] : memref<1x256xf32, #tpu.memory_space<vmem>>, vector<1x256xf32>
    %squeeze3A_34 = vector.shape_cast %get3A_33 : vector<1x256xf32> to vector<256xf32>
    %broadcast_in_dim3A_35 = vector.shape_cast %squeeze3A_34 : vector<256xf32> to vector<1x256xf32>
    %add3A_36 = vector.broadcast %broadcast_in_dim3A_35 : vector<1x256xf32> to vector<4096x256xf32>
    %add3A_37 = arith.addf %dot_general3A_30, %add3A_36 : vector<4096x256xf32>
    %max3A_38 = arith.constant 0.000000e+00 : f32
    %max3A_39 = vector.broadcast %max3A_38 : f32 to vector<4096x256xf32>
    %max3A_40 = arith.maximumf %add3A_37, %max3A_39 : vector<4096x256xf32>
    %reshape3A_41 = vector.shape_cast %max3A_40 : vector<4096x256xf32> to vector<32x128x256xf32>
    %reduce_max3A = arith.constant dense<0xFF800000> : vector<32x256xf32>
    %reduce_max3A_42 = vector.multi_reduction <maximumf>, %reshape3A_41, %reduce_max3A [1] : vector<32x128x256xf32> to vector<32x256xf32>
    %swap3A = arith.constant 0 : index
    %swap3A_43 = arith.constant 0 : index
    %swap3A_44 = vector.load %arg8[%swap3A, %swap3A_43] : memref<32x256xf32, #tpu.memory_space<vmem>>, vector<32x256xf32>
    tpu.vector_store %arg8[%swap3A, %swap3A_43], %reduce_max3A_42 {strides = array<i32>} : memref<32x256xf32, #tpu.memory_space<vmem>>, vector<32x256xf32>,
    return
  }
  func.func @transform_0(%arg0: i32) -> (i32, i32) {
    %c0_i32 = arith.constant 0 : i32
    %c0_i32_0 = arith.constant 0 : i32
    return %arg0, %c0_i32 : i32, i32
  }
  func.func @transform_1(%arg0: i32) -> (i32, i32) {
    %c0_i32 = arith.constant 0 : i32
    %c0_i32_0 = arith.constant 0 : i32
    return %arg0, %c0_i32 : i32, i32
  }
  func.func @transform_2(%arg0: i32) -> (i32, i32) {
    %c0_i32 = arith.constant 0 : i32
    %c0_i32_0 = arith.constant 0 : i32
    %c0_i32_1 = arith.constant 0 : i32
    return %c0_i32, %c0_i32_0 : i32, i32
  }
  func.func @transform_3(%arg0: i32) -> (i32, i32) {
    %c0_i32 = arith.constant 0 : i32
    %c0_i32_0 = arith.constant 0 : i32
    %c0_i32_1 = arith.constant 0 : i32
    return %c0_i32, %c0_i32_0 : i32, i32
  }
  func.func @transform_4(%arg0: i32) -> (i32, i32) {
    %c0_i32 = arith.constant 0 : i32
    %c0_i32_0 = arith.constant 0 : i32
    %c0_i32_1 = arith.constant 0 : i32
    return %c0_i32, %c0_i32_0 : i32, i32
  }
  func.func @transform_5(%arg0: i32) -> (i32, i32) {
    %c0_i32 = arith.constant 0 : i32
    %c0_i32_0 = arith.constant 0 : i32
    %c0_i32_1 = arith.constant 0 : i32
    return %c0_i32, %c0_i32_0 : i32, i32
  }
  func.func @transform_6(%arg0: i32) -> (i32, i32) {
    %c0_i32 = arith.constant 0 : i32
    %c0_i32_0 = arith.constant 0 : i32
    %c0_i32_1 = arith.constant 0 : i32
    return %c0_i32, %c0_i32_0 : i32, i32
  }
  func.func @transform_7(%arg0: i32) -> (i32, i32) {
    %c0_i32 = arith.constant 0 : i32
    %c0_i32_0 = arith.constant 0 : i32
    return %arg0, %c0_i32 : i32, i32
  }
}

module attributes {stable_mosaic.version = 14 : i64} {
  func.func @_sa2_mlp_body(%arg0: i32, %arg1: memref<2048x128xf32, #tpu.memory_space<vmem>>, %arg2: memref<32x3xf32, #tpu.memory_space<vmem>>, %arg3: memref<3x128xf32, #tpu.memory_space<vmem>>, %arg4: memref<128x128xf32, #tpu.memory_space<vmem>>, %arg5: memref<1x128xf32, #tpu.memory_space<vmem>>, %arg6: memref<128x256xf32, #tpu.memory_space<vmem>>, %arg7: memref<1x256xf32, #tpu.memory_space<vmem>>, %arg8: memref<32x256xf32, #tpu.memory_space<vmem>>) attributes {dimension_semantics = [#tpu.dimension_semantics<arbitrary>], iteration_bounds = array<i64: 32>, scalar_prefetch = 0 : i64, scratch_operands = 0 : i64, tpu.core_type = #tpu.core_type<tc>, window_params = [{transform_indices = @transform_0, window_bounds = array<i64: 2048, 128>}, {transform_indices = @transform_1, window_bounds = array<i64: 32, 3>}, {pipeline_mode = #tpu.pipeline_mode<synchronous>, transform_indices = @transform_2, window_bounds = array<i64: 3, 128>}, {pipeline_mode = #tpu.pipeline_mode<synchronous>, transform_indices = @transform_3, window_bounds = array<i64: 128, 128>}, {pipeline_mode = #tpu.pipeline_mode<synchronous>, transform_indices = @transform_4, window_bounds = array<i64: 1, 128>}, {pipeline_mode = #tpu.pipeline_mode<synchronous>, transform_indices = @transform_5, window_bounds = array<i64: 128, 256>}, {pipeline_mode = #tpu.pipeline_mode<synchronous>, transform_indices = @transform_6, window_bounds = array<i64: 1, 256>}, {transform_indices = @transform_7, window_bounds = array<i64: 32, 256>}]} {
    %get3A = arith.constant 0 : index
    %get3A_0 = arith.constant 0 : index
    %get3A_1 = vector.load %arg2[%get3A, %get3A_0] : memref<32x3xf32, #tpu.memory_space<vmem>>, vector<32x3xf32>
    %get3A_2 = arith.constant 0 : index
    %get3A_3 = arith.constant 0 : index
    %get3A_4 = vector.load %arg3[%get3A_2, %get3A_3] : memref<3x128xf32, #tpu.memory_space<vmem>>, vector<3x128xf32>
    %dot_general3A = arith.constant dense<0.000000e+00> : vector<32x128xf32>
    %dot_general3A_5 = tpu.matmul %get3A_1, %get3A_4, %dot_general3A {dimension_numbers = #tpu.dot_dimension_numbers<[1], [0], [0], [1], [0, 0, 1, 1], [], []>, transpose_lhs_hint = false} : vector<32x3xf32>, vector<3x128xf32>, vector<32x128xf32> -> vector<32x128xf32>
    %get3A_6 = arith.constant 0 : index
    %get3A_7 = arith.constant 0 : index
    %get3A_8 = vector.load %arg1[%get3A_6, %get3A_7] : memref<2048x128xf32, #tpu.memory_space<vmem>>, vector<2048x128xf32>
    %reshape3A = vector.shape_cast %get3A_8 : vector<2048x128xf32> to vector<32x64x128xf32>
    %broadcast_in_dim3A = vector.shape_cast %dot_general3A_5 : vector<32x128xf32> to vector<32x1x128xf32>
    %sub3A = vector.broadcast %broadcast_in_dim3A : vector<32x1x128xf32> to vector<32x64x128xf32>
    %sub3A_9 = arith.subf %reshape3A, %sub3A : vector<32x64x128xf32>
    %reshape3A_10 = vector.shape_cast %sub3A_9 : vector<32x64x128xf32> to vector<2048x128xf32>
    %max3A = arith.constant 0.000000e+00 : f32
    %max3A_11 = vector.broadcast %max3A : f32 to vector<2048x128xf32>
    %max3A_12 = arith.maximumf %reshape3A_10, %max3A_11 : vector<2048x128xf32>
    %get3A_13 = arith.constant 0 : index
    %get3A_14 = arith.constant 0 : index
    %get3A_15 = vector.load %arg4[%get3A_13, %get3A_14] : memref<128x128xf32, #tpu.memory_space<vmem>>, vector<128x128xf32>
    %dot_general3A_16 = arith.constant dense<0.000000e+00> : vector<2048x128xf32>
    %dot_general3A_17 = tpu.matmul %max3A_12, %get3A_15, %dot_general3A_16 {dimension_numbers = #tpu.dot_dimension_numbers<[1], [0], [0], [1], [0, 0, 1, 1], [], []>, transpose_lhs_hint = false} : vector<2048x128xf32>, vector<128x128xf32>, vector<2048x128xf32> -> vector<2048x128xf32>
    %get3A_18 = arith.constant 0 : index
    %get3A_19 = arith.constant 0 : index
    %get3A_20 = vector.load %arg5[%get3A_18, %get3A_19] : memref<1x128xf32, #tpu.memory_space<vmem>>, vector<1x128xf32>
    %squeeze3A = vector.shape_cast %get3A_20 : vector<1x128xf32> to vector<128xf32>
    %broadcast_in_dim3A_21 = vector.shape_cast %squeeze3A : vector<128xf32> to vector<1x128xf32>
    %add3A = vector.broadcast %broadcast_in_dim3A_21 : vector<1x128xf32> to vector<2048x128xf32>
    %add3A_22 = arith.addf %dot_general3A_17, %add3A : vector<2048x128xf32>
    %max3A_23 = arith.constant 0.000000e+00 : f32
    %max3A_24 = vector.broadcast %max3A_23 : f32 to vector<2048x128xf32>
    %max3A_25 = arith.maximumf %add3A_22, %max3A_24 : vector<2048x128xf32>
    %get3A_26 = arith.constant 0 : index
    %get3A_27 = arith.constant 0 : index
    %get3A_28 = vector.load %arg6[%get3A_26, %get3A_27] : memref<128x256xf32, #tpu.memory_space<vmem>>, vector<128x256xf32>
    %dot_general3A_29 = arith.constant dense<0.000000e+00> : vector<2048x256xf32>
    %dot_general3A_30 = tpu.matmul %max3A_25, %get3A_28, %dot_general3A_29 {dimension_numbers = #tpu.dot_dimension_numbers<[1], [0], [0], [1], [0, 0, 1, 1], [], []>, transpose_lhs_hint = false} : vector<2048x128xf32>, vector<128x256xf32>, vector<2048x256xf32> -> vector<2048x256xf32>
    %get3A_31 = arith.constant 0 : index
    %get3A_32 = arith.constant 0 : index
    %get3A_33 = vector.load %arg7[%get3A_31, %get3A_32] : memref<1x256xf32, #tpu.memory_space<vmem>>, vector<1x256xf32>
    %squeeze3A_34 = vector.shape_cast %get3A_33 : vector<1x256xf32> to vector<256xf32>
    %broadcast_in_dim3A_35 = vector.shape_cast %squeeze3A_34 : vector<256xf32> to vector<1x256xf32>
    %add3A_36 = vector.broadcast %broadcast_in_dim3A_35 : vector<1x256xf32> to vector<2048x256xf32>
    %add3A_37 = arith.addf %dot_general3A_30, %add3A_36 : vector<2048x256xf32>
    %max3A_38 = arith.constant 0.000000e+00 : f32
    %max3A_39 = vector.broadcast %max3A_38 : f32 to vector<2048x256xf32>
    %max3A_40 = arith.maximumf %add3A_37, %max3A_39 : vector<2048x256xf32>
    %reshape3A_41 = vector.shape_cast %max3A_40 : vector<2048x256xf32> to vector<32x64x256xf32>
    %reduce_max3A = arith.constant dense<0xFF800000> : vector<32x256xf32>
    %reduce_max3A_42 = vector.multi_reduction <maximumf>, %reshape3A_41, %reduce_max3A [1] : vector<32x64x256xf32> to vector<32x256xf32>
    %swap3A = arith.constant 0 : index
    %swap3A_43 = arith.constant 0 : index
    %swap3A_44 = vector.load %arg8[%swap3A, %swap3A_43] : memref<32x256xf32, #tpu.memory_space<vmem>>, vector<32x256xf32>
    tpu.vector_store %arg8[%swap3A, %swap3A_43], %reduce_max3A_42 {strides = array<i32>} : memref<32x256xf32, #tpu.memory_space<vmem>>, vector<32x256xf32>,
    return
  }
  func.func @transform_0(%arg0: i32) -> (i32, i32) {
    %c0_i32 = arith.constant 0 : i32
    %c0_i32_0 = arith.constant 0 : i32
    return %arg0, %c0_i32 : i32, i32
  }
  func.func @transform_1(%arg0: i32) -> (i32, i32) {
    %c0_i32 = arith.constant 0 : i32
    %c0_i32_0 = arith.constant 0 : i32
    return %arg0, %c0_i32 : i32, i32
  }
  func.func @transform_2(%arg0: i32) -> (i32, i32) {
    %c0_i32 = arith.constant 0 : i32
    %c0_i32_0 = arith.constant 0 : i32
    %c0_i32_1 = arith.constant 0 : i32
    return %c0_i32, %c0_i32_0 : i32, i32
  }
  func.func @transform_3(%arg0: i32) -> (i32, i32) {
    %c0_i32 = arith.constant 0 : i32
    %c0_i32_0 = arith.constant 0 : i32
    %c0_i32_1 = arith.constant 0 : i32
    return %c0_i32, %c0_i32_0 : i32, i32
  }
  func.func @transform_4(%arg0: i32) -> (i32, i32) {
    %c0_i32 = arith.constant 0 : i32
    %c0_i32_0 = arith.constant 0 : i32
    %c0_i32_1 = arith.constant 0 : i32
    return %c0_i32, %c0_i32_0 : i32, i32
  }
  func.func @transform_5(%arg0: i32) -> (i32, i32) {
    %c0_i32 = arith.constant 0 : i32
    %c0_i32_0 = arith.constant 0 : i32
    %c0_i32_1 = arith.constant 0 : i32
    return %c0_i32, %c0_i32_0 : i32, i32
  }
  func.func @transform_6(%arg0: i32) -> (i32, i32) {
    %c0_i32 = arith.constant 0 : i32
    %c0_i32_0 = arith.constant 0 : i32
    %c0_i32_1 = arith.constant 0 : i32
    return %c0_i32, %c0_i32_0 : i32, i32
  }
  func.func @transform_7(%arg0: i32) -> (i32, i32) {
    %c0_i32 = arith.constant 0 : i32
    %c0_i32_0 = arith.constant 0 : i32
    return %arg0, %c0_i32 : i32, i32
  }
}

module attributes {stable_mosaic.version = 14 : i64} {
  func.func @_sa3_body(%arg0: memref<8x128x3xf32, #tpu.memory_space<vmem>>, %arg1: memref<8x128x512xf32, #tpu.memory_space<vmem>>, %arg2: memref<515x256xf32, #tpu.memory_space<vmem>>, %arg3: memref<1x256xf32, #tpu.memory_space<vmem>>, %arg4: memref<256x512xf32, #tpu.memory_space<vmem>>, %arg5: memref<1x512xf32, #tpu.memory_space<vmem>>, %arg6: memref<512x1024xf32, #tpu.memory_space<vmem>>, %arg7: memref<1x1024xf32, #tpu.memory_space<vmem>>, %arg8: memref<8x1024xf32, #tpu.memory_space<vmem>>) attributes {dimension_semantics = [], scalar_prefetch = 0 : i64, scratch_operands = 0 : i64, tpu.core_type = #tpu.core_type<tc>} {
    %get3A = arith.constant 0 : index
    %get3A_0 = arith.constant 0 : index
    %get3A_1 = arith.constant 0 : index
    %get3A_2 = vector.load %arg0[%get3A, %get3A_0, %get3A_1] : memref<8x128x3xf32, #tpu.memory_space<vmem>>, vector<8x128x3xf32>
    %get3A_3 = arith.constant 0 : index
    %get3A_4 = arith.constant 0 : index
    %get3A_5 = arith.constant 0 : index
    %get3A_6 = vector.load %arg1[%get3A_3, %get3A_4, %get3A_5] : memref<8x128x512xf32, #tpu.memory_space<vmem>>, vector<8x128x512xf32>
    %concatenate3A = tpu.concatenate %get3A_2, %get3A_6 in 2 : vector<8x128x3xf32>, vector<8x128x512xf32> -> vector<8x128x515xf32>
    %reshape3A = vector.shape_cast %concatenate3A : vector<8x128x515xf32> to vector<1024x515xf32>
    %get3A_7 = arith.constant 0 : index
    %get3A_8 = arith.constant 0 : index
    %get3A_9 = vector.load %arg2[%get3A_7, %get3A_8] : memref<515x256xf32, #tpu.memory_space<vmem>>, vector<515x256xf32>
    %dot_general3A = arith.constant dense<0.000000e+00> : vector<1024x256xf32>
    %dot_general3A_10 = tpu.matmul %reshape3A, %get3A_9, %dot_general3A {dimension_numbers = #tpu.dot_dimension_numbers<[1], [0], [0], [1], [0, 0, 1, 1], [], []>, transpose_lhs_hint = false} : vector<1024x515xf32>, vector<515x256xf32>, vector<1024x256xf32> -> vector<1024x256xf32>
    %get3A_11 = arith.constant 0 : index
    %get3A_12 = arith.constant 0 : index
    %get3A_13 = vector.load %arg3[%get3A_11, %get3A_12] : memref<1x256xf32, #tpu.memory_space<vmem>>, vector<1x256xf32>
    %squeeze3A = vector.shape_cast %get3A_13 : vector<1x256xf32> to vector<256xf32>
    %broadcast_in_dim3A = vector.shape_cast %squeeze3A : vector<256xf32> to vector<1x256xf32>
    %add3A = vector.broadcast %broadcast_in_dim3A : vector<1x256xf32> to vector<1024x256xf32>
    %add3A_14 = arith.addf %dot_general3A_10, %add3A : vector<1024x256xf32>
    %max3A = arith.constant 0.000000e+00 : f32
    %max3A_15 = vector.broadcast %max3A : f32 to vector<1024x256xf32>
    %max3A_16 = arith.maximumf %add3A_14, %max3A_15 : vector<1024x256xf32>
    %get3A_17 = arith.constant 0 : index
    %get3A_18 = arith.constant 0 : index
    %get3A_19 = vector.load %arg4[%get3A_17, %get3A_18] : memref<256x512xf32, #tpu.memory_space<vmem>>, vector<256x512xf32>
    %dot_general3A_20 = arith.constant dense<0.000000e+00> : vector<1024x512xf32>
    %dot_general3A_21 = tpu.matmul %max3A_16, %get3A_19, %dot_general3A_20 {dimension_numbers = #tpu.dot_dimension_numbers<[1], [0], [0], [1], [0, 0, 1, 1], [], []>, transpose_lhs_hint = false} : vector<1024x256xf32>, vector<256x512xf32>, vector<1024x512xf32> -> vector<1024x512xf32>
    %get3A_22 = arith.constant 0 : index
    %get3A_23 = arith.constant 0 : index
    %get3A_24 = vector.load %arg5[%get3A_22, %get3A_23] : memref<1x512xf32, #tpu.memory_space<vmem>>, vector<1x512xf32>
    %squeeze3A_25 = vector.shape_cast %get3A_24 : vector<1x512xf32> to vector<512xf32>
    %broadcast_in_dim3A_26 = vector.shape_cast %squeeze3A_25 : vector<512xf32> to vector<1x512xf32>
    %add3A_27 = vector.broadcast %broadcast_in_dim3A_26 : vector<1x512xf32> to vector<1024x512xf32>
    %add3A_28 = arith.addf %dot_general3A_21, %add3A_27 : vector<1024x512xf32>
    %max3A_29 = arith.constant 0.000000e+00 : f32
    %max3A_30 = vector.broadcast %max3A_29 : f32 to vector<1024x512xf32>
    %max3A_31 = arith.maximumf %add3A_28, %max3A_30 : vector<1024x512xf32>
    %get3A_32 = arith.constant 0 : index
    %get3A_33 = arith.constant 0 : index
    %get3A_34 = vector.load %arg6[%get3A_32, %get3A_33] : memref<512x1024xf32, #tpu.memory_space<vmem>>, vector<512x1024xf32>
    %dot_general3A_35 = arith.constant dense<0.000000e+00> : vector<1024x1024xf32>
    %dot_general3A_36 = tpu.matmul %max3A_31, %get3A_34, %dot_general3A_35 {dimension_numbers = #tpu.dot_dimension_numbers<[1], [0], [0], [1], [0, 0, 1, 1], [], []>, transpose_lhs_hint = false} : vector<1024x512xf32>, vector<512x1024xf32>, vector<1024x1024xf32> -> vector<1024x1024xf32>
    %get3A_37 = arith.constant 0 : index
    %get3A_38 = arith.constant 0 : index
    %get3A_39 = vector.load %arg7[%get3A_37, %get3A_38] : memref<1x1024xf32, #tpu.memory_space<vmem>>, vector<1x1024xf32>
    %squeeze3A_40 = vector.shape_cast %get3A_39 : vector<1x1024xf32> to vector<1024xf32>
    %broadcast_in_dim3A_41 = vector.shape_cast %squeeze3A_40 : vector<1024xf32> to vector<1x1024xf32>
    %add3A_42 = vector.broadcast %broadcast_in_dim3A_41 : vector<1x1024xf32> to vector<1024x1024xf32>
    %add3A_43 = arith.addf %dot_general3A_36, %add3A_42 : vector<1024x1024xf32>
    %max3A_44 = arith.constant 0.000000e+00 : f32
    %max3A_45 = vector.broadcast %max3A_44 : f32 to vector<1024x1024xf32>
    %max3A_46 = arith.maximumf %add3A_43, %max3A_45 : vector<1024x1024xf32>
    %reshape3A_47 = vector.shape_cast %max3A_46 : vector<1024x1024xf32> to vector<8x128x1024xf32>
    %reduce_max3A = arith.constant dense<0xFF800000> : vector<8x1024xf32>
    %reduce_max3A_48 = vector.multi_reduction <maximumf>, %reshape3A_47, %reduce_max3A [1] : vector<8x128x1024xf32> to vector<8x1024xf32>
    %swap3A = arith.constant 0 : index
    %swap3A_49 = arith.constant 0 : index
    %swap3A_50 = vector.load %arg8[%swap3A, %swap3A_49] : memref<8x1024xf32, #tpu.memory_space<vmem>>, vector<8x1024xf32>
    tpu.vector_store %arg8[%swap3A, %swap3A_49], %reduce_max3A_48 {strides = array<i32>} : memref<8x1024xf32, #tpu.memory_space<vmem>>, vector<8x1024xf32>,
    return
  }
}

module attributes {stable_mosaic.version = 14 : i64} {
  func.func @_fp3_body(%arg0: memref<8x128x512xf32, #tpu.memory_space<vmem>>, %arg1: memref<8x1024xf32, #tpu.memory_space<vmem>>, %arg2: memref<1536x256xf32, #tpu.memory_space<vmem>>, %arg3: memref<1x256xf32, #tpu.memory_space<vmem>>, %arg4: memref<256x256xf32, #tpu.memory_space<vmem>>, %arg5: memref<1x256xf32, #tpu.memory_space<vmem>>, %arg6: memref<8x128x256xf32, #tpu.memory_space<vmem>>) attributes {dimension_semantics = [], scalar_prefetch = 0 : i64, scratch_operands = 0 : i64, tpu.core_type = #tpu.core_type<tc>} {
    %get3A = arith.constant 0 : index
    %get3A_0 = arith.constant 0 : index
    %get3A_1 = vector.load %arg1[%get3A, %get3A_0] : memref<8x1024xf32, #tpu.memory_space<vmem>>, vector<8x1024xf32>
    %broadcast_in_dim3A = vector.shape_cast %get3A_1 : vector<8x1024xf32> to vector<8x1x1024xf32>
    %broadcast_in_dim3A_2 = vector.shape_cast %broadcast_in_dim3A : vector<8x1x1024xf32> to vector<8x1x1024xf32>
    %broadcast_in_dim3A_3 = vector.broadcast %broadcast_in_dim3A_2 : vector<8x1x1024xf32> to vector<8x128x1024xf32>
    %get3A_4 = arith.constant 0 : index
    %get3A_5 = arith.constant 0 : index
    %get3A_6 = arith.constant 0 : index
    %get3A_7 = vector.load %arg0[%get3A_4, %get3A_5, %get3A_6] : memref<8x128x512xf32, #tpu.memory_space<vmem>>, vector<8x128x512xf32>
    %concatenate3A = tpu.concatenate %get3A_7, %broadcast_in_dim3A_3 in 2 : vector<8x128x512xf32>, vector<8x128x1024xf32> -> vector<8x128x1536xf32>
    %reshape3A = vector.shape_cast %concatenate3A : vector<8x128x1536xf32> to vector<1024x1536xf32>
    %get3A_8 = arith.constant 0 : index
    %get3A_9 = arith.constant 0 : index
    %get3A_10 = vector.load %arg2[%get3A_8, %get3A_9] : memref<1536x256xf32, #tpu.memory_space<vmem>>, vector<1536x256xf32>
    %dot_general3A = arith.constant dense<0.000000e+00> : vector<1024x256xf32>
    %dot_general3A_11 = tpu.matmul %reshape3A, %get3A_10, %dot_general3A {dimension_numbers = #tpu.dot_dimension_numbers<[1], [0], [0], [1], [0, 0, 1, 1], [], []>, transpose_lhs_hint = false} : vector<1024x1536xf32>, vector<1536x256xf32>, vector<1024x256xf32> -> vector<1024x256xf32>
    %get3A_12 = arith.constant 0 : index
    %get3A_13 = arith.constant 0 : index
    %get3A_14 = vector.load %arg3[%get3A_12, %get3A_13] : memref<1x256xf32, #tpu.memory_space<vmem>>, vector<1x256xf32>
    %squeeze3A = vector.shape_cast %get3A_14 : vector<1x256xf32> to vector<256xf32>
    %broadcast_in_dim3A_15 = vector.shape_cast %squeeze3A : vector<256xf32> to vector<1x256xf32>
    %add3A = vector.broadcast %broadcast_in_dim3A_15 : vector<1x256xf32> to vector<1024x256xf32>
    %add3A_16 = arith.addf %dot_general3A_11, %add3A : vector<1024x256xf32>
    %max3A = arith.constant 0.000000e+00 : f32
    %max3A_17 = vector.broadcast %max3A : f32 to vector<1024x256xf32>
    %max3A_18 = arith.maximumf %add3A_16, %max3A_17 : vector<1024x256xf32>
    %get3A_19 = arith.constant 0 : index
    %get3A_20 = arith.constant 0 : index
    %get3A_21 = vector.load %arg4[%get3A_19, %get3A_20] : memref<256x256xf32, #tpu.memory_space<vmem>>, vector<256x256xf32>
    %dot_general3A_22 = arith.constant dense<0.000000e+00> : vector<1024x256xf32>
    %dot_general3A_23 = tpu.matmul %max3A_18, %get3A_21, %dot_general3A_22 {dimension_numbers = #tpu.dot_dimension_numbers<[1], [0], [0], [1], [0, 0, 1, 1], [], []>, transpose_lhs_hint = false} : vector<1024x256xf32>, vector<256x256xf32>, vector<1024x256xf32> -> vector<1024x256xf32>
    %get3A_24 = arith.constant 0 : index
    %get3A_25 = arith.constant 0 : index
    %get3A_26 = vector.load %arg5[%get3A_24, %get3A_25] : memref<1x256xf32, #tpu.memory_space<vmem>>, vector<1x256xf32>
    %squeeze3A_27 = vector.shape_cast %get3A_26 : vector<1x256xf32> to vector<256xf32>
    %broadcast_in_dim3A_28 = vector.shape_cast %squeeze3A_27 : vector<256xf32> to vector<1x256xf32>
    %add3A_29 = vector.broadcast %broadcast_in_dim3A_28 : vector<1x256xf32> to vector<1024x256xf32>
    %add3A_30 = arith.addf %dot_general3A_23, %add3A_29 : vector<1024x256xf32>
    %max3A_31 = arith.constant 0.000000e+00 : f32
    %max3A_32 = vector.broadcast %max3A_31 : f32 to vector<1024x256xf32>
    %max3A_33 = arith.maximumf %add3A_30, %max3A_32 : vector<1024x256xf32>
    %reshape3A_34 = vector.shape_cast %max3A_33 : vector<1024x256xf32> to vector<8x128x256xf32>
    %swap3A = arith.constant 0 : index
    %swap3A_35 = arith.constant 0 : index
    %swap3A_36 = arith.constant 0 : index
    %swap3A_37 = vector.load %arg6[%swap3A, %swap3A_35, %swap3A_36] : memref<8x128x256xf32, #tpu.memory_space<vmem>>, vector<8x128x256xf32>
    tpu.vector_store %arg6[%swap3A, %swap3A_35, %swap3A_36], %reshape3A_34 {strides = array<i32>} : memref<8x128x256xf32, #tpu.memory_space<vmem>>, vector<8x128x256xf32>,
    return
  }
}

module attributes {stable_mosaic.version = 14 : i64} {
  func.func @_fp2_body(%arg0: i32, %arg1: memref<1x512x3xf32, #tpu.memory_space<vmem>>, %arg2: memref<1x128x3xf32, #tpu.memory_space<vmem>>, %arg3: memref<1x512x320xf32, #tpu.memory_space<vmem>>, %arg4: memref<1x128x256xf32, #tpu.memory_space<vmem>>, %arg5: memref<576x256xf32, #tpu.memory_space<vmem>>, %arg6: memref<1x256xf32, #tpu.memory_space<vmem>>, %arg7: memref<256x128xf32, #tpu.memory_space<vmem>>, %arg8: memref<1x128xf32, #tpu.memory_space<vmem>>, %arg9: memref<1x512x128xf32, #tpu.memory_space<vmem>>) attributes {dimension_semantics = [#tpu.dimension_semantics<arbitrary>], iteration_bounds = array<i64: 8>, scalar_prefetch = 0 : i64, scratch_operands = 0 : i64, tpu.core_type = #tpu.core_type<tc>, window_params = [{transform_indices = @transform_0, window_bounds = array<i64: 1, 512, 3>}, {transform_indices = @transform_1, window_bounds = array<i64: 1, 128, 3>}, {transform_indices = @transform_2, window_bounds = array<i64: 1, 512, 320>}, {transform_indices = @transform_3, window_bounds = array<i64: 1, 128, 256>}, {pipeline_mode = #tpu.pipeline_mode<synchronous>, transform_indices = @transform_4, window_bounds = array<i64: 576, 256>}, {pipeline_mode = #tpu.pipeline_mode<synchronous>, transform_indices = @transform_5, window_bounds = array<i64: 1, 256>}, {pipeline_mode = #tpu.pipeline_mode<synchronous>, transform_indices = @transform_6, window_bounds = array<i64: 256, 128>}, {pipeline_mode = #tpu.pipeline_mode<synchronous>, transform_indices = @transform_7, window_bounds = array<i64: 1, 128>}, {transform_indices = @transform_8, window_bounds = array<i64: 1, 512, 128>}]} {
    %get3A = arith.constant 0 : index
    %get3A_0 = arith.constant 0 : index
    %get3A_1 = arith.constant 0 : index
    %get3A_2 = vector.load %arg1[%get3A, %get3A_0, %get3A_1] : memref<1x512x3xf32, #tpu.memory_space<vmem>>, vector<1x512x3xf32>
    %get3A_3 = vector.shape_cast %get3A_2 : vector<1x512x3xf32> to vector<512x3xf32>
    %get3A_4 = arith.constant 0 : index
    %get3A_5 = arith.constant 0 : index
    %get3A_6 = arith.constant 0 : index
    %get3A_7 = vector.load %arg2[%get3A_4, %get3A_5, %get3A_6] : memref<1x128x3xf32, #tpu.memory_space<vmem>>, vector<1x128x3xf32>
    %get3A_8 = vector.shape_cast %get3A_7 : vector<1x128x3xf32> to vector<128x3xf32>
    %mul3A = arith.mulf %get3A_3, %get3A_3 : vector<512x3xf32>
    %reduce_sum3A = arith.constant dense<0.000000e+00> : vector<512xf32>
    %reduce_sum3A_9 = vector.multi_reduction <add>, %mul3A, %reduce_sum3A [1] : vector<512x3xf32> to vector<512xf32>
    %broadcast_in_dim3A = vector.shape_cast %reduce_sum3A_9 : vector<512xf32> to vector<512x1xf32>
    %mul3A_10 = arith.mulf %get3A_8, %get3A_8 : vector<128x3xf32>
    %reduce_sum3A_11 = arith.constant dense<0.000000e+00> : vector<128xf32>
    %reduce_sum3A_12 = vector.multi_reduction <add>, %mul3A_10, %reduce_sum3A_11 [1] : vector<128x3xf32> to vector<128xf32>
    %broadcast_in_dim3A_13 = vector.shape_cast %reduce_sum3A_12 : vector<128xf32> to vector<1x128xf32>
    %add3A = vector.broadcast %broadcast_in_dim3A : vector<512x1xf32> to vector<512x128xf32>
    %add3A_14 = vector.broadcast %broadcast_in_dim3A_13 : vector<1x128xf32> to vector<512x128xf32>
    %add3A_15 = arith.addf %add3A, %add3A_14 : vector<512x128xf32>
    %dot_general3A = arith.constant dense<0.000000e+00> : vector<512x128xf32>
    %dot_general3A_16 = tpu.matmul %get3A_3, %get3A_8, %dot_general3A {dimension_numbers = #tpu.dot_dimension_numbers<[1], [1], [0], [0], [0, 0, 1, 0], [], []>, transpose_lhs_hint = false} : vector<512x3xf32>, vector<128x3xf32>, vector<512x128xf32> -> vector<512x128xf32>
    %mul3A_17 = arith.constant 2.000000e+00 : f32
    %mul3A_18 = vector.broadcast %mul3A_17 : f32 to vector<512x128xf32>
    %mul3A_19 = arith.mulf %mul3A_18, %dot_general3A_16 : vector<512x128xf32>
    %sub3A = arith.subf %add3A_15, %mul3A_19 : vector<512x128xf32>
    %get3A_20 = arith.constant 0 : index
    %get3A_21 = arith.constant 0 : index
    %get3A_22 = arith.constant 0 : index
    %get3A_23 = vector.load %arg4[%get3A_20, %get3A_21, %get3A_22] : memref<1x128x256xf32, #tpu.memory_space<vmem>>, vector<1x128x256xf32>
    %get3A_24 = vector.shape_cast %get3A_23 : vector<1x128x256xf32> to vector<128x256xf32>
    %iota3A = tpu.iota {dimensions = array<i32: 1>} : vector<512x128xi32>
    %broadcast_in_dim3A_25 = arith.constant 0.000000e+00 : f32
    %broadcast_in_dim3A_26 = vector.broadcast %broadcast_in_dim3A_25 : f32 to vector<512x128xf32>
    %reduce_min3A = arith.constant dense<0x7F800000> : vector<512xf32>
    %reduce_min3A_27 = vector.multi_reduction <minimumf>, %sub3A, %reduce_min3A [1] : vector<512x128xf32> to vector<512xf32>
    %broadcast_in_dim3A_28 = vector.shape_cast %reduce_min3A_27 : vector<512xf32> to vector<512x1xf32>
    %eq3A = vector.broadcast %broadcast_in_dim3A_28 : vector<512x1xf32> to vector<512x128xf32>
    %eq3A_29 = arith.cmpf oeq, %sub3A, %eq3A : vector<512x128xf32>
    %jit3A = arith.constant 128 : i32
    %broadcast_in_dim3A_30 = vector.broadcast %jit3A : i32 to vector<512x128xi32>
    %select_n3A = arith.select %eq3A_29, %iota3A, %broadcast_in_dim3A_30 : vector<512x128xi1>, vector<512x128xi32>
    %reduce_min3A_31 = arith.constant dense<2147483647> : vector<512xi32>
    %reduce_min3A_32 = vector.multi_reduction <minsi>, %select_n3A, %reduce_min3A_31 [1] : vector<512x128xi32> to vector<512xi32>
    %broadcast_in_dim3A_33 = vector.shape_cast %reduce_min3A_32 : vector<512xi32> to vector<512x1xi32>
    %eq3A_34 = vector.broadcast %broadcast_in_dim3A_33 : vector<512x1xi32> to vector<512x128xi32>
    %eq3A_35 = arith.cmpi eq, %iota3A, %eq3A_34 : vector<512x128xi32>
    %max3A = arith.constant 0.000000e+00 : f32
    %max3A_36 = vector.broadcast %max3A : f32 to vector<512x1xf32>
    %max3A_37 = arith.maximumf %broadcast_in_dim3A_28, %max3A_36 : vector<512x1xf32>
    %add3A_38 = arith.constant 9.99999993E-9 : f32
    %add3A_39 = vector.broadcast %add3A_38 : f32 to vector<512x1xf32>
    %add3A_40 = arith.addf %max3A_37, %add3A_39 : vector<512x1xf32>
    %div3A = arith.constant 1.000000e+00 : f32
    %div3A_41 = vector.broadcast %div3A : f32 to vector<512x1xf32>
    %div3A_42 = arith.divf %div3A_41, %add3A_40 : vector<512x1xf32>
    %jit3A_43 = arith.constant 1.000000e+30 : f32
    %broadcast_in_dim3A_44 = vector.broadcast %jit3A_43 : f32 to vector<512x128xf32>
    %select_n3A_45 = arith.select %eq3A_35, %broadcast_in_dim3A_44, %sub3A : vector<512x128xi1>, vector<512x128xf32>
    %reduce_min3A_46 = arith.constant dense<0x7F800000> : vector<512xf32>
    %reduce_min3A_47 = vector.multi_reduction <minimumf>, %select_n3A_45, %reduce_min3A_46 [1] : vector<512x128xf32> to vector<512xf32>
    %broadcast_in_dim3A_48 = vector.shape_cast %reduce_min3A_47 : vector<512xf32> to vector<512x1xf32>
    %eq3A_49 = vector.broadcast %broadcast_in_dim3A_48 : vector<512x1xf32> to vector<512x128xf32>
    %eq3A_50 = arith.cmpf oeq, %select_n3A_45, %eq3A_49 : vector<512x128xf32>
    %jit3A_51 = arith.constant 128 : i32
    %broadcast_in_dim3A_52 = vector.broadcast %jit3A_51 : i32 to vector<512x128xi32>
    %select_n3A_53 = arith.select %eq3A_50, %iota3A, %broadcast_in_dim3A_52 : vector<512x128xi1>, vector<512x128xi32>
    %reduce_min3A_54 = arith.constant dense<2147483647> : vector<512xi32>
    %reduce_min3A_55 = vector.multi_reduction <minsi>, %select_n3A_53, %reduce_min3A_54 [1] : vector<512x128xi32> to vector<512xi32>
    %broadcast_in_dim3A_56 = vector.shape_cast %reduce_min3A_55 : vector<512xi32> to vector<512x1xi32>
    %eq3A_57 = vector.broadcast %broadcast_in_dim3A_56 : vector<512x1xi32> to vector<512x128xi32>
    %eq3A_58 = arith.cmpi eq, %iota3A, %eq3A_57 : vector<512x128xi32>
    %max3A_59 = arith.constant 0.000000e+00 : f32
    %max3A_60 = vector.broadcast %max3A_59 : f32 to vector<512x1xf32>
    %max3A_61 = arith.maximumf %broadcast_in_dim3A_48, %max3A_60 : vector<512x1xf32>
    %add3A_62 = arith.constant 9.99999993E-9 : f32
    %add3A_63 = vector.broadcast %add3A_62 : f32 to vector<512x1xf32>
    %add3A_64 = arith.addf %max3A_61, %add3A_63 : vector<512x1xf32>
    %div3A_65 = arith.constant 1.000000e+00 : f32
    %div3A_66 = vector.broadcast %div3A_65 : f32 to vector<512x1xf32>
    %div3A_67 = arith.divf %div3A_66, %add3A_64 : vector<512x1xf32>
    %jit3A_68 = arith.constant 1.000000e+30 : f32
    %broadcast_in_dim3A_69 = vector.broadcast %jit3A_68 : f32 to vector<512x128xf32>
    %select_n3A_70 = arith.select %eq3A_58, %broadcast_in_dim3A_69, %select_n3A_45 : vector<512x128xi1>, vector<512x128xf32>
    %reduce_min3A_71 = arith.constant dense<0x7F800000> : vector<512xf32>
    %reduce_min3A_72 = vector.multi_reduction <minimumf>, %select_n3A_70, %reduce_min3A_71 [1] : vector<512x128xf32> to vector<512xf32>
    %broadcast_in_dim3A_73 = vector.shape_cast %reduce_min3A_72 : vector<512xf32> to vector<512x1xf32>
    %eq3A_74 = vector.broadcast %broadcast_in_dim3A_73 : vector<512x1xf32> to vector<512x128xf32>
    %eq3A_75 = arith.cmpf oeq, %select_n3A_70, %eq3A_74 : vector<512x128xf32>
    %jit3A_76 = arith.constant 128 : i32
    %broadcast_in_dim3A_77 = vector.broadcast %jit3A_76 : i32 to vector<512x128xi32>
    %select_n3A_78 = arith.select %eq3A_75, %iota3A, %broadcast_in_dim3A_77 : vector<512x128xi1>, vector<512x128xi32>
    %reduce_min3A_79 = arith.constant dense<2147483647> : vector<512xi32>
    %reduce_min3A_80 = vector.multi_reduction <minsi>, %select_n3A_78, %reduce_min3A_79 [1] : vector<512x128xi32> to vector<512xi32>
    %broadcast_in_dim3A_81 = vector.shape_cast %reduce_min3A_80 : vector<512xi32> to vector<512x1xi32>
    %eq3A_82 = vector.broadcast %broadcast_in_dim3A_81 : vector<512x1xi32> to vector<512x128xi32>
    %eq3A_83 = arith.cmpi eq, %iota3A, %eq3A_82 : vector<512x128xi32>
    %max3A_84 = arith.constant 0.000000e+00 : f32
    %max3A_85 = vector.broadcast %max3A_84 : f32 to vector<512x1xf32>
    %max3A_86 = arith.maximumf %broadcast_in_dim3A_73, %max3A_85 : vector<512x1xf32>
    %add3A_87 = arith.constant 9.99999993E-9 : f32
    %add3A_88 = vector.broadcast %add3A_87 : f32 to vector<512x1xf32>
    %add3A_89 = arith.addf %max3A_86, %add3A_88 : vector<512x1xf32>
    %div3A_90 = arith.constant 1.000000e+00 : f32
    %div3A_91 = vector.broadcast %div3A_90 : f32 to vector<512x1xf32>
    %div3A_92 = arith.divf %div3A_91, %add3A_89 : vector<512x1xf32>
    %add3A_93 = arith.addf %div3A_42, %div3A_67 : vector<512x1xf32>
    %add3A_94 = arith.addf %add3A_93, %div3A_92 : vector<512x1xf32>
    %div3A_95 = arith.divf %div3A_42, %add3A_94 : vector<512x1xf32>
    %jit3A_96 = arith.constant 0.000000e+00 : f32
    %broadcast_in_dim3A_97 = vector.shape_cast %div3A_95 : vector<512x1xf32> to vector<512x1xf32>
    %broadcast_in_dim3A_98 = vector.broadcast %broadcast_in_dim3A_97 : vector<512x1xf32> to vector<512x128xf32>
    %broadcast_in_dim3A_99 = vector.broadcast %jit3A_96 : f32 to vector<512x128xf32>
    %select_n3A_100 = arith.select %eq3A_35, %broadcast_in_dim3A_98, %broadcast_in_dim3A_99 : vector<512x128xi1>, vector<512x128xf32>
    %add3A_101 = arith.addf %broadcast_in_dim3A_26, %select_n3A_100 : vector<512x128xf32>
    %div3A_102 = arith.divf %div3A_67, %add3A_94 : vector<512x1xf32>
    %jit3A_103 = arith.constant 0.000000e+00 : f32
    %broadcast_in_dim3A_104 = vector.shape_cast %div3A_102 : vector<512x1xf32> to vector<512x1xf32>
    %broadcast_in_dim3A_105 = vector.broadcast %broadcast_in_dim3A_104 : vector<512x1xf32> to vector<512x128xf32>
    %broadcast_in_dim3A_106 = vector.broadcast %jit3A_103 : f32 to vector<512x128xf32>
    %select_n3A_107 = arith.select %eq3A_58, %broadcast_in_dim3A_105, %broadcast_in_dim3A_106 : vector<512x128xi1>, vector<512x128xf32>
    %add3A_108 = arith.addf %add3A_101, %select_n3A_107 : vector<512x128xf32>
    %div3A_109 = arith.divf %div3A_92, %add3A_94 : vector<512x1xf32>
    %jit3A_110 = arith.constant 0.000000e+00 : f32
    %broadcast_in_dim3A_111 = vector.shape_cast %div3A_109 : vector<512x1xf32> to vector<512x1xf32>
    %broadcast_in_dim3A_112 = vector.broadcast %broadcast_in_dim3A_111 : vector<512x1xf32> to vector<512x128xf32>
    %broadcast_in_dim3A_113 = vector.broadcast %jit3A_110 : f32 to vector<512x128xf32>
    %select_n3A_114 = arith.select %eq3A_83, %broadcast_in_dim3A_112, %broadcast_in_dim3A_113 : vector<512x128xi1>, vector<512x128xf32>
    %add3A_115 = arith.addf %add3A_108, %select_n3A_114 : vector<512x128xf32>
    %dot_general3A_116 = arith.constant dense<0.000000e+00> : vector<512x256xf32>
    %dot_general3A_117 = tpu.matmul %add3A_115, %get3A_24, %dot_general3A_116 {dimension_numbers = #tpu.dot_dimension_numbers<[1], [0], [0], [1], [0, 0, 1, 1], [], []>, transpose_lhs_hint = false} : vector<512x128xf32>, vector<128x256xf32>, vector<512x256xf32> -> vector<512x256xf32>
    %get3A_118 = arith.constant 0 : index
    %get3A_119 = arith.constant 0 : index
    %get3A_120 = arith.constant 0 : index
    %get3A_121 = vector.load %arg3[%get3A_118, %get3A_119, %get3A_120] : memref<1x512x320xf32, #tpu.memory_space<vmem>>, vector<1x512x320xf32>
    %get3A_122 = vector.shape_cast %get3A_121 : vector<1x512x320xf32> to vector<512x320xf32>
    %concatenate3A = tpu.concatenate %get3A_122, %dot_general3A_117 in 1 : vector<512x320xf32>, vector<512x256xf32> -> vector<512x576xf32>
    %get3A_123 = arith.constant 0 : index
    %get3A_124 = arith.constant 0 : index
    %get3A_125 = vector.load %arg5[%get3A_123, %get3A_124] : memref<576x256xf32, #tpu.memory_space<vmem>>, vector<576x256xf32>
    %dot_general3A_126 = arith.constant dense<0.000000e+00> : vector<512x256xf32>
    %dot_general3A_127 = tpu.matmul %concatenate3A, %get3A_125, %dot_general3A_126 {dimension_numbers = #tpu.dot_dimension_numbers<[1], [0], [0], [1], [0, 0, 1, 1], [], []>, transpose_lhs_hint = false} : vector<512x576xf32>, vector<576x256xf32>, vector<512x256xf32> -> vector<512x256xf32>
    %get3A_128 = arith.constant 0 : index
    %get3A_129 = arith.constant 0 : index
    %get3A_130 = vector.load %arg6[%get3A_128, %get3A_129] : memref<1x256xf32, #tpu.memory_space<vmem>>, vector<1x256xf32>
    %squeeze3A = vector.shape_cast %get3A_130 : vector<1x256xf32> to vector<256xf32>
    %broadcast_in_dim3A_131 = vector.shape_cast %squeeze3A : vector<256xf32> to vector<1x256xf32>
    %add3A_132 = vector.broadcast %broadcast_in_dim3A_131 : vector<1x256xf32> to vector<512x256xf32>
    %add3A_133 = arith.addf %dot_general3A_127, %add3A_132 : vector<512x256xf32>
    %max3A_134 = arith.constant 0.000000e+00 : f32
    %max3A_135 = vector.broadcast %max3A_134 : f32 to vector<512x256xf32>
    %max3A_136 = arith.maximumf %add3A_133, %max3A_135 : vector<512x256xf32>
    %get3A_137 = arith.constant 0 : index
    %get3A_138 = arith.constant 0 : index
    %get3A_139 = vector.load %arg7[%get3A_137, %get3A_138] : memref<256x128xf32, #tpu.memory_space<vmem>>, vector<256x128xf32>
    %dot_general3A_140 = arith.constant dense<0.000000e+00> : vector<512x128xf32>
    %dot_general3A_141 = tpu.matmul %max3A_136, %get3A_139, %dot_general3A_140 {dimension_numbers = #tpu.dot_dimension_numbers<[1], [0], [0], [1], [0, 0, 1, 1], [], []>, transpose_lhs_hint = false} : vector<512x256xf32>, vector<256x128xf32>, vector<512x128xf32> -> vector<512x128xf32>
    %get3A_142 = arith.constant 0 : index
    %get3A_143 = arith.constant 0 : index
    %get3A_144 = vector.load %arg8[%get3A_142, %get3A_143] : memref<1x128xf32, #tpu.memory_space<vmem>>, vector<1x128xf32>
    %squeeze3A_145 = vector.shape_cast %get3A_144 : vector<1x128xf32> to vector<128xf32>
    %broadcast_in_dim3A_146 = vector.shape_cast %squeeze3A_145 : vector<128xf32> to vector<1x128xf32>
    %add3A_147 = vector.broadcast %broadcast_in_dim3A_146 : vector<1x128xf32> to vector<512x128xf32>
    %add3A_148 = arith.addf %dot_general3A_141, %add3A_147 : vector<512x128xf32>
    %max3A_149 = arith.constant 0.000000e+00 : f32
    %max3A_150 = vector.broadcast %max3A_149 : f32 to vector<512x128xf32>
    %max3A_151 = arith.maximumf %add3A_148, %max3A_150 : vector<512x128xf32>
    %swap3A = arith.constant 0 : index
    %swap3A_152 = arith.constant 0 : index
    %swap3A_153 = arith.constant 0 : index
    %swap3A_154 = vector.load %arg9[%swap3A, %swap3A_152, %swap3A_153] : memref<1x512x128xf32, #tpu.memory_space<vmem>>, vector<1x512x128xf32>
    %swap3A_155 = vector.shape_cast %swap3A_154 : vector<1x512x128xf32> to vector<512x128xf32>
    %swap3A_156 = vector.shape_cast %max3A_151 : vector<512x128xf32> to vector<1x512x128xf32>
    tpu.vector_store %arg9[%swap3A, %swap3A_152, %swap3A_153], %swap3A_156 {strides = array<i32>} : memref<1x512x128xf32, #tpu.memory_space<vmem>>, vector<1x512x128xf32>,
    return
  }
  func.func @transform_0(%arg0: i32) -> (i32, i32, i32) {
    %c0_i32 = arith.constant 0 : i32
    %c0_i32_0 = arith.constant 0 : i32
    %c0_i32_1 = arith.constant 0 : i32
    return %arg0, %c0_i32, %c0_i32_0 : i32, i32, i32
  }
  func.func @transform_1(%arg0: i32) -> (i32, i32, i32) {
    %c0_i32 = arith.constant 0 : i32
    %c0_i32_0 = arith.constant 0 : i32
    %c0_i32_1 = arith.constant 0 : i32
    return %arg0, %c0_i32, %c0_i32_0 : i32, i32, i32
  }
  func.func @transform_2(%arg0: i32) -> (i32, i32, i32) {
    %c0_i32 = arith.constant 0 : i32
    %c0_i32_0 = arith.constant 0 : i32
    %c0_i32_1 = arith.constant 0 : i32
    return %arg0, %c0_i32, %c0_i32_0 : i32, i32, i32
  }
  func.func @transform_3(%arg0: i32) -> (i32, i32, i32) {
    %c0_i32 = arith.constant 0 : i32
    %c0_i32_0 = arith.constant 0 : i32
    %c0_i32_1 = arith.constant 0 : i32
    return %arg0, %c0_i32, %c0_i32_0 : i32, i32, i32
  }
  func.func @transform_4(%arg0: i32) -> (i32, i32) {
    %c0_i32 = arith.constant 0 : i32
    %c0_i32_0 = arith.constant 0 : i32
    %c0_i32_1 = arith.constant 0 : i32
    return %c0_i32, %c0_i32_0 : i32, i32
  }
  func.func @transform_5(%arg0: i32) -> (i32, i32) {
    %c0_i32 = arith.constant 0 : i32
    %c0_i32_0 = arith.constant 0 : i32
    %c0_i32_1 = arith.constant 0 : i32
    return %c0_i32, %c0_i32_0 : i32, i32
  }
  func.func @transform_6(%arg0: i32) -> (i32, i32) {
    %c0_i32 = arith.constant 0 : i32
    %c0_i32_0 = arith.constant 0 : i32
    %c0_i32_1 = arith.constant 0 : i32
    return %c0_i32, %c0_i32_0 : i32, i32
  }
  func.func @transform_7(%arg0: i32) -> (i32, i32) {
    %c0_i32 = arith.constant 0 : i32
    %c0_i32_0 = arith.constant 0 : i32
    %c0_i32_1 = arith.constant 0 : i32
    return %c0_i32, %c0_i32_0 : i32, i32
  }
  func.func @transform_8(%arg0: i32) -> (i32, i32, i32) {
    %c0_i32 = arith.constant 0 : i32
    %c0_i32_0 = arith.constant 0 : i32
    %c0_i32_1 = arith.constant 0 : i32
    return %arg0, %c0_i32, %c0_i32_0 : i32, i32, i32
  }
}

module attributes {stable_mosaic.version = 14 : i64} {
  func.func @_fp1_head_body(%arg0: i32, %arg1: i32, %arg2: memref<1x1024x3xf32, #tpu.memory_space<vmem>>, %arg3: memref<1x512x3xf32, #tpu.memory_space<vmem>>, %arg4: memref<1x512x128xf32, #tpu.memory_space<vmem>>, %arg5: memref<131x128xf32, #tpu.memory_space<vmem>>, %arg6: memref<1x128xf32, #tpu.memory_space<vmem>>, %arg7: memref<128x128xf32, #tpu.memory_space<vmem>>, %arg8: memref<1x128xf32, #tpu.memory_space<vmem>>, %arg9: memref<128x128xf32, #tpu.memory_space<vmem>>, %arg10: memref<1x128xf32, #tpu.memory_space<vmem>>, %arg11: memref<128x128xf32, #tpu.memory_space<vmem>>, %arg12: memref<1x128xf32, #tpu.memory_space<vmem>>, %arg13: memref<1x1024x128xf32, #tpu.memory_space<vmem>>) attributes {dimension_semantics = [#tpu.dimension_semantics<arbitrary>, #tpu.dimension_semantics<arbitrary>], iteration_bounds = array<i64: 8, 4>, scalar_prefetch = 0 : i64, scratch_operands = 0 : i64, tpu.core_type = #tpu.core_type<tc>, window_params = [{transform_indices = @transform_0, window_bounds = array<i64: 1, 1024, 3>}, {transform_indices = @transform_1, window_bounds = array<i64: 1, 512, 3>}, {transform_indices = @transform_2, window_bounds = array<i64: 1, 512, 128>}, {pipeline_mode = #tpu.pipeline_mode<synchronous>, transform_indices = @transform_3, window_bounds = array<i64: 131, 128>}, {pipeline_mode = #tpu.pipeline_mode<synchronous>, transform_indices = @transform_4, window_bounds = array<i64: 1, 128>}, {pipeline_mode = #tpu.pipeline_mode<synchronous>, transform_indices = @transform_5, window_bounds = array<i64: 128, 128>}, {pipeline_mode = #tpu.pipeline_mode<synchronous>, transform_indices = @transform_6, window_bounds = array<i64: 1, 128>}, {pipeline_mode = #tpu.pipeline_mode<synchronous>, transform_indices = @transform_7, window_bounds = array<i64: 128, 128>}, {pipeline_mode = #tpu.pipeline_mode<synchronous>, transform_indices = @transform_8, window_bounds = array<i64: 1, 128>}, {pipeline_mode = #tpu.pipeline_mode<synchronous>, transform_indices = @transform_9, window_bounds = array<i64: 128, 128>}, {pipeline_mode = #tpu.pipeline_mode<synchronous>, transform_indices = @transform_10, window_bounds = array<i64: 1, 128>}, {transform_indices = @transform_11, window_bounds = array<i64: 1, 1024, 128>}]} {
    %get3A = arith.constant 0 : index
    %get3A_0 = arith.constant 0 : index
    %get3A_1 = arith.constant 0 : index
    %get3A_2 = vector.load %arg2[%get3A, %get3A_0, %get3A_1] : memref<1x1024x3xf32, #tpu.memory_space<vmem>>, vector<1x1024x3xf32>
    %get3A_3 = vector.shape_cast %get3A_2 : vector<1x1024x3xf32> to vector<1024x3xf32>
    %get3A_4 = arith.constant 0 : index
    %get3A_5 = arith.constant 0 : index
    %get3A_6 = arith.constant 0 : index
    %get3A_7 = vector.load %arg3[%get3A_4, %get3A_5, %get3A_6] : memref<1x512x3xf32, #tpu.memory_space<vmem>>, vector<1x512x3xf32>
    %get3A_8 = vector.shape_cast %get3A_7 : vector<1x512x3xf32> to vector<512x3xf32>
    %mul3A = arith.mulf %get3A_3, %get3A_3 : vector<1024x3xf32>
    %reduce_sum3A = arith.constant dense<0.000000e+00> : vector<1024xf32>
    %reduce_sum3A_9 = vector.multi_reduction <add>, %mul3A, %reduce_sum3A [1] : vector<1024x3xf32> to vector<1024xf32>
    %broadcast_in_dim3A = vector.shape_cast %reduce_sum3A_9 : vector<1024xf32> to vector<1024x1xf32>
    %mul3A_10 = arith.mulf %get3A_8, %get3A_8 : vector<512x3xf32>
    %reduce_sum3A_11 = arith.constant dense<0.000000e+00> : vector<512xf32>
    %reduce_sum3A_12 = vector.multi_reduction <add>, %mul3A_10, %reduce_sum3A_11 [1] : vector<512x3xf32> to vector<512xf32>
    %broadcast_in_dim3A_13 = vector.shape_cast %reduce_sum3A_12 : vector<512xf32> to vector<1x512xf32>
    %add3A = vector.broadcast %broadcast_in_dim3A : vector<1024x1xf32> to vector<1024x512xf32>
    %add3A_14 = vector.broadcast %broadcast_in_dim3A_13 : vector<1x512xf32> to vector<1024x512xf32>
    %add3A_15 = arith.addf %add3A, %add3A_14 : vector<1024x512xf32>
    %dot_general3A = arith.constant dense<0.000000e+00> : vector<1024x512xf32>
    %dot_general3A_16 = tpu.matmul %get3A_3, %get3A_8, %dot_general3A {dimension_numbers = #tpu.dot_dimension_numbers<[1], [1], [0], [0], [0, 0, 1, 0], [], []>, transpose_lhs_hint = false} : vector<1024x3xf32>, vector<512x3xf32>, vector<1024x512xf32> -> vector<1024x512xf32>
    %mul3A_17 = arith.constant 2.000000e+00 : f32
    %mul3A_18 = vector.broadcast %mul3A_17 : f32 to vector<1024x512xf32>
    %mul3A_19 = arith.mulf %mul3A_18, %dot_general3A_16 : vector<1024x512xf32>
    %sub3A = arith.subf %add3A_15, %mul3A_19 : vector<1024x512xf32>
    %get3A_20 = arith.constant 0 : index
    %get3A_21 = arith.constant 0 : index
    %get3A_22 = arith.constant 0 : index
    %get3A_23 = vector.load %arg4[%get3A_20, %get3A_21, %get3A_22] : memref<1x512x128xf32, #tpu.memory_space<vmem>>, vector<1x512x128xf32>
    %get3A_24 = vector.shape_cast %get3A_23 : vector<1x512x128xf32> to vector<512x128xf32>
    %iota3A = tpu.iota {dimensions = array<i32: 1>} : vector<1024x512xi32>
    %broadcast_in_dim3A_25 = arith.constant 0.000000e+00 : f32
    %broadcast_in_dim3A_26 = vector.broadcast %broadcast_in_dim3A_25 : f32 to vector<1024x512xf32>
    %reduce_min3A = arith.constant dense<0x7F800000> : vector<1024xf32>
    %reduce_min3A_27 = vector.multi_reduction <minimumf>, %sub3A, %reduce_min3A [1] : vector<1024x512xf32> to vector<1024xf32>
    %broadcast_in_dim3A_28 = vector.shape_cast %reduce_min3A_27 : vector<1024xf32> to vector<1024x1xf32>
    %eq3A = vector.broadcast %broadcast_in_dim3A_28 : vector<1024x1xf32> to vector<1024x512xf32>
    %eq3A_29 = arith.cmpf oeq, %sub3A, %eq3A : vector<1024x512xf32>
    %jit3A = arith.constant 512 : i32
    %broadcast_in_dim3A_30 = vector.broadcast %jit3A : i32 to vector<1024x512xi32>
    %select_n3A = arith.select %eq3A_29, %iota3A, %broadcast_in_dim3A_30 : vector<1024x512xi1>, vector<1024x512xi32>
    %reduce_min3A_31 = arith.constant dense<2147483647> : vector<1024xi32>
    %reduce_min3A_32 = vector.multi_reduction <minsi>, %select_n3A, %reduce_min3A_31 [1] : vector<1024x512xi32> to vector<1024xi32>
    %broadcast_in_dim3A_33 = vector.shape_cast %reduce_min3A_32 : vector<1024xi32> to vector<1024x1xi32>
    %eq3A_34 = vector.broadcast %broadcast_in_dim3A_33 : vector<1024x1xi32> to vector<1024x512xi32>
    %eq3A_35 = arith.cmpi eq, %iota3A, %eq3A_34 : vector<1024x512xi32>
    %max3A = arith.constant 0.000000e+00 : f32
    %max3A_36 = vector.broadcast %max3A : f32 to vector<1024x1xf32>
    %max3A_37 = arith.maximumf %broadcast_in_dim3A_28, %max3A_36 : vector<1024x1xf32>
    %add3A_38 = arith.constant 9.99999993E-9 : f32
    %add3A_39 = vector.broadcast %add3A_38 : f32 to vector<1024x1xf32>
    %add3A_40 = arith.addf %max3A_37, %add3A_39 : vector<1024x1xf32>
    %div3A = arith.constant 1.000000e+00 : f32
    %div3A_41 = vector.broadcast %div3A : f32 to vector<1024x1xf32>
    %div3A_42 = arith.divf %div3A_41, %add3A_40 : vector<1024x1xf32>
    %jit3A_43 = arith.constant 1.000000e+30 : f32
    %broadcast_in_dim3A_44 = vector.broadcast %jit3A_43 : f32 to vector<1024x512xf32>
    %select_n3A_45 = arith.select %eq3A_35, %broadcast_in_dim3A_44, %sub3A : vector<1024x512xi1>, vector<1024x512xf32>
    %reduce_min3A_46 = arith.constant dense<0x7F800000> : vector<1024xf32>
    %reduce_min3A_47 = vector.multi_reduction <minimumf>, %select_n3A_45, %reduce_min3A_46 [1] : vector<1024x512xf32> to vector<1024xf32>
    %broadcast_in_dim3A_48 = vector.shape_cast %reduce_min3A_47 : vector<1024xf32> to vector<1024x1xf32>
    %eq3A_49 = vector.broadcast %broadcast_in_dim3A_48 : vector<1024x1xf32> to vector<1024x512xf32>
    %eq3A_50 = arith.cmpf oeq, %select_n3A_45, %eq3A_49 : vector<1024x512xf32>
    %jit3A_51 = arith.constant 512 : i32
    %broadcast_in_dim3A_52 = vector.broadcast %jit3A_51 : i32 to vector<1024x512xi32>
    %select_n3A_53 = arith.select %eq3A_50, %iota3A, %broadcast_in_dim3A_52 : vector<1024x512xi1>, vector<1024x512xi32>
    %reduce_min3A_54 = arith.constant dense<2147483647> : vector<1024xi32>
    %reduce_min3A_55 = vector.multi_reduction <minsi>, %select_n3A_53, %reduce_min3A_54 [1] : vector<1024x512xi32> to vector<1024xi32>
    %broadcast_in_dim3A_56 = vector.shape_cast %reduce_min3A_55 : vector<1024xi32> to vector<1024x1xi32>
    %eq3A_57 = vector.broadcast %broadcast_in_dim3A_56 : vector<1024x1xi32> to vector<1024x512xi32>
    %eq3A_58 = arith.cmpi eq, %iota3A, %eq3A_57 : vector<1024x512xi32>
    %max3A_59 = arith.constant 0.000000e+00 : f32
    %max3A_60 = vector.broadcast %max3A_59 : f32 to vector<1024x1xf32>
    %max3A_61 = arith.maximumf %broadcast_in_dim3A_48, %max3A_60 : vector<1024x1xf32>
    %add3A_62 = arith.constant 9.99999993E-9 : f32
    %add3A_63 = vector.broadcast %add3A_62 : f32 to vector<1024x1xf32>
    %add3A_64 = arith.addf %max3A_61, %add3A_63 : vector<1024x1xf32>
    %div3A_65 = arith.constant 1.000000e+00 : f32
    %div3A_66 = vector.broadcast %div3A_65 : f32 to vector<1024x1xf32>
    %div3A_67 = arith.divf %div3A_66, %add3A_64 : vector<1024x1xf32>
    %jit3A_68 = arith.constant 1.000000e+30 : f32
    %broadcast_in_dim3A_69 = vector.broadcast %jit3A_68 : f32 to vector<1024x512xf32>
    %select_n3A_70 = arith.select %eq3A_58, %broadcast_in_dim3A_69, %select_n3A_45 : vector<1024x512xi1>, vector<1024x512xf32>
    %reduce_min3A_71 = arith.constant dense<0x7F800000> : vector<1024xf32>
    %reduce_min3A_72 = vector.multi_reduction <minimumf>, %select_n3A_70, %reduce_min3A_71 [1] : vector<1024x512xf32> to vector<1024xf32>
    %broadcast_in_dim3A_73 = vector.shape_cast %reduce_min3A_72 : vector<1024xf32> to vector<1024x1xf32>
    %eq3A_74 = vector.broadcast %broadcast_in_dim3A_73 : vector<1024x1xf32> to vector<1024x512xf32>
    %eq3A_75 = arith.cmpf oeq, %select_n3A_70, %eq3A_74 : vector<1024x512xf32>
    %jit3A_76 = arith.constant 512 : i32
    %broadcast_in_dim3A_77 = vector.broadcast %jit3A_76 : i32 to vector<1024x512xi32>
    %select_n3A_78 = arith.select %eq3A_75, %iota3A, %broadcast_in_dim3A_77 : vector<1024x512xi1>, vector<1024x512xi32>
    %reduce_min3A_79 = arith.constant dense<2147483647> : vector<1024xi32>
    %reduce_min3A_80 = vector.multi_reduction <minsi>, %select_n3A_78, %reduce_min3A_79 [1] : vector<1024x512xi32> to vector<1024xi32>
    %broadcast_in_dim3A_81 = vector.shape_cast %reduce_min3A_80 : vector<1024xi32> to vector<1024x1xi32>
    %eq3A_82 = vector.broadcast %broadcast_in_dim3A_81 : vector<1024x1xi32> to vector<1024x512xi32>
    %eq3A_83 = arith.cmpi eq, %iota3A, %eq3A_82 : vector<1024x512xi32>
    %max3A_84 = arith.constant 0.000000e+00 : f32
    %max3A_85 = vector.broadcast %max3A_84 : f32 to vector<1024x1xf32>
    %max3A_86 = arith.maximumf %broadcast_in_dim3A_73, %max3A_85 : vector<1024x1xf32>
    %add3A_87 = arith.constant 9.99999993E-9 : f32
    %add3A_88 = vector.broadcast %add3A_87 : f32 to vector<1024x1xf32>
    %add3A_89 = arith.addf %max3A_86, %add3A_88 : vector<1024x1xf32>
    %div3A_90 = arith.constant 1.000000e+00 : f32
    %div3A_91 = vector.broadcast %div3A_90 : f32 to vector<1024x1xf32>
    %div3A_92 = arith.divf %div3A_91, %add3A_89 : vector<1024x1xf32>
    %add3A_93 = arith.addf %div3A_42, %div3A_67 : vector<1024x1xf32>
    %add3A_94 = arith.addf %add3A_93, %div3A_92 : vector<1024x1xf32>
    %div3A_95 = arith.divf %div3A_42, %add3A_94 : vector<1024x1xf32>
    %jit3A_96 = arith.constant 0.000000e+00 : f32
    %broadcast_in_dim3A_97 = vector.shape_cast %div3A_95 : vector<1024x1xf32> to vector<1024x1xf32>
    %broadcast_in_dim3A_98 = vector.broadcast %broadcast_in_dim3A_97 : vector<1024x1xf32> to vector<1024x512xf32>
    %broadcast_in_dim3A_99 = vector.broadcast %jit3A_96 : f32 to vector<1024x512xf32>
    %select_n3A_100 = arith.select %eq3A_35, %broadcast_in_dim3A_98, %broadcast_in_dim3A_99 : vector<1024x512xi1>, vector<1024x512xf32>
    %add3A_101 = arith.addf %broadcast_in_dim3A_26, %select_n3A_100 : vector<1024x512xf32>
    %div3A_102 = arith.divf %div3A_67, %add3A_94 : vector<1024x1xf32>
    %jit3A_103 = arith.constant 0.000000e+00 : f32
    %broadcast_in_dim3A_104 = vector.shape_cast %div3A_102 : vector<1024x1xf32> to vector<1024x1xf32>
    %broadcast_in_dim3A_105 = vector.broadcast %broadcast_in_dim3A_104 : vector<1024x1xf32> to vector<1024x512xf32>
    %broadcast_in_dim3A_106 = vector.broadcast %jit3A_103 : f32 to vector<1024x512xf32>
    %select_n3A_107 = arith.select %eq3A_58, %broadcast_in_dim3A_105, %broadcast_in_dim3A_106 : vector<1024x512xi1>, vector<1024x512xf32>
    %add3A_108 = arith.addf %add3A_101, %select_n3A_107 : vector<1024x512xf32>
    %div3A_109 = arith.divf %div3A_92, %add3A_94 : vector<1024x1xf32>
    %jit3A_110 = arith.constant 0.000000e+00 : f32
    %broadcast_in_dim3A_111 = vector.shape_cast %div3A_109 : vector<1024x1xf32> to vector<1024x1xf32>
    %broadcast_in_dim3A_112 = vector.broadcast %broadcast_in_dim3A_111 : vector<1024x1xf32> to vector<1024x512xf32>
    %broadcast_in_dim3A_113 = vector.broadcast %jit3A_110 : f32 to vector<1024x512xf32>
    %select_n3A_114 = arith.select %eq3A_83, %broadcast_in_dim3A_112, %broadcast_in_dim3A_113 : vector<1024x512xi1>, vector<1024x512xf32>
    %add3A_115 = arith.addf %add3A_108, %select_n3A_114 : vector<1024x512xf32>
    %dot_general3A_116 = arith.constant dense<0.000000e+00> : vector<1024x128xf32>
    %dot_general3A_117 = tpu.matmul %add3A_115, %get3A_24, %dot_general3A_116 {dimension_numbers = #tpu.dot_dimension_numbers<[1], [0], [0], [1], [0, 0, 1, 1], [], []>, transpose_lhs_hint = false} : vector<1024x512xf32>, vector<512x128xf32>, vector<1024x128xf32> -> vector<1024x128xf32>
    %concatenate3A = tpu.concatenate %get3A_3, %dot_general3A_117 in 1 : vector<1024x3xf32>, vector<1024x128xf32> -> vector<1024x131xf32>
    %get3A_118 = arith.constant 0 : index
    %get3A_119 = arith.constant 0 : index
    %get3A_120 = vector.load %arg5[%get3A_118, %get3A_119] : memref<131x128xf32, #tpu.memory_space<vmem>>, vector<131x128xf32>
    %dot_general3A_121 = arith.constant dense<0.000000e+00> : vector<1024x128xf32>
    %dot_general3A_122 = tpu.matmul %concatenate3A, %get3A_120, %dot_general3A_121 {dimension_numbers = #tpu.dot_dimension_numbers<[1], [0], [0], [1], [0, 0, 1, 1], [], []>, transpose_lhs_hint = false} : vector<1024x131xf32>, vector<131x128xf32>, vector<1024x128xf32> -> vector<1024x128xf32>
    %get3A_123 = arith.constant 0 : index
    %get3A_124 = arith.constant 0 : index
    %get3A_125 = vector.load %arg6[%get3A_123, %get3A_124] : memref<1x128xf32, #tpu.memory_space<vmem>>, vector<1x128xf32>
    %squeeze3A = vector.shape_cast %get3A_125 : vector<1x128xf32> to vector<128xf32>
    %broadcast_in_dim3A_126 = vector.shape_cast %squeeze3A : vector<128xf32> to vector<1x128xf32>
    %add3A_127 = vector.broadcast %broadcast_in_dim3A_126 : vector<1x128xf32> to vector<1024x128xf32>
    %add3A_128 = arith.addf %dot_general3A_122, %add3A_127 : vector<1024x128xf32>
    %max3A_129 = arith.constant 0.000000e+00 : f32
    %max3A_130 = vector.broadcast %max3A_129 : f32 to vector<1024x128xf32>
    %max3A_131 = arith.maximumf %add3A_128, %max3A_130 : vector<1024x128xf32>
    %get3A_132 = arith.constant 0 : index
    %get3A_133 = arith.constant 0 : index
    %get3A_134 = vector.load %arg7[%get3A_132, %get3A_133] : memref<128x128xf32, #tpu.memory_space<vmem>>, vector<128x128xf32>
    %dot_general3A_135 = arith.constant dense<0.000000e+00> : vector<1024x128xf32>
    %dot_general3A_136 = tpu.matmul %max3A_131, %get3A_134, %dot_general3A_135 {dimension_numbers = #tpu.dot_dimension_numbers<[1], [0], [0], [1], [0, 0, 1, 1], [], []>, transpose_lhs_hint = false} : vector<1024x128xf32>, vector<128x128xf32>, vector<1024x128xf32> -> vector<1024x128xf32>
    %get3A_137 = arith.constant 0 : index
    %get3A_138 = arith.constant 0 : index
    %get3A_139 = vector.load %arg8[%get3A_137, %get3A_138] : memref<1x128xf32, #tpu.memory_space<vmem>>, vector<1x128xf32>
    %squeeze3A_140 = vector.shape_cast %get3A_139 : vector<1x128xf32> to vector<128xf32>
    %broadcast_in_dim3A_141 = vector.shape_cast %squeeze3A_140 : vector<128xf32> to vector<1x128xf32>
    %add3A_142 = vector.broadcast %broadcast_in_dim3A_141 : vector<1x128xf32> to vector<1024x128xf32>
    %add3A_143 = arith.addf %dot_general3A_136, %add3A_142 : vector<1024x128xf32>
    %max3A_144 = arith.constant 0.000000e+00 : f32
    %max3A_145 = vector.broadcast %max3A_144 : f32 to vector<1024x128xf32>
    %max3A_146 = arith.maximumf %add3A_143, %max3A_145 : vector<1024x128xf32>
    %get3A_147 = arith.constant 0 : index
    %get3A_148 = arith.constant 0 : index
    %get3A_149 = vector.load %arg9[%get3A_147, %get3A_148] : memref<128x128xf32, #tpu.memory_space<vmem>>, vector<128x128xf32>
    %dot_general3A_150 = arith.constant dense<0.000000e+00> : vector<1024x128xf32>
    %dot_general3A_151 = tpu.matmul %max3A_146, %get3A_149, %dot_general3A_150 {dimension_numbers = #tpu.dot_dimension_numbers<[1], [0], [0], [1], [0, 0, 1, 1], [], []>, transpose_lhs_hint = false} : vector<1024x128xf32>, vector<128x128xf32>, vector<1024x128xf32> -> vector<1024x128xf32>
    %get3A_152 = arith.constant 0 : index
    %get3A_153 = arith.constant 0 : index
    %get3A_154 = vector.load %arg10[%get3A_152, %get3A_153] : memref<1x128xf32, #tpu.memory_space<vmem>>, vector<1x128xf32>
    %squeeze3A_155 = vector.shape_cast %get3A_154 : vector<1x128xf32> to vector<128xf32>
    %broadcast_in_dim3A_156 = vector.shape_cast %squeeze3A_155 : vector<128xf32> to vector<1x128xf32>
    %add3A_157 = vector.broadcast %broadcast_in_dim3A_156 : vector<1x128xf32> to vector<1024x128xf32>
    %add3A_158 = arith.addf %dot_general3A_151, %add3A_157 : vector<1024x128xf32>
    %max3A_159 = arith.constant 0.000000e+00 : f32
    %max3A_160 = vector.broadcast %max3A_159 : f32 to vector<1024x128xf32>
    %max3A_161 = arith.maximumf %add3A_158, %max3A_160 : vector<1024x128xf32>
    %get3A_162 = arith.constant 0 : index
    %get3A_163 = arith.constant 0 : index
    %get3A_164 = vector.load %arg11[%get3A_162, %get3A_163] : memref<128x128xf32, #tpu.memory_space<vmem>>, vector<128x128xf32>
    %dot_general3A_165 = arith.constant dense<0.000000e+00> : vector<1024x128xf32>
    %dot_general3A_166 = tpu.matmul %max3A_161, %get3A_164, %dot_general3A_165 {dimension_numbers = #tpu.dot_dimension_numbers<[1], [0], [0], [1], [0, 0, 1, 1], [], []>, transpose_lhs_hint = false} : vector<1024x128xf32>, vector<128x128xf32>, vector<1024x128xf32> -> vector<1024x128xf32>
    %get3A_167 = arith.constant 0 : index
    %get3A_168 = arith.constant 0 : index
    %get3A_169 = vector.load %arg12[%get3A_167, %get3A_168] : memref<1x128xf32, #tpu.memory_space<vmem>>, vector<1x128xf32>
    %squeeze3A_170 = vector.shape_cast %get3A_169 : vector<1x128xf32> to vector<128xf32>
    %broadcast_in_dim3A_171 = vector.shape_cast %squeeze3A_170 : vector<128xf32> to vector<1x128xf32>
    %add3A_172 = vector.broadcast %broadcast_in_dim3A_171 : vector<1x128xf32> to vector<1024x128xf32>
    %add3A_173 = arith.addf %dot_general3A_166, %add3A_172 : vector<1024x128xf32>
    %swap3A = arith.constant 0 : index
    %swap3A_174 = arith.constant 0 : index
    %swap3A_175 = arith.constant 0 : index
    %swap3A_176 = vector.load %arg13[%swap3A, %swap3A_174, %swap3A_175] : memref<1x1024x128xf32, #tpu.memory_space<vmem>>, vector<1x1024x128xf32>
    %swap3A_177 = vector.shape_cast %swap3A_176 : vector<1x1024x128xf32> to vector<1024x128xf32>
    %swap3A_178 = vector.shape_cast %add3A_173 : vector<1024x128xf32> to vector<1x1024x128xf32>
    tpu.vector_store %arg13[%swap3A, %swap3A_174, %swap3A_175], %swap3A_178 {strides = array<i32>} : memref<1x1024x128xf32, #tpu.memory_space<vmem>>, vector<1x1024x128xf32>,
    return
  }
  func.func @transform_0(%arg0: i32, %arg1: i32) -> (i32, i32, i32) {
    %c0_i32 = arith.constant 0 : i32
    %c0_i32_0 = arith.constant 0 : i32
    return %arg0, %arg1, %c0_i32 : i32, i32, i32
  }
  func.func @transform_1(%arg0: i32, %arg1: i32) -> (i32, i32, i32) {
    %c0_i32 = arith.constant 0 : i32
    %c0_i32_0 = arith.constant 0 : i32
    %c0_i32_1 = arith.constant 0 : i32
    return %arg0, %c0_i32, %c0_i32_0 : i32, i32, i32
  }
  func.func @transform_2(%arg0: i32, %arg1: i32) -> (i32, i32, i32) {
    %c0_i32 = arith.constant 0 : i32
    %c0_i32_0 = arith.constant 0 : i32
    %c0_i32_1 = arith.constant 0 : i32
    return %arg0, %c0_i32, %c0_i32_0 : i32, i32, i32
  }
  func.func @transform_3(%arg0: i32, %arg1: i32) -> (i32, i32) {
    %c0_i32 = arith.constant 0 : i32
    %c0_i32_0 = arith.constant 0 : i32
    %c0_i32_1 = arith.constant 0 : i32
    return %c0_i32, %c0_i32_0 : i32, i32
  }
  func.func @transform_4(%arg0: i32, %arg1: i32) -> (i32, i32) {
    %c0_i32 = arith.constant 0 : i32
    %c0_i32_0 = arith.constant 0 : i32
    %c0_i32_1 = arith.constant 0 : i32
    return %c0_i32, %c0_i32_0 : i32, i32
  }
  func.func @transform_5(%arg0: i32, %arg1: i32) -> (i32, i32) {
    %c0_i32 = arith.constant 0 : i32
    %c0_i32_0 = arith.constant 0 : i32
    %c0_i32_1 = arith.constant 0 : i32
    return %c0_i32, %c0_i32_0 : i32, i32
  }
  func.func @transform_6(%arg0: i32, %arg1: i32) -> (i32, i32) {
    %c0_i32 = arith.constant 0 : i32
    %c0_i32_0 = arith.constant 0 : i32
    %c0_i32_1 = arith.constant 0 : i32
    return %c0_i32, %c0_i32_0 : i32, i32
  }
  func.func @transform_7(%arg0: i32, %arg1: i32) -> (i32, i32) {
    %c0_i32 = arith.constant 0 : i32
    %c0_i32_0 = arith.constant 0 : i32
    %c0_i32_1 = arith.constant 0 : i32
    return %c0_i32, %c0_i32_0 : i32, i32
  }
  func.func @transform_8(%arg0: i32, %arg1: i32) -> (i32, i32) {
    %c0_i32 = arith.constant 0 : i32
    %c0_i32_0 = arith.constant 0 : i32
    %c0_i32_1 = arith.constant 0 : i32
    return %c0_i32, %c0_i32_0 : i32, i32
  }
  func.func @transform_9(%arg0: i32, %arg1: i32) -> (i32, i32) {
    %c0_i32 = arith.constant 0 : i32
    %c0_i32_0 = arith.constant 0 : i32
    %c0_i32_1 = arith.constant 0 : i32
    return %c0_i32, %c0_i32_0 : i32, i32
  }
  func.func @transform_10(%arg0: i32, %arg1: i32) -> (i32, i32) {
    %c0_i32 = arith.constant 0 : i32
    %c0_i32_0 = arith.constant 0 : i32
    %c0_i32_1 = arith.constant 0 : i32
    return %c0_i32, %c0_i32_0 : i32, i32
  }
  func.func @transform_11(%arg0: i32, %arg1: i32) -> (i32, i32, i32) {
    %c0_i32 = arith.constant 0 : i32
    %c0_i32_0 = arith.constant 0 : i32
    return %arg0, %arg1, %c0_i32 : i32, i32, i32
  }
}

</mosaic_0001>

<sc_bundles>
// kernel: kernel.20.cloned.1.call-start
scs
__scs_entry_jumppad:
0x0: {  	(pc) =	sbr.rel $0x88, $3  }
0x1: {  	(tag) =	ssettag $0x0;
	lr =	simm.s32 $0x1  }
0x2: {  	[smem:$0x3F38] =	sst lr;
	_ =	strace $0xD0000000  }
0x3: {  	_ = 	snop  }
0x4: {  	_ = 	snop  }
0x5: {  	_ = 	snop  }
0x6: {  	_ = 	snop  }
0x7: {  	_ = 	snop  }
__scs_overlays_trampoline_lowered:
0x8: {  	[smem:$0x3F47] =	sst s0  }
0x9: {  	[smem:$0x3F48] =	sst s1  }
0xa: {  	[smem:$0x3F49] =	sst s2  }
0xb: {  	[smem:$0x3F4A] =	sst s3  }
0xc: {  	[smem:$0x3F4B] =	sst s4  }
0xd: {  	[smem:$0x3F4C] =	sst s5  }
0xe: {  	[smem:$0x3F4D] =	sst s6  }
0xf: {  	[smem:$0x3F4E] =	sst s7  }
0x10: {  	[smem:$0x3F4F] =	sst s8  }
0x11: {  	[smem:$0x3F50] =	sst s9;
	s0 =	simm.s32 @!p0 $0x0  }
0x12: {  	s1 =	sld [smem:$0x3F36];
	s0 =	simm.s32 @p0 $0x1  }
0x13: {  	[smem:$0x3F51] =	sst s0;
	s0 =	simm.s32 @!p1 $0x0  }
0x14: {  	s2 =	sld [smem:$0x3F35];
	s0 =	simm.s32 @p1 $0x1  }
0x15: {  	[smem:$0x3F52] =	sst s0;
	s0 =	simm.s32 @!p2 $0x0  }
0x16: {  	s3 =	sld [smem:$0x3FDB];
	s0 =	simm.s32 @p2 $0x1  }
0x17: {  	s4 =	simm.s32 $0x1BF5;
	[smem:$0x3F54] =	sst s0  }
0x18: {  	s0 =	sld [smem:$0x3F37];
	_ =	swait.ge [sflag:s4], $0x0  }
0x19: {  	s7 =	sld [smem:$0x3F38]  }
0x1a: {  	s8 =	sadd.s32 $0xFFFFE003, lr  }
0x1b: {  	s9 =	sadd.s32 $0xFFFFFEF7, lr;
	s5 =	simm.s32 $0xFFFFFFFF;
	p2 =	slt.u32 s8, $0xFFFFF086  }
0x1c: {  	p1 =	slt.u32 s9, $0xF7A;
	s5 =	simm.s32 @!p2 $0x0  }
0x1d: {  	s5 =	simm.s32 @p1 $0x1;
	p0 =	seq.s32 s7, s2  }
0x1e: {  	s7 =	smul.u32 @!p0 $0xF7A, s2;
	p2 =	seq.s32 @!p0 s5, $0x0  }
0x1f: {  	s9 =	smul.u32 $0xF7A, s1;
	s8 =	simm.s32 @!p0 $0x1BF5;
	p2 =	por !p2, p0  }
0x20: {  	[sflag:s8] =	ssyncset.s32 @!p0 $0xFFFFF086;
	s6 =	sadd.s32 @!p0 s3, s7;
	s7 =	simm.s32 @!p0 $0x108  }
0x21: {  	s3 =	sadd.s32 s3, s9;
	s6 =	sadd.s32 @!p0 $0x88, s6;
	s7 =	simm.s32 @p2 $0x1082  }
0x22: {  	[simem:s7], [sflag:s8] =	dma.local @!p0 [hbm:s6], $0xF7A  }
0x23: {  	s9 =	sor.u32 $0xD0000000, s2;
	s6 =	simm.s32 $0x108;
	_ =	swait.ge @!p0 [sflag:s8], $0x0  }
0x24: {  	s3 =	sadd.s32 $0x88, s3;
	s6 =	simm.s32 @!p1 $0x1082;
	[sflag:s4] =	ssyncset.s32 $0xFFFFF086  }
0x25: {  	[simem:s6], [sflag:s4] =	dma.local [hbm:s3], $0xF7A  }
0x26: {  	[smem:$0x3F38] =	sst s1;
	(tag) =	ssettag s2;
	_ =	strace s9  }
0x27: {  	s1 =	sld [smem:$0x3F48]  }
0x28: {  	s2 =	sld [smem:$0x3F49]  }
0x29: {  	s4 =	sld [smem:$0x3F4B]  }
0x2a: {  	p0 =	seq.s32 s5, $0x0;
	s5 =	sld [smem:$0x3F4C]  }
0x2b: {  	s6 =	sld [smem:$0x3F4D]  }
0x2c: {  	s7 =	sld [smem:$0x3F4E]  }
0x2d: {  	s3 =	simm.s32 $0x108;
	s8 =	sld [smem:$0x3F4F]  }
0x2e: {  	s3 =	simm.s32 @!p0 $0x1082;
	s9 =	sld [smem:$0x3F50]  }
0x2f: {  	lr =	sadd.s32 s0, s3;
	s0 =	sld [smem:$0x3F47]  }
0x30: {  	s3 =	sld [smem:$0x3F4A]  }
0x31: {  	[smem:$0x3F53] =	sst s10  }
0x32: {  	s10 =	sld [smem:$0x3F51];
	_ =	sdelay $0x3  }
0x33: {  	p0 =	seq.s32 s10, $0x1;
	s10 =	sld [smem:$0x3F53];
	_ =	sdelay $0x3  }
0x34: {  	[smem:$0x3F53] =	sst s10  }
0x35: {  	s10 =	sld [smem:$0x3F52];
	_ =	sdelay $0x3  }
0x36: {  	p1 =	seq.s32 s10, $0x1;
	s10 =	sld [smem:$0x3F53];
	_ =	sdelay $0x3  }
0x37: {  	[smem:$0x3F53] =	sst s10  }
0x38: {  	s10 =	sld [smem:$0x3F54]  }
0x39: {  	_ = 	snop;
	(pc) =	sbr.ind lr, $3  }
0x3a: {  	_ = 	snop  }
0x3b: {  	_ = 	snop  }
0x3c: {  	p2 =	seq.s32 s10, $0x1;
	s10 =	sld [smem:$0x3F53]  }
0x3d: {  	_ =	shalt  }
0x3e: {  	_ =	shalt  }
0x3f: {  	_ =	shalt  }
0x40: {  	_ =	shalt  }
0x41: {  	_ =	shalt  }
0x42: {  	_ =	shalt  }
0x43: {  	_ =	shalt  }
0x44: {  	_ =	shalt  }
0x45: {  	_ =	shalt  }
0x46: {  	_ =	shalt  }
0x47: {  	_ =	shalt  }
0x48: {  	_ =	shalt  }
0x49: {  	_ =	shalt  }
0x4a: {  	_ =	shalt  }
0x4b: {  	_ =	shalt  }
0x4c: {  	_ =	shalt  }
0x4d: {  	_ =	shalt  }
0x4e: {  	_ =	shalt  }
0x4f: {  	_ =	shalt  }
0x50: {  	_ =	shalt  }
0x51: {  	_ =	shalt  }
0x52: {  	_ =	shalt  }
0x53: {  	_ =	shalt  }
0x54: {  	_ =	shalt  }
0x55: {  	_ =	shalt  }
0x56: {  	_ =	shalt  }
0x57: {  	_ =	shalt  }
0x58: {  	_ =	shalt  }
0x59: {  	_ =	shalt  }
0x5a: {  	_ =	shalt  }
0x5b: {  	_ =	shalt  }
0x5c: {  	_ =	shalt  }
0x5d: {  	_ =	shalt  }
0x5e: {  	_ =	shalt  }
0x5f: {  	_ =	shalt  }
0x60: {  	_ =	shalt  }
0x61: {  	_ =	shalt  }
0x62: {  	_ =	shalt  }
0x63: {  	_ =	shalt  }
0x64: {  	_ =	shalt  }
0x65: {  	_ =	shalt  }
0x66: {  	_ =	shalt  }
0x67: {  	_ =	shalt  }
0x68: {  	_ =	shalt  }
0x69: {  	_ =	shalt  }
0x6a: {  	_ =	shalt  }
0x6b: {  	_ =	shalt  }
0x6c: {  	_ =	shalt  }
0x6d: {  	_ =	shalt  }
0x6e: {  	_ =	shalt  }
0x6f: {  	_ =	shalt  }
0x70: {  	_ =	shalt  }
0x71: {  	_ =	shalt  }
0x72: {  	_ =	shalt  }
0x73: {  	_ =	shalt  }
0x74: {  	_ =	shalt  }
0x75: {  	_ =	shalt  }
0x76: {  	_ =	shalt  }
0x77: {  	_ =	shalt  }
0x78: {  	_ =	shalt  }
0x79: {  	_ =	shalt  }
0x7a: {  	_ =	shalt  }
0x7b: {  	_ =	shalt  }
0x7c: {  	_ =	shalt  }
0x7d: {  	_ =	shalt  }
0x7e: {  	_ =	shalt  }
0x7f: {  	_ =	shalt  }
0x80: {  	_ =	shalt  }
0x81: {  	_ =	shalt  }
0x82: {  	_ =	shalt  }
0x83: {  	_ =	shalt  }
0x84: {  	_ =	shalt  }
0x85: {  	_ =	shalt  }
0x86: {  	_ =	shalt  }
0x87: {  	_ =	shalt  }
.Lfunc_end0:
.L_simem_size_0:
called_computation_lowered:
.L_overlay_start_0:
0x88: {  	s2 =	sld [smem:$0x3FD9]  }
0x89: {  	s3 =	sld [smem:$0x3FFE];
	_ =	sdelay $0x1  }
0x8a: {  	s1 =	srdreg.scid  }
0x8b: {  	s0 =	sand.u32 $0x1, s1  }
0x8c: {  	s16 =	sshll.u32 s0, $0xA;
	s2 =	sadd.s32 s3, s2  }
0x8d: {  	s2 =	sadd.s32 s2, s16  }
0x8e: {  	[smem:$0x3F5F] =	sst s2  }
0x8f: {  	_ = 	snop  }
0x90: {  	(tm) =	ssettm $0x1  }
0x91: {  	s17 =	sld [smem:$0x3FFB];
	_ =	sdelay $0x3  }
0x92: {  	_ =	strace s17  }
0x93: {  	s2 =	sld [smem:$0x3FFC];
	_ =	sdelay $0x3  }
0x94: {  	_ =	strace s2  }
0x95: {  	s2 =	sld [smem:$0x3FFD];
	_ =	sdelay $0x3  }
0x96: {  	_ =	strace s2  }
0x97: {  	_ =	strace $0x8FFFFFFF  }
0x98: {  	s18 =	sld [smem:$0x3FDB];
	_ =	sdelay $0x1  }
0x99: {  	s19 =	simm.s32 $_scs_section_size  }
0x9a: {  	s4 =	simm.s32 $_size__tile_overlayer_lowered;
	s5 =	simm.s32 $_tile_overlayer_lowered  }
0x9b: {  	s22 =	simm.s32 $0x1BFF;
	s21 =	sshll.u32 s5, $0x1;
	s2 =	sadd.s32 s19, s18  }
0x9c: {  	s6 =	simm.s32 $0x0;
	s20 =	sshll.u32 s4, $0x1;
	s4 =	sadd.s32 s21, s2  }
0x9d: {  	[timem:s6], [sflag:s22] =	dma.local [hbm:s4], s20  }
0x9e: {  	_ =	swait.ge [sflag:s22], s20  }
0x9f: {  	s3 =	ssub.s32 $0x0, s20;
	[sflag:s22] =	ssyncset.done $0x0  }
0xa0: {  	[sflag:s22] =	ssyncadd.s32 s3;
	_ =	sdelay $0x1  }
0xa1: {  	s23 =	simm.s32 $0x1B8B  }
0xa2: {  	_ =	swait.ge [sflag:s23], $0x1  }
0xa3: {  	[sflag:s23] =	ssyncset.done $0x0  }
0xa4: {  	s25 =	simm.s32 $0x1B8E;
	s24 =	sld [smem:$0x3FFE];
	[sflag:s23] =	ssyncadd.s32 $0xFFFFFFFF  }
0xa5: {  	s26 =	simm.s32 $execute0_lowered;
	[smem:$0x3FD2] =	sst s25  }
0xa6: {  	s4 =	sshll.u32 s26, $0x1;
	_ =	strace $0x80000046;
	[dreg:$0x1] =	wrdreg $0xFFFFFFFF  }
0xa7: {  	s28 =	simm.s32 $_size_execute0_lowered;
	s2 =	sadd.s32 s2, s4;
	[dreg:$0x0] =	wrdreg $0x0  }
0xa8: {  	s4 =	sshll.u32 s28, $0x1;
	[dreg:$0x2] =	wrdreg s2  }
0xa9: {  	[dreg:$0x3] =	wrdreg s4  }
0xaa: {  	[dreg:$0x4] =	wrdreg $0xC0  }
0xab: {  	_ =	task [dreg:s6], $0x5FFFF  }
0xac: {  	[dreg:$0x1] =	wrdreg $0xFFFFFFFF  }
0xad: {  	[dreg:$0x0] =	wrdreg $0x60  }
0xae: {  	[dreg:$0x2] =	wrdreg s24  }
0xaf: {  	[dreg:$0x3] =	wrdreg $0xA  }
0xb0: {  	_ =	task.clear_ibuf [dreg:s6], $0x4FFFF;
	_ =	strace $0x90000046  }
0xb1: {  	s29 =	simm.s32 $0xA;
	_ =	strace $0x80000048  }
0xb2: {  	_ =	swait.ge [sflag:s29], $0x1  }
0xb3: {  	[sflag:s29] =	ssyncadd.s32 $0xFFFFFFFF  }
0xb4: {  	_ =	strace $0x90000048  }
0xb5: {  	_ =	sfence  }
0xb6: {  	s30 =	sld [smem:$0x0];
	_ =	sdelay $0x2  }
0xb7: {  	s31 =	sshll.u32 s1, $0xD;
	s1 =	sshrl.u32 s1, $0x2  }
0xb8: {  	s3 =	sand.u32 $0x4000, s31;
	s1 =	sadd.s32 s1, s30  }
0xb9: {  	s0 =	sor.u32 s3, s0;
	s1 =	sshll.u32 s1, $0x11  }
0xba: {  	s0 =	sor.u32 s1, s0  }
0xbb: {  	s0 =	sadd.s32 $0x8F2B, s0  }
0xbc: {  	[sflag:s0] =	ssyncadd.remote.s32 $0x1  }
0xbd: {  	_ =	sfence.sel $0xFFFF  }
0xbe: {  	[dreg:$0x0] =	wrdreg $0xFFFFFFFF;
	(pc) =	sbr.abs _section_cstart, $3  }
0xbf: {  	[dreg:$0x1] =	wrdreg $0xFFFFFFFF  }
0xc0: {  	_ =	task.clear_ibuf [dreg:s6], $0x2FFFF;
	_ =	strace $0x9FFFFFFF  }
0xc1: {  	(tm) =	ssettm $0x7FFFFFFF  }
tec
execute0_lowered:
.L_overlay_start_1:
0x0: {  	(tag) =	ssettag $0x1  }
0x1: {  	s3 =	rddreg [dreg:$0x0]  }
0x2: {  	s0 =	rddreg [dreg:$0x1]  }
0x3: {  	s1 =	simm.s32 $0x0;
	s4 =	srdreg.scid;
	s12 =	simm.s32 $0x2800  }
0x4: {  	s13 =	simm.s32 $0x3000;
	s14 =	simm.s32 $0x0;
	[smem:$0x7FF] =	sst s1  }
0x5: {  	s2 =	sadd.s32 $0xA5C00, s3;
	s7 =	sand.u32 $0x1, s4;
	s4 =	sadd.s32 $0xE5C00, s3  }
0x6: {  	s5 =	sadd.s32 $0xF5C00, s3;
	s6 =	sadd.s32 $0x105C00, s3;
	s3 =	stileid.u32  }
0x7: {  	_ =	strace $0x80000047;
	s8 =	ssub.s32 $0x2, s7;
	s10 =	sshll.u32 s3, $0x4  }
0x8: {  	s7 =	sshll.u32 s7, $0x3;
	s11 =	sshll.u32 s3, $0xB;
	s9 =	sshrl.u32 s8, $0x1  }
0x9: {  	v1 =	vlaneseq.u32;
	s7 =	sor.u32 s7, s10;
	s10 =	simm.s32 $0x1;
	s9 =	ssub.s32 s8, s9  }
0xa: {  	v2 =	vimm.s32 $0x0;
	v0 =	vmul.u32 $0x200, v1;
	v1 =	vmul.u32 $0x80, v1;
	s8 =	sand.u32 $0x7000, s11;
	s11 =	simm.s32 $0x2000;
	s9 =	smax.u32 s9, $0x1  }
.LBB2_1:
0xb: {  	s15 =	simm.s32 $0x0  }
.LBB2_2:
0xc: {  	s16 =	sadd.s32 s7, s15  }
0xd: {  	s17 =	sshll.u32 s16, $0xA  }
0xe: {  	s18 =	sadd.s32 s2, s17;
	s17 =	simm.s32 $0x0  }
0xf: {  	[tilespmem:s17], [sflag:$0x1] =	stream.linear.gather [hbm4b:s18+s17], $0x2000, $0x38;
	[tilespmem:$0x3800] =	vst v63  }
0x10: {  	_ =	swait.ge [sflag:s10], $0x2000  }
0x11: {  	[sflag:s10] =	ssyncset.done $0x0  }
0x12: {  	v3 =	vimm.s32 $0x0;
	v6 =	vimm.s32 $0x0;
	v5 =	vimm.s32 $0x0;
	s19 =	simm.s32 $0x0;
	s18 =	smov.u32 s8;
	[sflag:s10] =	ssyncadd.s32 $0xFFFFE000  }
.LBB2_3:
0x13: {  	v4 =	vor.u32 s17, v0;
	_ =	sdelay $0x4  }
0x14: {  	v7 =	vld.idx.msk [tilespmem:v4+s1+$0x0], $0xffff;
	_ =	sdelay $0x1  }
0x15: {  	s20 =	smul.u32 $0x3, s19  }
0x16: {  	vm0 =	vlt.s32 v6, $0x40;
	vm1 =	vlt.s32 v5, $0x20  }
0x17: {  	vm2 =	vlt.s32 v3, $0x80;
	vm3 =	vlt.s32 v5, $0x1F;
	v4 =	vmov s20  }
0x18: {  	vm4 =	vlt.s32 v3, $0x7F;
	v9 =	vnsel vm3, $0x1F, v5;
	v7 =	vshra.s32 v7, v4  }
0x19: {  	v10 =	vnsel vm4, $0x7F, v3;
	v11 =	vadd.s32 v1, v9;
	v8 =	vand.u32 $0x1, v7  }
0x1a: {  	vm3 =	veq.s32 v8, $0x1;
	v8 =	vand.u32 $0x2, v7;
	v7 =	vand.u32 $0x4, v7  }
0x1b: {  	vm3 =	vmand vm1, vm3;
	vm1 =	vlt.s32 v6, $0x3F;
	vm15 =	vne.s32 v8, $0x0  }
0x1c: {  	v8 =	vnsel vm1, $0x3F, v6;
	vm0 =	vmand vm0, vm15;
	vm1 =	vne.s32 v7, $0x0  }
0x1d: {  	v9 =	vsel vm3, $0x1, v2;
	v7 =	vadd.s32 v1, v8;
	vm1 =	vmand vm2, vm1  }
0x1e: {  	s20 =	simm.s32 $0x1;
	v5 =	vadd.s32 v9, v5;
	v9 =	vsel vm0, $0x1, v2;
	v8 =	vadd.s32 v1, v10  }
0x1f: {  	s21 =	sadd.s32 $0x0, s18;
	v6 =	vadd.s32 v9, v6;
	v9 =	vor.u32 s20, v0  }
0x20: {  	v10 =	vmov s21;
	v12 =	vsel vm1, $0x1, v2  }
0x21: {  	s21 =	simm.s32 $0x2;
	v3 =	vadd.s32 v12, v3;
	[tilespmem:v11+s11+$0x0] =	vst.idx.msk vm3, v10  }
.LBB2_4:
0x22: {  	p0 =	sne.s32 s21, $0x1FF;
	[tilespmem:v7+s12+$0x0] =	vst.idx.msk vm0, v10  }
0x23: {  	[tilespmem:v8+s13+$0x0] =	vst.idx.msk vm1, v10  }
0x24: {  	v7 =	vld.idx.msk [tilespmem:v9+s1+$0x0], $0xffff;
	_ =	sdelay $0x3  }
0x25: {  	vm0 =	vlt.s32 v6, $0x40  }
0x26: {  	vm2 =	vlt.s32 v3, $0x80;
	vm3 =	vlt.s32 v3, $0x7F;
	vm1 =	vlt.s32 v5, $0x20  }
0x27: {  	vm4 =	vlt.s32 v6, $0x3F;
	v8 =	vnsel vm3, $0x7F, v3;
	v7 =	vshra.s32 v7, v4  }
0x28: {  	vm3 =	vlt.s32 v5, $0x1F;
	v10 =	vnsel vm4, $0x3F, v6;
	v9 =	vand.u32 $0x1, v7  }
0x29: {  	v11 =	vand.u32 $0x2, v7;
	vm4 =	veq.s32 v9, $0x1;
	v9 =	vnsel vm3, $0x1F, v5  }
0x2a: {  	v7 =	vand.u32 $0x4, v7;
	vm3 =	vmand vm1, vm4;
	vm1 =	vne.s32 v11, $0x0  }
0x2b: {  	v11 =	vadd.s32 v1, v9;
	vm0 =	vmand vm0, vm1;
	vm1 =	vne.s32 v7, $0x0  }
.Ltmp0:
0x2c: {  	v9 =	vsel vm3, $0x1, v2;
	v7 =	vadd.s32 v1, v10;
	vm1 =	vmand vm2, vm1;
	(pc) =	sbr.rel @p0 .LBB2_4-.Ltmp0, $4  }
0x2d: {  	v8 =	vadd.s32 v1, v8;
	v5 =	vadd.s32 v9, v5;
	v10 =	vsel vm0, $0x1, v2  }
0x2e: {  	s22 =	sadd.s32 s20, s18;
	s20 =	smov.u32 s21;
	v9 =	vor.u32 s21, v0;
	v6 =	vadd.s32 v10, v6;
	v12 =	vsel vm1, $0x1, v2  }
0x2f: {  	v10 =	vmov s22;
	v3 =	vadd.s32 v12, v3  }
0x30: {  	s21 =	sadd.s32 $0x1, s21;
	[tilespmem:v11+s11+$0x0] =	vst.idx.msk vm3, v10  }
0x31: {  	_ =	sdelay $0x4  }
0x32: {  	[tilespmem:v7+s12+$0x0] =	vst.idx.msk vm0, v10  }
0x33: {  	[tilespmem:v8+s13+$0x0] =	vst.idx.msk vm1, v10  }
0x34: {  	v7 =	vld.idx.msk [tilespmem:v9+s1+$0x0], $0xffff;
	_ =	sdelay $0x3  }
0x35: {  	vm10 =	vlt.s32 v6, $0x40;
	vm11 =	vlt.s32 v5, $0x20;
	vm2 =	vlt.s32 v3, $0x80  }
0x36: {  	vm3 =	vlt.s32 v3, $0x7F;
	vm4 =	vlt.s32 v6, $0x3F;
	v4 =	vshra.s32 v7, v4  }
0x37: {  	vm12 =	vlt.s32 v5, $0x1F;
	v8 =	vnsel vm4, $0x3F, v6;
	v7 =	vand.u32 $0x1, v4  }
0x38: {  	v60 =	vnsel vm12, $0x1F, v5;
	vm13 =	veq.s32 v7, $0x1;
	v7 =	vand.u32 $0x2, v4  }
0x39: {  	v4 =	vand.u32 $0x4, v4;
	vm1 =	vmand vm11, vm13;
	vm14 =	vne.s32 v7, $0x0  }
0x3a: {  	v7 =	vadd.s32 v1, v60;
	vm15 =	vne.s32 v4, $0x0;
	vm0 =	vmand vm10, vm14  }
0x3b: {  	s19 =	sadd.s32 $0x1, s19;
	v8 =	vadd.s32 v1, v8;
	v4 =	vnsel vm3, $0x7F, v3;
	vm2 =	vmand vm2, vm15  }
0x3c: {  	p0 =	sne.s32 s19, $0x8;
	v4 =	vadd.s32 v1, v4  }
.Ltmp1:
0x3d: {  	s20 =	sadd.s32 s20, s18;
	(pc) =	sbr.rel @p0 .LBB2_3-.Ltmp1, $4  }
0x3e: {  	v61 =	vmov s20  }
0x3f: {  	v62 =	vsel vm1, $0x1, v2;
	[tilespmem:v7+s11+$0x0] =	vst.idx.msk vm1, v61  }
0x40: {  	v5 =	vadd.s32 v62, v5;
	v63 =	vsel vm2, $0x1, v2;
	v7 =	vsel vm0, $0x1, v2;
	[tilespmem:v8+s12+$0x0] =	vst.idx.msk vm0, v61  }
0x41: {  	s18 =	sadd.s32 $0x200, s18;
	v3 =	vadd.s32 v63, v3;
	v6 =	vadd.s32 v7, v6;
	[tilespmem:v4+s13+$0x0] =	vst.idx.msk vm2, v61  }
0x42: {  	_ =	sdelay $0x1  }
0x43: {  	s18 =	simm.s32 $0x1  }
0x44: {  	vm0 =	vle.s32 v5, s18  }
0x45: {  	v4 =	vld.idx.msk [tilespmem:v1+s11+$0x0], $0xffff;
	s17 =	simm.s32 $0x2;
	v7 =	vor.u32 s18, v1  }
.LBB2_7:
0x46: {  	p0 =	sne.s32 s17, $0x1F  }
.Ltmp2:
0x47: {  	_ = 	snop;
	(pc) =	sbr.rel @p0 .LBB2_7-.Ltmp2, $3  }
0x48: {  	_ =	sdelay $0x1  }
0x49: {  	[tilespmem:v7+s11+$0x0] =	vst.idx.msk vm0, v4;
	vm0 =	vle.s32 v5, s17;
	s18 =	smov.u32 s17;
	s17 =	sadd.s32 $0x1, s17  }
0x4a: {  	v7 =	vor.u32 s18, v1  }
0x4b: {  	_ =	sdelay $0x3  }
0x4c: {  	s16 =	sshll.u32 s16, $0x8  }
0x4d: {  	[tilespmem:v7+s11+$0x0] =	vst.idx.msk vm0, v4;
	s18 =	simm.s32 $0x1;
	s17 =	sadd.s32 s4, s16  }
0x4e: {  	[hbm4b:s17+s1] =	stream.linear.scatter [tilespmem:s11], [sflag:$0x1], $0x800, $0x38;
	[tilespmem:$0x3800] =	vst v63  }
0x4f: {  	_ =	swait.ge [sflag:s18], $0x800  }
0x50: {  	[sflag:s18] =	ssyncset.done $0x0  }
0x51: {  	vm0 =	vle.s32 v6, s18;
	[sflag:s18] =	ssyncadd.s32 $0xFFFFF800  }
0x52: {  	v5 =	vor.u32 s18, v1;
	s17 =	simm.s32 $0x2;
	v4 =	vld.idx.msk [tilespmem:v1+s12+$0x0], $0xffff  }
.LBB2_9:
0x53: {  	p0 =	sne.s32 s17, $0x3F  }
.Ltmp3:
0x54: {  	_ = 	snop;
	(pc) =	sbr.rel @p0 .LBB2_9-.Ltmp3, $3  }
0x55: {  	_ =	sdelay $0x1  }
0x56: {  	[tilespmem:v5+s12+$0x0] =	vst.idx.msk vm0, v4;
	vm0 =	vle.s32 v6, s17;
	s18 =	smov.u32 s17;
	s17 =	sadd.s32 $0x1, s17  }
0x57: {  	v5 =	vor.u32 s18, v1  }
0x58: {  	_ =	sdelay $0x4  }
0x59: {  	[tilespmem:v5+s12+$0x0] =	vst.idx.msk vm0, v4;
	s17 =	sadd.s32 s5, s16;
	s18 =	simm.s32 $0x1  }
0x5a: {  	[hbm4b:s17+s1] =	stream.linear.scatter [tilespmem:s12], [sflag:$0x1], $0x800, $0x38;
	[tilespmem:$0x3800] =	vst v63  }
0x5b: {  	_ =	swait.ge [sflag:s18], $0x800  }
0x5c: {  	[sflag:s18] =	ssyncset.done $0x0  }
0x5d: {  	vm0 =	vle.s32 v3, s18;
	[sflag:s18] =	ssyncadd.s32 $0xFFFFF800  }
0x5e: {  	s17 =	simm.s32 $0x2;
	v5 =	vor.u32 s18, v1;
	v4 =	vld.idx.msk [tilespmem:v1+s13+$0x0], $0xffff  }
.LBB2_11:
0x5f: {  	p0 =	sne.s32 s17, $0x7F  }
.Ltmp4:
0x60: {  	_ = 	snop;
	(pc) =	sbr.rel @p0 .LBB2_11-.Ltmp4, $3  }
0x61: {  	_ =	sdelay $0x1  }
0x62: {  	[tilespmem:v5+s13+$0x0] =	vst.idx.msk vm0, v4;
	vm0 =	vle.s32 v3, s17;
	s18 =	smov.u32 s17;
	s17 =	sadd.s32 $0x1, s17  }
0x63: {  	v5 =	vor.u32 s18, v1  }
0x64: {  	_ =	sdelay $0x2  }
0x65: {  	s15 =	sadd.s32 $0x1, s15  }
0x66: {  	p0 =	sne.s32 s15, $0x8  }
.Ltmp5:
0x67: {  	[tilespmem:v5+s13+$0x0] =	vst.idx.msk vm0, v4;
	s16 =	sadd.s32 s6, s16;
	(pc) =	sbr.rel @p0 .LBB2_2-.Ltmp5, $4  }
0x68: {  	[hbm4b:s16+s1] =	stream.linear.scatter [tilespmem:s13], [sflag:$0x1], $0x800, $0x38;
	[tilespmem:$0x3800] =	vst v63  }
0x69: {  	_ =	swait.ge [sflag:s10], $0x800  }
0x6a: {  	[sflag:s10] =	ssyncset.done $0x0  }
0x6b: {  	[sflag:s10] =	ssyncadd.s32 $0xFFFFF800  }
0x6c: {  	s14 =	sadd.s32 $0x1, s14  }
0x6d: {  	p0 =	sne.s32 s14, s9  }
.Ltmp6:
0x6e: {  	_ = 	snop;
	(pc) =	sbr.rel @p0 .LBB2_1-.Ltmp6, $1  }
0x6f: {  	_ =	sdelay $0x3  }
0x70: {  	_ =	sfence.sel $0x180000  }
0x71: {  	[bflag:$0x0] =	sbarrier.arrive $0xFFFF  }
0x72: {  	p0 =	sne.s32 s3, $0x0;
	_ =	strace $0x90000047  }
0x73: {  	s0 =	sadd.s32 @!p0 $0x100000, s0;
	[bflag:$0x2] =	sbarrier.arrive $0xFFFF  }
0x74: {  	[sflag:s0] =	ssyncadd.tile.s32 @!p0 $0x1;
	_ =	shalt  }
.Lfunc_end2:
_tile_overlayer_lowered:
.L_overlay_start_2:
0x75: {  	(tag) =	ssettag $0x2  }
0x76: {  	s0 =	rddreg [dreg:$0x0];
	s2 =	stileid.u32  }
0x77: {  	s1 =	rddreg [dreg:$0x1];
	p0 =	sne.s32 s2, $0x0  }
0x78: {  	s3 =	rddreg [dreg:$0x2];
	[bflag:$0x3] =	sbarrier.arrive $0xFFFF;
	s2 =	simm.s32 @!p0 $0x1C01  }
0x79: {  	[timem:s3], [sflag:s2] =	dma.local @!p0 [hbm:s0], s1  }
0x7a: {  	s0 =	simm.s32 @!p0 $0x1  }
0x7b: {  	_ =	swait.ge @!p0 [sflag:s0], s1  }
0x7c: {  	s1 =	ssub.s32 @!p0 $0x0, s1;
	[sflag:s0] =	ssyncset.done @!p0 $0x0  }
0x7d: {  	[sflag:s0] =	ssyncadd.s32 @!p0 s1  }
0x7e: {  	[bflag:$0x3] =	sbarrier.arrive $0xFFFF  }
0x7f: {  	_ =	shalt  }

// kernel: kernel.23.cloned.1.call-start
scs
__scs_entry_jumppad:
0x0: {  	(pc) =	sbr.rel $0x88, $3  }
0x1: {  	(tag) =	ssettag $0x0;
	lr =	simm.s32 $0x1  }
0x2: {  	[smem:$0x3F38] =	sst lr;
	_ =	strace $0xD0000000  }
0x3: {  	_ = 	snop  }
0x4: {  	_ = 	snop  }
0x5: {  	_ = 	snop  }
0x6: {  	_ = 	snop  }
0x7: {  	_ = 	snop  }
__scs_overlays_trampoline_lowered:
0x8: {  	[smem:$0x3F47] =	sst s0  }
0x9: {  	[smem:$0x3F48] =	sst s1  }
0xa: {  	[smem:$0x3F49] =	sst s2  }
0xb: {  	[smem:$0x3F4A] =	sst s3  }
0xc: {  	[smem:$0x3F4B] =	sst s4  }
0xd: {  	[smem:$0x3F4C] =	sst s5  }
0xe: {  	[smem:$0x3F4D] =	sst s6  }
0xf: {  	[smem:$0x3F4E] =	sst s7  }
0x10: {  	[smem:$0x3F4F] =	sst s8  }
0x11: {  	[smem:$0x3F50] =	sst s9;
	s0 =	simm.s32 @!p0 $0x0  }
0x12: {  	s1 =	sld [smem:$0x3F36];
	s0 =	simm.s32 @p0 $0x1  }
0x13: {  	[smem:$0x3F51] =	sst s0;
	s0 =	simm.s32 @!p1 $0x0  }
0x14: {  	s2 =	sld [smem:$0x3F35];
	s0 =	simm.s32 @p1 $0x1  }
0x15: {  	[smem:$0x3F52] =	sst s0;
	s0 =	simm.s32 @!p2 $0x0  }
0x16: {  	s3 =	sld [smem:$0x3FDB];
	s0 =	simm.s32 @p2 $0x1  }
0x17: {  	s4 =	simm.s32 $0x1BF5;
	[smem:$0x3F54] =	sst s0  }
0x18: {  	s0 =	sld [smem:$0x3F37];
	_ =	swait.ge [sflag:s4], $0x0  }
0x19: {  	s7 =	sld [smem:$0x3F38]  }
0x1a: {  	s8 =	sadd.s32 $0xFFFFE003, lr  }
0x1b: {  	s9 =	sadd.s32 $0xFFFFFEF7, lr;
	s5 =	simm.s32 $0xFFFFFFFF;
	p2 =	slt.u32 s8, $0xFFFFF086  }
0x1c: {  	p1 =	slt.u32 s9, $0xF7A;
	s5 =	simm.s32 @!p2 $0x0  }
0x1d: {  	s5 =	simm.s32 @p1 $0x1;
	p0 =	seq.s32 s7, s2  }
0x1e: {  	s7 =	smul.u32 @!p0 $0xF7A, s2;
	p2 =	seq.s32 @!p0 s5, $0x0  }
0x1f: {  	s9 =	smul.u32 $0xF7A, s1;
	s8 =	simm.s32 @!p0 $0x1BF5;
	p2 =	por !p2, p0  }
0x20: {  	[sflag:s8] =	ssyncset.s32 @!p0 $0xFFFFF086;
	s6 =	sadd.s32 @!p0 s3, s7;
	s7 =	simm.s32 @!p0 $0x108  }
0x21: {  	s3 =	sadd.s32 s3, s9;
	s6 =	sadd.s32 @!p0 $0x88, s6;
	s7 =	simm.s32 @p2 $0x1082  }
0x22: {  	[simem:s7], [sflag:s8] =	dma.local @!p0 [hbm:s6], $0xF7A  }
0x23: {  	s9 =	sor.u32 $0xD0000000, s2;
	s6 =	simm.s32 $0x108;
	_ =	swait.ge @!p0 [sflag:s8], $0x0  }
0x24: {  	s3 =	sadd.s32 $0x88, s3;
	s6 =	simm.s32 @!p1 $0x1082;
	[sflag:s4] =	ssyncset.s32 $0xFFFFF086  }
0x25: {  	[simem:s6], [sflag:s4] =	dma.local [hbm:s3], $0xF7A  }
0x26: {  	[smem:$0x3F38] =	sst s1;
	(tag) =	ssettag s2;
	_ =	strace s9  }
0x27: {  	s1 =	sld [smem:$0x3F48]  }
0x28: {  	s2 =	sld [smem:$0x3F49]  }
0x29: {  	s4 =	sld [smem:$0x3F4B]  }
0x2a: {  	p0 =	seq.s32 s5, $0x0;
	s5 =	sld [smem:$0x3F4C]  }
0x2b: {  	s6 =	sld [smem:$0x3F4D]  }
0x2c: {  	s7 =	sld [smem:$0x3F4E]  }
0x2d: {  	s3 =	simm.s32 $0x108;
	s8 =	sld [smem:$0x3F4F]  }
0x2e: {  	s3 =	simm.s32 @!p0 $0x1082;
	s9 =	sld [smem:$0x3F50]  }
0x2f: {  	lr =	sadd.s32 s0, s3;
	s0 =	sld [smem:$0x3F47]  }
0x30: {  	s3 =	sld [smem:$0x3F4A]  }
0x31: {  	[smem:$0x3F53] =	sst s10  }
0x32: {  	s10 =	sld [smem:$0x3F51];
	_ =	sdelay $0x3  }
0x33: {  	p0 =	seq.s32 s10, $0x1;
	s10 =	sld [smem:$0x3F53];
	_ =	sdelay $0x3  }
0x34: {  	[smem:$0x3F53] =	sst s10  }
0x35: {  	s10 =	sld [smem:$0x3F52];
	_ =	sdelay $0x3  }
0x36: {  	p1 =	seq.s32 s10, $0x1;
	s10 =	sld [smem:$0x3F53];
	_ =	sdelay $0x3  }
0x37: {  	[smem:$0x3F53] =	sst s10  }
0x38: {  	s10 =	sld [smem:$0x3F54]  }
0x39: {  	_ = 	snop;
	(pc) =	sbr.ind lr, $3  }
0x3a: {  	_ = 	snop  }
0x3b: {  	_ = 	snop  }
0x3c: {  	p2 =	seq.s32 s10, $0x1;
	s10 =	sld [smem:$0x3F53]  }
0x3d: {  	_ =	shalt  }
0x3e: {  	_ =	shalt  }
0x3f: {  	_ =	shalt  }
0x40: {  	_ =	shalt  }
0x41: {  	_ =	shalt  }
0x42: {  	_ =	shalt  }
0x43: {  	_ =	shalt  }
0x44: {  	_ =	shalt  }
0x45: {  	_ =	shalt  }
0x46: {  	_ =	shalt  }
0x47: {  	_ =	shalt  }
0x48: {  	_ =	shalt  }
0x49: {  	_ =	shalt  }
0x4a: {  	_ =	shalt  }
0x4b: {  	_ =	shalt  }
0x4c: {  	_ =	shalt  }
0x4d: {  	_ =	shalt  }
0x4e: {  	_ =	shalt  }
0x4f: {  	_ =	shalt  }
0x50: {  	_ =	shalt  }
0x51: {  	_ =	shalt  }
0x52: {  	_ =	shalt  }
0x53: {  	_ =	shalt  }
0x54: {  	_ =	shalt  }
0x55: {  	_ =	shalt  }
0x56: {  	_ =	shalt  }
0x57: {  	_ =	shalt  }
0x58: {  	_ =	shalt  }
0x59: {  	_ =	shalt  }
0x5a: {  	_ =	shalt  }
0x5b: {  	_ =	shalt  }
0x5c: {  	_ =	shalt  }
0x5d: {  	_ =	shalt  }
0x5e: {  	_ =	shalt  }
0x5f: {  	_ =	shalt  }
0x60: {  	_ =	shalt  }
0x61: {  	_ =	shalt  }
0x62: {  	_ =	shalt  }
0x63: {  	_ =	shalt  }
0x64: {  	_ =	shalt  }
0x65: {  	_ =	shalt  }
0x66: {  	_ =	shalt  }
0x67: {  	_ =	shalt  }
0x68: {  	_ =	shalt  }
0x69: {  	_ =	shalt  }
0x6a: {  	_ =	shalt  }
0x6b: {  	_ =	shalt  }
0x6c: {  	_ =	shalt  }
0x6d: {  	_ =	shalt  }
0x6e: {  	_ =	shalt  }
0x6f: {  	_ =	shalt  }
0x70: {  	_ =	shalt  }
0x71: {  	_ =	shalt  }
0x72: {  	_ =	shalt  }
0x73: {  	_ =	shalt  }
0x74: {  	_ =	shalt  }
0x75: {  	_ =	shalt  }
0x76: {  	_ =	shalt  }
0x77: {  	_ =	shalt  }
0x78: {  	_ =	shalt  }
0x79: {  	_ =	shalt  }
0x7a: {  	_ =	shalt  }
0x7b: {  	_ =	shalt  }
0x7c: {  	_ =	shalt  }
0x7d: {  	_ =	shalt  }
0x7e: {  	_ =	shalt  }
0x7f: {  	_ =	shalt  }
0x80: {  	_ =	shalt  }
0x81: {  	_ =	shalt  }
0x82: {  	_ =	shalt  }
0x83: {  	_ =	shalt  }
0x84: {  	_ =	shalt  }
0x85: {  	_ =	shalt  }
0x86: {  	_ =	shalt  }
0x87: {  	_ =	shalt  }
.Lfunc_end0:
.L_simem_size_0:
called_computation.1_lowered:
.L_overlay_start_0:
0x88: {  	s2 =	sld [smem:$0x3FD9]  }
0x89: {  	s3 =	sld [smem:$0x3FFE];
	_ =	sdelay $0x1  }
0x8a: {  	s1 =	srdreg.scid  }
0x8b: {  	s0 =	sand.u32 $0x1, s1  }
0x8c: {  	s17 =	sshll.u32 s0, $0xA;
	s2 =	sadd.s32 s3, s2  }
0x8d: {  	s2 =	sadd.s32 s2, s17  }
0x8e: {  	[smem:$0x3F5F] =	sst s2  }
0x8f: {  	_ = 	snop  }
0x90: {  	(tm) =	ssettm $0x1  }
0x91: {  	s18 =	sld [smem:$0x3FFB];
	_ =	sdelay $0x3  }
0x92: {  	_ =	strace s18  }
0x93: {  	s2 =	sld [smem:$0x3FFC];
	_ =	sdelay $0x3  }
0x94: {  	_ =	strace s2  }
0x95: {  	s2 =	sld [smem:$0x3FFD];
	_ =	sdelay $0x3  }
0x96: {  	_ =	strace s2  }
0x97: {  	_ =	strace $0x8FFFFFFF  }
0x98: {  	s19 =	sld [smem:$0x3FDB];
	_ =	sdelay $0x1  }
0x99: {  	s20 =	simm.s32 $_scs_section_size  }
0x9a: {  	s4 =	simm.s32 $_size__tile_overlayer_lowered;
	s5 =	simm.s32 $_tile_overlayer_lowered  }
0x9b: {  	s6 =	simm.s32 $0x1BFF;
	s21 =	sshll.u32 s5, $0x1;
	s3 =	sadd.s32 s20, s19  }
0x9c: {  	s22 =	simm.s32 $0x0;
	s4 =	sshll.u32 s4, $0x1;
	s5 =	sadd.s32 s21, s3  }
0x9d: {  	[timem:s22], [sflag:s6] =	dma.local [hbm:s5], s4  }
0x9e: {  	_ =	swait.ge [sflag:s6], s4  }
0x9f: {  	s4 =	ssub.s32 $0x0, s4;
	[sflag:s6] =	ssyncset.done $0x0  }
0xa0: {  	[sflag:s6] =	ssyncadd.s32 s4;
	_ =	sdelay $0x1  }
0xa1: {  	s23 =	simm.s32 $0x1B8B  }
0xa2: {  	_ =	swait.ge [sflag:s23], $0x1  }
0xa3: {  	[sflag:s23] =	ssyncset.done $0x0  }
0xa4: {  	[sflag:s23] =	ssyncadd.s32 $0xFFFFFFFF  }
0xa5: {  	s4 =	sld [smem:$0x0]  }
0xa6: {  	s5 =	sand.u32 $0xFFFFFFFE, s1  }
0xa7: {  	p0 =	sne.s32 s1, s5  }
0xa8: {  	s5 =	sshll.u32 @p0 s5, $0xE  }
0xa9: {  	s5 =	sadd.s32 @p0 $0x11B8D, s5;
	s6 =	sshll.u32 @p0 s4, $0x11  }
0xaa: {  	s5 =	sor.u32 @p0 s6, s5  }
0xab: {  	[sflag:s5] =	ssyncadd.remote.s32 @p0 $0x1;
	_ =	sdelay $0x1  }
0xac: {  	s5 =	simm.s32 @p0 $0x1B8D  }
0xad: {  	_ =	swait.eq @p0 [sflag:s5], $0x1  }
0xae: {  	[sflag:s5] =	ssyncadd.s32 @p0 $0xFFFFFFFF  }
0xaf: {  	s6 =	sshll.u32 @!p0 s1, $0xE  }
0xb0: {  	s6 =	sor.u32 @!p0 $0x4000, s6;
	s5 =	simm.s32 @!p0 $0x1B8D  }
0xb1: {  	s4 =	sshll.u32 @!p0 s4, $0x11;
	s6 =	sadd.s32 @!p0 $0x11B8D, s6;
	_ =	swait.eq @!p0 [sflag:s5], $0x1  }
0xb2: {  	s4 =	sor.u32 @!p0 s4, s6;
	[sflag:s5] =	ssyncadd.s32 @!p0 $0xFFFFFFFF  }
0xb3: {  	s25 =	simm.s32 $0x1B8E;
	s24 =	sld [smem:$0x3FFE];
	[sflag:s4] =	ssyncadd.remote.s32 @!p0 $0x1  }
0xb4: {  	s26 =	simm.s32 $execute0_lowered;
	[smem:$0x3FD2] =	sst s25  }
0xb5: {  	s5 =	sshll.u32 s26, $0x1;
	_ =	strace $0x8000004C;
	[dreg:$0x1] =	wrdreg $0xFFFFFFFF  }
0xb6: {  	s28 =	simm.s32 $_size_execute0_lowered;
	s3 =	sadd.s32 s3, s5;
	[dreg:$0x0] =	wrdreg $0x0  }
0xb7: {  	s5 =	sshll.u32 s28, $0x1;
	[dreg:$0x2] =	wrdreg s3  }
0xb8: {  	[dreg:$0x3] =	wrdreg s5  }
0xb9: {  	[dreg:$0x4] =	wrdreg $0xC0  }
0xba: {  	_ =	task [dreg:s22], $0x5FFFF  }
0xbb: {  	[dreg:$0x1] =	wrdreg $0xFFFFFFFF  }
0xbc: {  	[dreg:$0x0] =	wrdreg $0x60  }
0xbd: {  	[dreg:$0x2] =	wrdreg s24  }
0xbe: {  	[dreg:$0x3] =	wrdreg $0xA  }
0xbf: {  	_ =	task.clear_ibuf [dreg:s22], $0x4FFFF;
	_ =	strace $0x9000004C  }
0xc0: {  	s29 =	simm.s32 $0xA;
	_ =	strace $0x8000004E  }
0xc1: {  	_ =	swait.ge [sflag:s29], $0x1  }
0xc2: {  	[sflag:s29] =	ssyncadd.s32 $0xFFFFFFFF  }
0xc3: {  	_ =	strace $0x9000004E  }
0xc4: {  	_ =	sfence  }
0xc5: {  	s30 =	sld [smem:$0x0];
	_ =	sdelay $0x2  }
0xc6: {  	s31 =	sshll.u32 s1, $0xD;
	s1 =	sshrl.u32 s1, $0x2  }
0xc7: {  	s4 =	sand.u32 $0x4000, s31;
	s1 =	sadd.s32 s1, s30  }
0xc8: {  	s0 =	sor.u32 s4, s0;
	s1 =	sshll.u32 s1, $0x11  }
0xc9: {  	s0 =	sor.u32 s1, s0  }
0xca: {  	s0 =	sadd.s32 $0x8F2B, s0  }
0xcb: {  	[sflag:s0] =	ssyncadd.remote.s32 $0x1  }
0xcc: {  	_ =	sfence.sel $0xFFFF  }
0xcd: {  	[dreg:$0x0] =	wrdreg $0xFFFFFFFF;
	(pc) =	sbr.abs _section_cstart, $3  }
0xce: {  	[dreg:$0x1] =	wrdreg $0xFFFFFFFF  }
0xcf: {  	_ =	task.clear_ibuf [dreg:s22], $0x2FFFF;
	_ =	strace $0x9FFFFFFF  }
0xd0: {  	(tm) =	ssettm $0x7FFFFFFF  }
0xd1: {  	_ =	shalt  }
tec
execute0_lowered:
.L_overlay_start_1:
0x0: {  	(tag) =	ssettag $0x1  }
0x1: {  	s4 =	rddreg [dreg:$0x0]  }
0x2: {  	s0 =	rddreg [dreg:$0x1];
	s2 =	simm.s32 $0x0;
	s1 =	stileid.u32  }
0x3: {  	s3 =	srdreg.scid;
	s10 =	simm.s32 $0x0;
	s6 =	smul.u32 $0xE000, s1  }
0x4: {  	[smem:$0x7FF] =	sst s2;
	s5 =	sand.u32 $0x1, s3;
	s8 =	smul.u32 $0x1C000, s1  }
0x5: {  	s3 =	sadd.s32 $0x1A2200, s4;
	s7 =	smul.u32 $0x7000, s5;
	s9 =	ssub.s32 $0x2, s5  }
0x6: {  	_ =	strace $0x8000004D;
	s5 =	smul.u32 $0xE000, s5;
	s31 =	sshrl.u32 s9, $0x1  }
0x7: {  	s8 =	sadd.s32 s8, s4;
	s6 =	sadd.s32 s7, s6;
	s7 =	ssub.s32 s9, s31  }
0x8: {  	s5 =	sadd.s32 s5, s8;
	s8 =	simm.s32 $0xE00;
	s6 =	sshrl.u32 s6, $0x3  }
0x9: {  	s9 =	simm.s32 $0x1;
	s5 =	sadd.s32 $0x1B2200, s5;
	s6 =	sadd.s32 s6, s4  }
0xa: {  	s4 =	smax.u32 s7, $0x1;
	s7 =	simm.s32 $0x2;
	s6 =	sadd.s32 $0xA5C00, s6  }
.LBB2_1:
0xb: {  	s11 =	sadd.s32 $0x0, s6  }
0xc: {  	[tilespmem:s2], [sflag:$0x2] =	stream.linear.gather [hbm4b:s11+s2], $0xE00, $0x38;
	[tilespmem:$0xEE00] =	vst v63  }
0xd: {  	_ =	swait.ge [sflag:s7], $0xE00  }
0xe: {  	[sflag:s7] =	ssyncset.done $0x0  }
0xf: {  	[sflag:s7] =	ssyncadd.s32 $0xFFFFF200  }
0x10: {  	[tilespmem:s8], [sflag:$0x1] =	stream.indirect.gather [hbm4b:s3+s8], $0x10, s2, s8, $0xb8;
	[tilespmem:$0xEE00] =	vst v63  }
0x11: {  	_ =	swait.ge [sflag:s9], $0xE000  }
0x12: {  	[sflag:s9] =	ssyncset.done $0x0  }
0x13: {  	[sflag:s9] =	ssyncadd.s32 $0xFFFF2000  }
0x14: {  	[hbm4b:s5+s2] =	stream.linear.scatter [tilespmem:s8], [sflag:$0x2], $0xE000, $0x38;
	[tilespmem:$0xEE00] =	vst v63  }
0x15: {  	s12 =	simm.s32 $0x1C0;
	_ =	swait.ge [sflag:s7], $0xE000  }
0x16: {  	s13 =	simm.s32 $0x380;
	s11 =	sadd.s32 $0x1C00, s5;
	[sflag:s7] =	ssyncset.done $0x0  }
.LBB2_2:
0x17: {  	s14 =	sadd.s32 s12, s6  }
0x18: {  	[sflag:s7] =	ssyncadd.s32 $0xFFFF2000;
	s12 =	smov.u32 s13;
	s15 =	sadd.s32 $0x1C0, s13  }
0x19: {  	[tilespmem:s2], [sflag:$0x2] =	stream.linear.gather [hbm4b:s14+s2], $0xE00, $0x38;
	[tilespmem:$0xEE00] =	vst v63  }
0x1a: {  	p0 =	sne.s32 s13, $0xC40;
	_ =	swait.ge [sflag:s7], $0xE00  }
0x1b: {  	[sflag:s7] =	ssyncset.done $0x0  }
0x1c: {  	[sflag:s7] =	ssyncadd.s32 $0xFFFFF200  }
0x1d: {  	[tilespmem:s8], [sflag:$0x1] =	stream.indirect.gather [hbm4b:s3+s8], $0x10, s2, s8, $0xb8;
	[tilespmem:$0xEE00] =	vst v63  }
0x1e: {  	_ =	swait.ge [sflag:s9], $0xE000  }
.Ltmp0:
0x1f: {  	[sflag:s9] =	ssyncset.done $0x0;
	(pc) =	sbr.rel @p0 .LBB2_2-.Ltmp0, $4  }
0x20: {  	[sflag:s9] =	ssyncadd.s32 $0xFFFF2000  }
0x21: {  	[hbm4b:s11+s2] =	stream.linear.scatter [tilespmem:s8], [sflag:$0x2], $0xE000, $0x38;
	[tilespmem:$0xEE00] =	vst v63  }
0x22: {  	_ =	swait.ge [sflag:s7], $0xE000  }
0x23: {  	s13 =	smov.u32 s15;
	s11 =	sadd.s32 $0x1C00, s11;
	[sflag:s7] =	ssyncset.done $0x0  }
0x24: {  	s12 =	sadd.s32 s12, s6;
	[sflag:s7] =	ssyncadd.s32 $0xFFFF2000  }
0x25: {  	[tilespmem:s2], [sflag:$0x2] =	stream.linear.gather [hbm4b:s12+s2], $0xE00, $0x38;
	[tilespmem:$0xEE00] =	vst v63  }
0x26: {  	_ =	swait.ge [sflag:s7], $0xE00  }
0x27: {  	[sflag:s7] =	ssyncset.done $0x0  }
0x28: {  	[sflag:s7] =	ssyncadd.s32 $0xFFFFF200  }
0x29: {  	[tilespmem:s8], [sflag:$0x1] =	stream.indirect.gather [hbm4b:s3+s8], $0x10, s2, s8, $0xb8;
	[tilespmem:$0xEE00] =	vst v63  }
0x2a: {  	s10 =	sadd.s32 $0x1, s10;
	_ =	swait.ge [sflag:s9], $0xE000  }
0x2b: {  	p0 =	sne.s32 s10, s4;
	[sflag:s9] =	ssyncset.done $0x0  }
.Ltmp1:
0x2c: {  	[sflag:s9] =	ssyncadd.s32 $0xFFFF2000;
	(pc) =	sbr.rel @p0 .LBB2_1-.Ltmp1, $4  }
0x2d: {  	[hbm4b:s11+s2] =	stream.linear.scatter [tilespmem:s8], [sflag:$0x2], $0xE000, $0x38;
	[tilespmem:$0xEE00] =	vst v63  }
0x2e: {  	_ =	swait.ge [sflag:s7], $0xE000  }
0x2f: {  	[sflag:s7] =	ssyncset.done $0x0  }
0x30: {  	[sflag:s7] =	ssyncadd.s32 $0xFFFF2000  }
0x31: {  	_ =	sfence.sel $0x180000  }
0x32: {  	[bflag:$0x0] =	sbarrier.arrive $0xFFFF  }
0x33: {  	p0 =	sne.s32 s1, $0x0;
	_ =	strace $0x9000004D  }
0x34: {  	s0 =	sadd.s32 @!p0 $0x100000, s0;
	[bflag:$0x2] =	sbarrier.arrive $0xFFFF  }
0x35: {  	[sflag:s0] =	ssyncadd.tile.s32 @!p0 $0x1;
	_ =	shalt  }
.Lfunc_end2:
_tile_overlayer_lowered:
.L_overlay_start_2:
0x36: {  	(tag) =	ssettag $0x2  }
0x37: {  	s0 =	rddreg [dreg:$0x0];
	s2 =	stileid.u32  }
0x38: {  	s1 =	rddreg [dreg:$0x1];
	p0 =	sne.s32 s2, $0x0  }
0x39: {  	s3 =	rddreg [dreg:$0x2];
	[bflag:$0x3] =	sbarrier.arrive $0xFFFF;
	s2 =	simm.s32 @!p0 $0x1C02  }
0x3a: {  	[timem:s3], [sflag:s2] =	dma.local @!p0 [hbm:s0], s1  }
0x3b: {  	s0 =	simm.s32 @!p0 $0x2  }
0x3c: {  	_ =	swait.ge @!p0 [sflag:s0], s1  }
0x3d: {  	s1 =	ssub.s32 @!p0 $0x0, s1;
	[sflag:s0] =	ssyncset.done @!p0 $0x0  }
0x3e: {  	[sflag:s0] =	ssyncadd.s32 @!p0 s1  }
0x3f: {  	[bflag:$0x3] =	sbarrier.arrive $0xFFFF  }
0x40: {  	_ =	shalt  }

// kernel: kernel.26.cloned.1.call-start
scs
__scs_entry_jumppad:
0x0: {  	(pc) =	sbr.rel $0x88, $3  }
0x1: {  	(tag) =	ssettag $0x0;
	lr =	simm.s32 $0x1  }
0x2: {  	[smem:$0x3F38] =	sst lr;
	_ =	strace $0xD0000000  }
0x3: {  	_ = 	snop  }
0x4: {  	_ = 	snop  }
0x5: {  	_ = 	snop  }
0x6: {  	_ = 	snop  }
0x7: {  	_ = 	snop  }
__scs_overlays_trampoline_lowered:
0x8: {  	[smem:$0x3F47] =	sst s0  }
0x9: {  	[smem:$0x3F48] =	sst s1  }
0xa: {  	[smem:$0x3F49] =	sst s2  }
0xb: {  	[smem:$0x3F4A] =	sst s3  }
0xc: {  	[smem:$0x3F4B] =	sst s4  }
0xd: {  	[smem:$0x3F4C] =	sst s5  }
0xe: {  	[smem:$0x3F4D] =	sst s6  }
0xf: {  	[smem:$0x3F4E] =	sst s7  }
0x10: {  	[smem:$0x3F4F] =	sst s8  }
0x11: {  	[smem:$0x3F50] =	sst s9;
	s0 =	simm.s32 @!p0 $0x0  }
0x12: {  	s1 =	sld [smem:$0x3F36];
	s0 =	simm.s32 @p0 $0x1  }
0x13: {  	[smem:$0x3F51] =	sst s0;
	s0 =	simm.s32 @!p1 $0x0  }
0x14: {  	s2 =	sld [smem:$0x3F35];
	s0 =	simm.s32 @p1 $0x1  }
0x15: {  	[smem:$0x3F52] =	sst s0;
	s0 =	simm.s32 @!p2 $0x0  }
0x16: {  	s3 =	sld [smem:$0x3FDB];
	s0 =	simm.s32 @p2 $0x1  }
0x17: {  	s4 =	simm.s32 $0x1BF5;
	[smem:$0x3F54] =	sst s0  }
0x18: {  	s0 =	sld [smem:$0x3F37];
	_ =	swait.ge [sflag:s4], $0x0  }
0x19: {  	s7 =	sld [smem:$0x3F38]  }
0x1a: {  	s8 =	sadd.s32 $0xFFFFE003, lr  }
0x1b: {  	s9 =	sadd.s32 $0xFFFFFEF7, lr;
	s5 =	simm.s32 $0xFFFFFFFF;
	p2 =	slt.u32 s8, $0xFFFFF086  }
0x1c: {  	p1 =	slt.u32 s9, $0xF7A;
	s5 =	simm.s32 @!p2 $0x0  }
0x1d: {  	s5 =	simm.s32 @p1 $0x1;
	p0 =	seq.s32 s7, s2  }
0x1e: {  	s7 =	smul.u32 @!p0 $0xF7A, s2;
	p2 =	seq.s32 @!p0 s5, $0x0  }
0x1f: {  	s9 =	smul.u32 $0xF7A, s1;
	s8 =	simm.s32 @!p0 $0x1BF5;
	p2 =	por !p2, p0  }
0x20: {  	[sflag:s8] =	ssyncset.s32 @!p0 $0xFFFFF086;
	s6 =	sadd.s32 @!p0 s3, s7;
	s7 =	simm.s32 @!p0 $0x108  }
0x21: {  	s3 =	sadd.s32 s3, s9;
	s6 =	sadd.s32 @!p0 $0x88, s6;
	s7 =	simm.s32 @p2 $0x1082  }
0x22: {  	[simem:s7], [sflag:s8] =	dma.local @!p0 [hbm:s6], $0xF7A  }
0x23: {  	s9 =	sor.u32 $0xD0000000, s2;
	s6 =	simm.s32 $0x108;
	_ =	swait.ge @!p0 [sflag:s8], $0x0  }
0x24: {  	s3 =	sadd.s32 $0x88, s3;
	s6 =	simm.s32 @!p1 $0x1082;
	[sflag:s4] =	ssyncset.s32 $0xFFFFF086  }
0x25: {  	[simem:s6], [sflag:s4] =	dma.local [hbm:s3], $0xF7A  }
0x26: {  	[smem:$0x3F38] =	sst s1;
	(tag) =	ssettag s2;
	_ =	strace s9  }
0x27: {  	s1 =	sld [smem:$0x3F48]  }
0x28: {  	s2 =	sld [smem:$0x3F49]  }
0x29: {  	s4 =	sld [smem:$0x3F4B]  }
0x2a: {  	p0 =	seq.s32 s5, $0x0;
	s5 =	sld [smem:$0x3F4C]  }
0x2b: {  	s6 =	sld [smem:$0x3F4D]  }
0x2c: {  	s7 =	sld [smem:$0x3F4E]  }
0x2d: {  	s3 =	simm.s32 $0x108;
	s8 =	sld [smem:$0x3F4F]  }
0x2e: {  	s3 =	simm.s32 @!p0 $0x1082;
	s9 =	sld [smem:$0x3F50]  }
0x2f: {  	lr =	sadd.s32 s0, s3;
	s0 =	sld [smem:$0x3F47]  }
0x30: {  	s3 =	sld [smem:$0x3F4A]  }
0x31: {  	[smem:$0x3F53] =	sst s10  }
0x32: {  	s10 =	sld [smem:$0x3F51];
	_ =	sdelay $0x3  }
0x33: {  	p0 =	seq.s32 s10, $0x1;
	s10 =	sld [smem:$0x3F53];
	_ =	sdelay $0x3  }
0x34: {  	[smem:$0x3F53] =	sst s10  }
0x35: {  	s10 =	sld [smem:$0x3F52];
	_ =	sdelay $0x3  }
0x36: {  	p1 =	seq.s32 s10, $0x1;
	s10 =	sld [smem:$0x3F53];
	_ =	sdelay $0x3  }
0x37: {  	[smem:$0x3F53] =	sst s10  }
0x38: {  	s10 =	sld [smem:$0x3F54]  }
0x39: {  	_ = 	snop;
	(pc) =	sbr.ind lr, $3  }
0x3a: {  	_ = 	snop  }
0x3b: {  	_ = 	snop  }
0x3c: {  	p2 =	seq.s32 s10, $0x1;
	s10 =	sld [smem:$0x3F53]  }
0x3d: {  	_ =	shalt  }
0x3e: {  	_ =	shalt  }
0x3f: {  	_ =	shalt  }
0x40: {  	_ =	shalt  }
0x41: {  	_ =	shalt  }
0x42: {  	_ =	shalt  }
0x43: {  	_ =	shalt  }
0x44: {  	_ =	shalt  }
0x45: {  	_ =	shalt  }
0x46: {  	_ =	shalt  }
0x47: {  	_ =	shalt  }
0x48: {  	_ =	shalt  }
0x49: {  	_ =	shalt  }
0x4a: {  	_ =	shalt  }
0x4b: {  	_ =	shalt  }
0x4c: {  	_ =	shalt  }
0x4d: {  	_ =	shalt  }
0x4e: {  	_ =	shalt  }
0x4f: {  	_ =	shalt  }
0x50: {  	_ =	shalt  }
0x51: {  	_ =	shalt  }
0x52: {  	_ =	shalt  }
0x53: {  	_ =	shalt  }
0x54: {  	_ =	shalt  }
0x55: {  	_ =	shalt  }
0x56: {  	_ =	shalt  }
0x57: {  	_ =	shalt  }
0x58: {  	_ =	shalt  }
0x59: {  	_ =	shalt  }
0x5a: {  	_ =	shalt  }
0x5b: {  	_ =	shalt  }
0x5c: {  	_ =	shalt  }
0x5d: {  	_ =	shalt  }
0x5e: {  	_ =	shalt  }
0x5f: {  	_ =	shalt  }
0x60: {  	_ =	shalt  }
0x61: {  	_ =	shalt  }
0x62: {  	_ =	shalt  }
0x63: {  	_ =	shalt  }
0x64: {  	_ =	shalt  }
0x65: {  	_ =	shalt  }
0x66: {  	_ =	shalt  }
0x67: {  	_ =	shalt  }
0x68: {  	_ =	shalt  }
0x69: {  	_ =	shalt  }
0x6a: {  	_ =	shalt  }
0x6b: {  	_ =	shalt  }
0x6c: {  	_ =	shalt  }
0x6d: {  	_ =	shalt  }
0x6e: {  	_ =	shalt  }
0x6f: {  	_ =	shalt  }
0x70: {  	_ =	shalt  }
0x71: {  	_ =	shalt  }
0x72: {  	_ =	shalt  }
0x73: {  	_ =	shalt  }
0x74: {  	_ =	shalt  }
0x75: {  	_ =	shalt  }
0x76: {  	_ =	shalt  }
0x77: {  	_ =	shalt  }
0x78: {  	_ =	shalt  }
0x79: {  	_ =	shalt  }
0x7a: {  	_ =	shalt  }
0x7b: {  	_ =	shalt  }
0x7c: {  	_ =	shalt  }
0x7d: {  	_ =	shalt  }
0x7e: {  	_ =	shalt  }
0x7f: {  	_ =	shalt  }
0x80: {  	_ =	shalt  }
0x81: {  	_ =	shalt  }
0x82: {  	_ =	shalt  }
0x83: {  	_ =	shalt  }
0x84: {  	_ =	shalt  }
0x85: {  	_ =	shalt  }
0x86: {  	_ =	shalt  }
0x87: {  	_ =	shalt  }
.Lfunc_end0:
.L_simem_size_0:
called_computation.2_lowered:
.L_overlay_start_0:
0x88: {  	s2 =	sld [smem:$0x3FD9]  }
0x89: {  	s3 =	sld [smem:$0x3FFE];
	_ =	sdelay $0x1  }
0x8a: {  	s1 =	srdreg.scid  }
0x8b: {  	s0 =	sand.u32 $0x1, s1  }
0x8c: {  	s15 =	sshll.u32 s0, $0xA;
	s2 =	sadd.s32 s3, s2  }
0x8d: {  	s2 =	sadd.s32 s2, s15  }
0x8e: {  	[smem:$0x3F5F] =	sst s2  }
0x8f: {  	_ = 	snop  }
0x90: {  	s2 =	sld [smem:$0x3FD0];
	_ =	sdelay $0x2  }
0x91: {  	s16 =	simm.s32 $0xB;
	s4 =	simm.s32 $0x10  }
0x92: {  	[smem:s4], [sflag:s16] =	dma.local [hbm:s2], $0x1  }
0x93: {  	_ =	swait.eq [sflag:s16], $0x1  }
0x94: {  	[sflag:s16] =	ssyncset.done $0x0  }
0x95: {  	[sflag:s16] =	ssyncadd.s32 $0xFFFFFFFF  }
0x96: {  	s17 =	sld [smem:$0x11];
	(tm) =	ssettm $0x1  }
0x97: {  	s18 =	sld [smem:$0x3FFB];
	_ =	sdelay $0x3  }
0x98: {  	_ =	strace s18  }
0x99: {  	s2 =	sld [smem:$0x3FFC];
	_ =	sdelay $0x3  }
0x9a: {  	_ =	strace s2  }
0x9b: {  	s2 =	sld [smem:$0x3FFD];
	_ =	sdelay $0x3  }
0x9c: {  	_ =	strace s2  }
0x9d: {  	_ =	strace $0x8FFFFFFF  }
0x9e: {  	s19 =	sld [smem:$0x3FDB];
	_ =	sdelay $0x1  }
0x9f: {  	s20 =	simm.s32 $_scs_section_size  }
0xa0: {  	s5 =	simm.s32 $_size__tile_overlayer_lowered;
	s6 =	simm.s32 $_tile_overlayer_lowered  }
0xa1: {  	s7 =	simm.s32 $0x1BFF;
	s21 =	sshll.u32 s6, $0x1;
	s4 =	sadd.s32 s20, s19  }
0xa2: {  	s22 =	simm.s32 $0x0;
	s5 =	sshll.u32 s5, $0x1;
	s6 =	sadd.s32 s21, s4  }
0xa3: {  	[timem:s22], [sflag:s7] =	dma.local [hbm:s6], s5  }
0xa4: {  	_ =	swait.ge [sflag:s7], s5  }
0xa5: {  	s5 =	ssub.s32 $0x0, s5;
	[sflag:s7] =	ssyncset.done $0x0  }
0xa6: {  	[sflag:s7] =	ssyncadd.s32 s5;
	_ =	sdelay $0x1  }
0xa7: {  	s23 =	simm.s32 $0x1B8B  }
0xa8: {  	_ =	swait.ge [sflag:s23], $0x1  }
0xa9: {  	[sflag:s23] =	ssyncset.done $0x0  }
0xaa: {  	[sflag:s23] =	ssyncadd.s32 $0xFFFFFFFF  }
0xab: {  	s5 =	sld [smem:$0x0]  }
0xac: {  	s6 =	sand.u32 $0xFFFFFFFE, s1  }
0xad: {  	p0 =	sne.s32 s1, s6  }
0xae: {  	s6 =	sshll.u32 @p0 s6, $0xE  }
0xaf: {  	s6 =	sadd.s32 @p0 $0x11B8D, s6;
	s7 =	sshll.u32 @p0 s5, $0x11  }
0xb0: {  	s6 =	sor.u32 @p0 s7, s6  }
0xb1: {  	[sflag:s6] =	ssyncadd.remote.s32 @p0 $0x1;
	_ =	sdelay $0x1  }
0xb2: {  	s6 =	simm.s32 @p0 $0x1B8D  }
0xb3: {  	_ =	swait.eq @p0 [sflag:s6], $0x1  }
0xb4: {  	[sflag:s6] =	ssyncadd.s32 @p0 $0xFFFFFFFF  }
0xb5: {  	s7 =	sshll.u32 @!p0 s1, $0xE  }
0xb6: {  	s7 =	sor.u32 @!p0 $0x4000, s7;
	s6 =	simm.s32 @!p0 $0x1B8D  }
0xb7: {  	s5 =	sshll.u32 @!p0 s5, $0x11;
	s7 =	sadd.s32 @!p0 $0x11B8D, s7;
	_ =	swait.eq @!p0 [sflag:s6], $0x1  }
0xb8: {  	s5 =	sor.u32 @!p0 s5, s7;
	[sflag:s6] =	ssyncadd.s32 @!p0 $0xFFFFFFFF  }
0xb9: {  	s25 =	simm.s32 $0x1B8E;
	s24 =	sld [smem:$0x3FFE];
	[sflag:s5] =	ssyncadd.remote.s32 @!p0 $0x1  }
0xba: {  	s26 =	simm.s32 $execute0_lowered;
	[smem:$0x3FD2] =	sst s25  }
0xbb: {  	s6 =	sshll.u32 s26, $0x1;
	_ =	strace $0x80000049;
	[dreg:$0x1] =	wrdreg $0xFFFFFFFF  }
0xbc: {  	s28 =	simm.s32 $_size_execute0_lowered;
	s4 =	sadd.s32 s4, s6;
	[dreg:$0x0] =	wrdreg $0x0  }
0xbd: {  	s6 =	sshll.u32 s28, $0x1;
	[dreg:$0x2] =	wrdreg s4  }
0xbe: {  	[dreg:$0x3] =	wrdreg s6  }
0xbf: {  	[dreg:$0x4] =	wrdreg $0xC0  }
0xc0: {  	_ =	task [dreg:s22], $0x5FFFF  }
0xc1: {  	[dreg:$0x1] =	wrdreg $0xFFFFFFFF  }
0xc2: {  	[dreg:$0x0] =	wrdreg $0x60  }
0xc3: {  	[dreg:$0x2] =	wrdreg s17  }
0xc4: {  	[dreg:$0x3] =	wrdreg s24  }
0xc5: {  	[dreg:$0x4] =	wrdreg $0x9  }
0xc6: {  	_ =	task.clear_ibuf [dreg:s22], $0x5FFFF;
	_ =	strace $0x90000049  }
0xc7: {  	s29 =	simm.s32 $0x9;
	_ =	strace $0x8000004B  }
0xc8: {  	_ =	swait.ge [sflag:s29], $0x1  }
0xc9: {  	[sflag:s29] =	ssyncadd.s32 $0xFFFFFFFF  }
0xca: {  	_ =	strace $0x9000004B  }
0xcb: {  	_ =	sfence  }
0xcc: {  	s30 =	sld [smem:$0x0];
	_ =	sdelay $0x2  }
0xcd: {  	s31 =	sshll.u32 s1, $0xD;
	s1 =	sshrl.u32 s1, $0x2  }
0xce: {  	s4 =	sand.u32 $0x4000, s31;
	s1 =	sadd.s32 s1, s30  }
0xcf: {  	s0 =	sor.u32 s4, s0;
	s1 =	sshll.u32 s1, $0x11  }
0xd0: {  	s0 =	sor.u32 s1, s0  }
0xd1: {  	s0 =	sadd.s32 $0x8F2B, s0  }
0xd2: {  	[sflag:s0] =	ssyncadd.remote.s32 $0x1  }
0xd3: {  	_ =	sfence.sel $0xFFFF  }
0xd4: {  	[dreg:$0x0] =	wrdreg $0xFFFFFFFF;
	(pc) =	sbr.abs _section_cstart, $3  }
0xd5: {  	[dreg:$0x1] =	wrdreg $0xFFFFFFFF  }
0xd6: {  	_ =	task.clear_ibuf [dreg:s22], $0x2FFFF;
	_ =	strace $0x9FFFFFFF  }
0xd7: {  	(tm) =	ssettm $0x7FFFFFFF  }
tec
execute0_lowered:
.L_overlay_start_1:
0x0: {  	(tag) =	ssettag $0x1  }
0x1: {  	s1 =	rddreg [dreg:$0x0]  }
0x2: {  	s3 =	rddreg [dreg:$0x1]  }
0x3: {  	s0 =	rddreg [dreg:$0x2]  }
0x4: {  	s2 =	simm.s32 $0x0;
	s5 =	srdreg.scid;
	s10 =	simm.s32 $0x400  }
0x5: {  	s11 =	simm.s32 $0xC00;
	s12 =	simm.s32 $0x0;
	[smem:$0x7FF] =	sst s2  }
0x6: {  	s4 =	sadd.s32 $0x11E200, s3;
	s6 =	sand.u32 $0x1, s5;
	s5 =	sadd.s32 $0x11A200, s3  }
0x7: {  	s3 =	stileid.u32;
	_ =	strace $0x8000004A;
	s7 =	ssub.s32 $0x2, s6  }
0x8: {  	s9 =	sshll.u32 s3, $0x2;
	s6 =	sshll.u32 s6, $0x1;
	s8 =	sshrl.u32 s7, $0x1  }
0x9: {  	v1 =	vlaneseq.u32;
	s31 =	sshll.u32 s3, $0x8;
	s6 =	sor.u32 s6, s9;
	s8 =	ssub.s32 s7, s8  }
0xa: {  	v2 =	vimm.s32 $0x0;
	v0 =	vmul.u32 $0x40, v1;
	v1 =	vmul.u32 $0x80, v1;
	s9 =	simm.s32 $0x1;
	s7 =	sand.u32 $0xE00, s31;
	s8 =	smax.u32 s8, $0x1  }
.LBB2_1:
0xb: {  	p1 =	por $0x1, $0x1;
	s13 =	simm.s32 $0x0  }
.LBB2_2:
0xc: {  	s13 =	sor.u32 s6, s13  }
0xd: {  	s14 =	sshll.u32 s13, $0x7  }
0xe: {  	s15 =	sadd.s32 s1, s14;
	s14 =	simm.s32 $0x0  }
0xf: {  	[tilespmem:s14], [sflag:$0x1] =	stream.linear.gather [hbm4b:s15+s14], $0x400, $0x38;
	[tilespmem:$0x1400] =	vst v63  }
0x10: {  	_ =	swait.ge [sflag:s9], $0x400  }
0x11: {  	p0 =	por p1, p1;
	[sflag:s9] =	ssyncset.done $0x0  }
0x12: {  	v4 =	vimm.s32 $0x0;
	v3 =	vimm.s32 $0x0;
	s16 =	simm.s32 $0x0;
	s15 =	smov.u32 s7;
	[sflag:s9] =	ssyncadd.s32 $0xFFFFFC00  }
.LBB2_3:
0x13: {  	v5 =	vor.u32 s14, v0;
	_ =	sdelay $0x4  }
0x14: {  	v6 =	vld.idx.msk [tilespmem:v5+s2+$0x0], $0xffff;
	_ =	sdelay $0x2  }
0x15: {  	s17 =	sshll.u32 s16, $0x1  }
0x16: {  	v5 =	vmov s17  }
0x17: {  	vm0 =	vlt.s32 v3, $0x40;
	vm1 =	vlt.s32 v4, $0x80;
	v6 =	vshra.s32 v6, v5  }
0x18: {  	vm2 =	vlt.s32 v4, $0x7F;
	vm4 =	vlt.s32 v3, $0x3F;
	v7 =	vand.u32 $0x1, v6  }
0x19: {  	v6 =	vand.u32 $0x2, v6;
	vm3 =	veq.s32 v7, $0x1;
	v7 =	vnsel vm2, $0x7F, v4  }
0x1a: {  	vm2 =	vne.s32 v6, $0x0;
	v6 =	vnsel vm4, $0x3F, v3;
	vm0 =	vmand vm0, vm3  }
0x1b: {  	vm1 =	vmand vm1, vm2;
	v6 =	vadd.s32 v1, v6  }
0x1c: {  	s17 =	simm.s32 $0x1;
	v7 =	vadd.s32 v1, v7;
	v8 =	vsel vm0, $0x1, v2  }
0x1d: {  	v9 =	vsel vm1, $0x1, v2;
	v3 =	vadd.s32 v8, v3;
	v8 =	vor.u32 s17, v0  }
0x1e: {  	s18 =	simm.s32 $0x2;
	s19 =	sadd.s32 $0x0, s15;
	v4 =	vadd.s32 v9, v4  }
.LBB2_4:
0x1f: {  	p1 =	sne.s32 s18, $0x3F;
	v9 =	vmov s19  }
0x20: {  	[tilespmem:v6+s10+$0x0] =	vst.idx.msk vm0, v9  }
0x21: {  	[tilespmem:v7+s11+$0x0] =	vst.idx.msk vm1, v9  }
0x22: {  	v6 =	vld.idx.msk [tilespmem:v8+s2+$0x0], $0xffff;
	_ =	sdelay $0x5  }
0x23: {  	vm0 =	vlt.s32 v3, $0x40;
	vm1 =	vlt.s32 v4, $0x80;
	v6 =	vshra.s32 v6, v5  }
0x24: {  	vm2 =	vlt.s32 v4, $0x7F;
	v7 =	vand.u32 $0x1, v6;
	v6 =	vand.u32 $0x2, v6  }
0x25: {  	vm4 =	vlt.s32 v3, $0x3F;
	vm3 =	veq.s32 v7, $0x1;
	v7 =	vnsel vm2, $0x7F, v4  }
.Ltmp0:
0x26: {  	v8 =	vnsel vm4, $0x3F, v3;
	vm2 =	vne.s32 v6, $0x0;
	vm0 =	vmand vm0, vm3;
	(pc) =	sbr.rel @p1 .LBB2_4-.Ltmp0, $4  }
0x27: {  	v6 =	vadd.s32 v1, v8;
	vm1 =	vmand vm1, vm2;
	v8 =	vsel vm0, $0x1, v2  }
0x28: {  	v7 =	vadd.s32 v1, v7;
	v9 =	vsel vm1, $0x1, v2;
	v3 =	vadd.s32 v8, v3  }
0x29: {  	v8 =	vor.u32 s18, v0;
	v4 =	vadd.s32 v9, v4  }
0x2a: {  	s19 =	sadd.s32 s17, s15;
	s17 =	smov.u32 s18;
	s18 =	sadd.s32 $0x1, s18  }
0x2b: {  	_ =	sdelay $0x3  }
0x2c: {  	v9 =	vmov s19  }
0x2d: {  	[tilespmem:v6+s10+$0x0] =	vst.idx.msk vm0, v9  }
0x2e: {  	[tilespmem:v7+s11+$0x0] =	vst.idx.msk vm1, v9  }
0x2f: {  	v6 =	vld.idx.msk [tilespmem:v8+s2+$0x0], $0xffff;
	_ =	sdelay $0x4  }
0x30: {  	vm13 =	vlt.s32 v3, $0x40;
	v5 =	vshra.s32 v6, v5  }
0x31: {  	vm14 =	vlt.s32 v4, $0x80;
	vm2 =	vlt.s32 v4, $0x7F;
	v6 =	vand.u32 $0x1, v5  }
0x32: {  	vm4 =	vlt.s32 v3, $0x3F;
	v5 =	vand.u32 $0x2, v5;
	vm3 =	veq.s32 v6, $0x1  }
0x33: {  	v6 =	vnsel vm4, $0x3F, v3;
	vm15 =	vne.s32 v5, $0x0;
	vm0 =	vmand vm13, vm3  }
0x34: {  	s16 =	sadd.s32 $0x1, s16;
	v5 =	vnsel vm2, $0x7F, v4;
	v6 =	vadd.s32 v1, v6;
	vm1 =	vmand vm14, vm15  }
0x35: {  	p1 =	sne.s32 s16, $0x8;
	v5 =	vadd.s32 v1, v5  }
.Ltmp1:
0x36: {  	_ = 	snop;
	(pc) =	sbr.rel @p1 .LBB2_3-.Ltmp1, $4  }
0x37: {  	s17 =	sadd.s32 s17, s15  }
0x38: {  	v7 =	vmov s17  }
0x39: {  	v62 =	vsel vm0, $0x1, v2;
	v63 =	vsel vm1, $0x1, v2;
	[tilespmem:v6+s10+$0x0] =	vst.idx.msk vm0, v7  }
0x3a: {  	s15 =	sadd.s32 $0x40, s15;
	v3 =	vadd.s32 v62, v3;
	v4 =	vadd.s32 v63, v4;
	[tilespmem:v5+s11+$0x0] =	vst.idx.msk vm1, v7  }
0x3b: {  	_ =	sdelay $0x1  }
0x3c: {  	s15 =	simm.s32 $0x1  }
0x3d: {  	vm0 =	vle.s32 v3, s15  }
0x3e: {  	v5 =	vld.idx.msk [tilespmem:v1+s10+$0x0], $0xffff;
	s14 =	simm.s32 $0x2;
	v6 =	vor.u32 s15, v1  }
.LBB2_7:
0x3f: {  	p1 =	sne.s32 s14, $0x3F  }
.Ltmp2:
0x40: {  	_ = 	snop;
	(pc) =	sbr.rel @p1 .LBB2_7-.Ltmp2, $3  }
0x41: {  	_ =	sdelay $0x1  }
0x42: {  	[tilespmem:v6+s10+$0x0] =	vst.idx.msk vm0, v5;
	vm0 =	vle.s32 v3, s14;
	s15 =	smov.u32 s14;
	s14 =	sadd.s32 $0x1, s14  }
0x43: {  	v6 =	vor.u32 s15, v1  }
0x44: {  	_ =	sdelay $0x3  }
0x45: {  	s13 =	sshll.u32 s13, $0x8  }
0x46: {  	[tilespmem:v6+s10+$0x0] =	vst.idx.msk vm0, v5;
	s15 =	simm.s32 $0x1;
	s14 =	sadd.s32 s4, s13  }
0x47: {  	[hbm4b:s14+s2] =	stream.linear.scatter [tilespmem:s10], [sflag:$0x1], $0x800, $0x38;
	[tilespmem:$0x1400] =	vst v63  }
0x48: {  	_ =	swait.ge [sflag:s15], $0x800  }
0x49: {  	[sflag:s15] =	ssyncset.done $0x0  }
0x4a: {  	vm0 =	vle.s32 v4, s15;
	[sflag:s15] =	ssyncadd.s32 $0xFFFFF800  }
0x4b: {  	v5 =	vor.u32 s15, v1;
	s14 =	simm.s32 $0x2;
	v3 =	vld.idx.msk [tilespmem:v1+s11+$0x0], $0xffff  }
.LBB2_9:
0x4c: {  	p1 =	sne.s32 s14, $0x7F  }
.Ltmp3:
0x4d: {  	_ = 	snop;
	(pc) =	sbr.rel @p1 .LBB2_9-.Ltmp3, $3  }
0x4e: {  	_ =	sdelay $0x1  }
0x4f: {  	[tilespmem:v5+s11+$0x0] =	vst.idx.msk vm0, v3;
	vm0 =	vle.s32 v4, s14;
	s15 =	smov.u32 s14;
	s14 =	sadd.s32 $0x1, s14  }
0x50: {  	v5 =	vor.u32 s15, v1  }
0x51: {  	_ =	sdelay $0x4  }
0x52: {  	[tilespmem:v5+s11+$0x0] =	vst.idx.msk vm0, v3;
	s13 =	sadd.s32 s5, s13  }
0x53: {  	[hbm4b:s13+s2] =	stream.linear.scatter [tilespmem:s11], [sflag:$0x1], $0x800, $0x38;
	[tilespmem:$0x1400] =	vst v63  }
.Ltmp4:
0x54: {  	_ = 	snop;
	(pc) =	sbr.rel @p0 .LBB2_2-.Ltmp4, $4  }
0x55: {  	s13 =	simm.s32 $0x1  }
0x56: {  	_ =	swait.ge [sflag:s13], $0x800  }
0x57: {  	[sflag:s13] =	ssyncset.done $0x0  }
0x58: {  	p1 =	por $0x0, $0x0;
	[sflag:s13] =	ssyncadd.s32 $0xFFFFF800  }
0x59: {  	s12 =	sadd.s32 $0x1, s12  }
0x5a: {  	p0 =	sne.s32 s12, s8  }
.Ltmp5:
0x5b: {  	_ = 	snop;
	(pc) =	sbr.rel @p0 .LBB2_1-.Ltmp5, $1  }
0x5c: {  	_ =	sdelay $0x3  }
0x5d: {  	_ =	sfence.sel $0x180000  }
0x5e: {  	[bflag:$0x0] =	sbarrier.arrive $0xFFFF  }
0x5f: {  	p0 =	sne.s32 s3, $0x0;
	_ =	strace $0x9000004A  }
0x60: {  	s0 =	sadd.s32 @!p0 $0x100000, s0;
	[bflag:$0x2] =	sbarrier.arrive $0xFFFF  }
0x61: {  	[sflag:s0] =	ssyncadd.tile.s32 @!p0 $0x1;
	_ =	shalt  }
.Lfunc_end2:
_tile_overlayer_lowered:
.L_overlay_start_2:
0x62: {  	(tag) =	ssettag $0x2  }
0x63: {  	s0 =	rddreg [dreg:$0x0];
	s2 =	stileid.u32  }
0x64: {  	s1 =	rddreg [dreg:$0x1];
	p0 =	sne.s32 s2, $0x0  }
0x65: {  	s3 =	rddreg [dreg:$0x2];
	[bflag:$0x3] =	sbarrier.arrive $0xFFFF;
	s2 =	simm.s32 @!p0 $0x1C01  }
0x66: {  	[timem:s3], [sflag:s2] =	dma.local @!p0 [hbm:s0], s1  }
0x67: {  	s0 =	simm.s32 @!p0 $0x1  }
0x68: {  	_ =	swait.ge @!p0 [sflag:s0], s1  }
0x69: {  	s1 =	ssub.s32 @!p0 $0x0, s1;
	[sflag:s0] =	ssyncset.done @!p0 $0x0  }
0x6a: {  	[sflag:s0] =	ssyncadd.s32 @!p0 s1  }
0x6b: {  	[bflag:$0x3] =	sbarrier.arrive $0xFFFF  }
0x6c: {  	_ =	shalt  }

// kernel: kernel.29.cloned.1.call-start
scs
__scs_entry_jumppad:
0x0: {  	(pc) =	sbr.rel $0x88, $3  }
0x1: {  	(tag) =	ssettag $0x0;
	lr =	simm.s32 $0x1  }
0x2: {  	[smem:$0x3F38] =	sst lr;
	_ =	strace $0xD0000000  }
0x3: {  	_ = 	snop  }
0x4: {  	_ = 	snop  }
0x5: {  	_ = 	snop  }
0x6: {  	_ = 	snop  }
0x7: {  	_ = 	snop  }
__scs_overlays_trampoline_lowered:
0x8: {  	[smem:$0x3F47] =	sst s0  }
0x9: {  	[smem:$0x3F48] =	sst s1  }
0xa: {  	[smem:$0x3F49] =	sst s2  }
0xb: {  	[smem:$0x3F4A] =	sst s3  }
0xc: {  	[smem:$0x3F4B] =	sst s4  }
0xd: {  	[smem:$0x3F4C] =	sst s5  }
0xe: {  	[smem:$0x3F4D] =	sst s6  }
0xf: {  	[smem:$0x3F4E] =	sst s7  }
0x10: {  	[smem:$0x3F4F] =	sst s8  }
0x11: {  	[smem:$0x3F50] =	sst s9;
	s0 =	simm.s32 @!p0 $0x0  }
0x12: {  	s1 =	sld [smem:$0x3F36];
	s0 =	simm.s32 @p0 $0x1  }
0x13: {  	[smem:$0x3F51] =	sst s0;
	s0 =	simm.s32 @!p1 $0x0  }
0x14: {  	s2 =	sld [smem:$0x3F35];
	s0 =	simm.s32 @p1 $0x1  }
0x15: {  	[smem:$0x3F52] =	sst s0;
	s0 =	simm.s32 @!p2 $0x0  }
0x16: {  	s3 =	sld [smem:$0x3FDB];
	s0 =	simm.s32 @p2 $0x1  }
0x17: {  	s4 =	simm.s32 $0x1BF5;
	[smem:$0x3F54] =	sst s0  }
0x18: {  	s0 =	sld [smem:$0x3F37];
	_ =	swait.ge [sflag:s4], $0x0  }
0x19: {  	s7 =	sld [smem:$0x3F38]  }
0x1a: {  	s8 =	sadd.s32 $0xFFFFE003, lr  }
0x1b: {  	s9 =	sadd.s32 $0xFFFFFEF7, lr;
	s5 =	simm.s32 $0xFFFFFFFF;
	p2 =	slt.u32 s8, $0xFFFFF086  }
0x1c: {  	p1 =	slt.u32 s9, $0xF7A;
	s5 =	simm.s32 @!p2 $0x0  }
0x1d: {  	s5 =	simm.s32 @p1 $0x1;
	p0 =	seq.s32 s7, s2  }
0x1e: {  	s7 =	smul.u32 @!p0 $0xF7A, s2;
	p2 =	seq.s32 @!p0 s5, $0x0  }
0x1f: {  	s9 =	smul.u32 $0xF7A, s1;
	s8 =	simm.s32 @!p0 $0x1BF5;
	p2 =	por !p2, p0  }
0x20: {  	[sflag:s8] =	ssyncset.s32 @!p0 $0xFFFFF086;
	s6 =	sadd.s32 @!p0 s3, s7;
	s7 =	simm.s32 @!p0 $0x108  }
0x21: {  	s3 =	sadd.s32 s3, s9;
	s6 =	sadd.s32 @!p0 $0x88, s6;
	s7 =	simm.s32 @p2 $0x1082  }
0x22: {  	[simem:s7], [sflag:s8] =	dma.local @!p0 [hbm:s6], $0xF7A  }
0x23: {  	s9 =	sor.u32 $0xD0000000, s2;
	s6 =	simm.s32 $0x108;
	_ =	swait.ge @!p0 [sflag:s8], $0x0  }
0x24: {  	s3 =	sadd.s32 $0x88, s3;
	s6 =	simm.s32 @!p1 $0x1082;
	[sflag:s4] =	ssyncset.s32 $0xFFFFF086  }
0x25: {  	[simem:s6], [sflag:s4] =	dma.local [hbm:s3], $0xF7A  }
0x26: {  	[smem:$0x3F38] =	sst s1;
	(tag) =	ssettag s2;
	_ =	strace s9  }
0x27: {  	s1 =	sld [smem:$0x3F48]  }
0x28: {  	s2 =	sld [smem:$0x3F49]  }
0x29: {  	s4 =	sld [smem:$0x3F4B]  }
0x2a: {  	p0 =	seq.s32 s5, $0x0;
	s5 =	sld [smem:$0x3F4C]  }
0x2b: {  	s6 =	sld [smem:$0x3F4D]  }
0x2c: {  	s7 =	sld [smem:$0x3F4E]  }
0x2d: {  	s3 =	simm.s32 $0x108;
	s8 =	sld [smem:$0x3F4F]  }
0x2e: {  	s3 =	simm.s32 @!p0 $0x1082;
	s9 =	sld [smem:$0x3F50]  }
0x2f: {  	lr =	sadd.s32 s0, s3;
	s0 =	sld [smem:$0x3F47]  }
0x30: {  	s3 =	sld [smem:$0x3F4A]  }
0x31: {  	[smem:$0x3F53] =	sst s10  }
0x32: {  	s10 =	sld [smem:$0x3F51];
	_ =	sdelay $0x3  }
0x33: {  	p0 =	seq.s32 s10, $0x1;
	s10 =	sld [smem:$0x3F53];
	_ =	sdelay $0x3  }
0x34: {  	[smem:$0x3F53] =	sst s10  }
0x35: {  	s10 =	sld [smem:$0x3F52];
	_ =	sdelay $0x3  }
0x36: {  	p1 =	seq.s32 s10, $0x1;
	s10 =	sld [smem:$0x3F53];
	_ =	sdelay $0x3  }
0x37: {  	[smem:$0x3F53] =	sst s10  }
0x38: {  	s10 =	sld [smem:$0x3F54]  }
0x39: {  	_ = 	snop;
	(pc) =	sbr.ind lr, $3  }
0x3a: {  	_ = 	snop  }
0x3b: {  	_ = 	snop  }
0x3c: {  	p2 =	seq.s32 s10, $0x1;
	s10 =	sld [smem:$0x3F53]  }
0x3d: {  	_ =	shalt  }
0x3e: {  	_ =	shalt  }
0x3f: {  	_ =	shalt  }
0x40: {  	_ =	shalt  }
0x41: {  	_ =	shalt  }
0x42: {  	_ =	shalt  }
0x43: {  	_ =	shalt  }
0x44: {  	_ =	shalt  }
0x45: {  	_ =	shalt  }
0x46: {  	_ =	shalt  }
0x47: {  	_ =	shalt  }
0x48: {  	_ =	shalt  }
0x49: {  	_ =	shalt  }
0x4a: {  	_ =	shalt  }
0x4b: {  	_ =	shalt  }
0x4c: {  	_ =	shalt  }
0x4d: {  	_ =	shalt  }
0x4e: {  	_ =	shalt  }
0x4f: {  	_ =	shalt  }
0x50: {  	_ =	shalt  }
0x51: {  	_ =	shalt  }
0x52: {  	_ =	shalt  }
0x53: {  	_ =	shalt  }
0x54: {  	_ =	shalt  }
0x55: {  	_ =	shalt  }
0x56: {  	_ =	shalt  }
0x57: {  	_ =	shalt  }
0x58: {  	_ =	shalt  }
0x59: {  	_ =	shalt  }
0x5a: {  	_ =	shalt  }
0x5b: {  	_ =	shalt  }
0x5c: {  	_ =	shalt  }
0x5d: {  	_ =	shalt  }
0x5e: {  	_ =	shalt  }
0x5f: {  	_ =	shalt  }
0x60: {  	_ =	shalt  }
0x61: {  	_ =	shalt  }
0x62: {  	_ =	shalt  }
0x63: {  	_ =	shalt  }
0x64: {  	_ =	shalt  }
0x65: {  	_ =	shalt  }
0x66: {  	_ =	shalt  }
0x67: {  	_ =	shalt  }
0x68: {  	_ =	shalt  }
0x69: {  	_ =	shalt  }
0x6a: {  	_ =	shalt  }
0x6b: {  	_ =	shalt  }
0x6c: {  	_ =	shalt  }
0x6d: {  	_ =	shalt  }
0x6e: {  	_ =	shalt  }
0x6f: {  	_ =	shalt  }
0x70: {  	_ =	shalt  }
0x71: {  	_ =	shalt  }
0x72: {  	_ =	shalt  }
0x73: {  	_ =	shalt  }
0x74: {  	_ =	shalt  }
0x75: {  	_ =	shalt  }
0x76: {  	_ =	shalt  }
0x77: {  	_ =	shalt  }
0x78: {  	_ =	shalt  }
0x79: {  	_ =	shalt  }
0x7a: {  	_ =	shalt  }
0x7b: {  	_ =	shalt  }
0x7c: {  	_ =	shalt  }
0x7d: {  	_ =	shalt  }
0x7e: {  	_ =	shalt  }
0x7f: {  	_ =	shalt  }
0x80: {  	_ =	shalt  }
0x81: {  	_ =	shalt  }
0x82: {  	_ =	shalt  }
0x83: {  	_ =	shalt  }
0x84: {  	_ =	shalt  }
0x85: {  	_ =	shalt  }
0x86: {  	_ =	shalt  }
0x87: {  	_ =	shalt  }
.Lfunc_end0:
.L_simem_size_0:
called_computation.3_lowered:
.L_overlay_start_0:
0x88: {  	s2 =	sld [smem:$0x3FD9]  }
0x89: {  	s3 =	sld [smem:$0x3FFE];
	_ =	sdelay $0x1  }
0x8a: {  	s1 =	srdreg.scid  }
0x8b: {  	s0 =	sand.u32 $0x1, s1  }
0x8c: {  	s16 =	sshll.u32 s0, $0xA;
	s2 =	sadd.s32 s3, s2  }
0x8d: {  	s2 =	sadd.s32 s2, s16  }
0x8e: {  	[smem:$0x3F5F] =	sst s2  }
0x8f: {  	_ = 	snop  }
0x90: {  	(tm) =	ssettm $0x1  }
0x91: {  	s17 =	sld [smem:$0x3FFB];
	_ =	sdelay $0x3  }
0x92: {  	_ =	strace s17  }
0x93: {  	s2 =	sld [smem:$0x3FFC];
	_ =	sdelay $0x3  }
0x94: {  	_ =	strace s2  }
0x95: {  	s2 =	sld [smem:$0x3FFD];
	_ =	sdelay $0x3  }
0x96: {  	_ =	strace s2  }
0x97: {  	_ =	strace $0x8FFFFFFF  }
0x98: {  	s18 =	sld [smem:$0x3FDB];
	_ =	sdelay $0x1  }
0x99: {  	s19 =	simm.s32 $_scs_section_size  }
0x9a: {  	s4 =	simm.s32 $_size__tile_overlayer_lowered;
	s5 =	simm.s32 $_tile_overlayer_lowered  }
0x9b: {  	s22 =	simm.s32 $0x1BFF;
	s21 =	sshll.u32 s5, $0x1;
	s2 =	sadd.s32 s19, s18  }
0x9c: {  	s6 =	simm.s32 $0x0;
	s20 =	sshll.u32 s4, $0x1;
	s4 =	sadd.s32 s21, s2  }
0x9d: {  	[timem:s6], [sflag:s22] =	dma.local [hbm:s4], s20  }
0x9e: {  	_ =	swait.ge [sflag:s22], s20  }
0x9f: {  	s3 =	ssub.s32 $0x0, s20;
	[sflag:s22] =	ssyncset.done $0x0  }
0xa0: {  	[sflag:s22] =	ssyncadd.s32 s3;
	_ =	sdelay $0x1  }
0xa1: {  	s23 =	simm.s32 $0x1B8B  }
0xa2: {  	_ =	swait.ge [sflag:s23], $0x1  }
0xa3: {  	[sflag:s23] =	ssyncset.done $0x0  }
0xa4: {  	s25 =	simm.s32 $0x1B8E;
	s24 =	sld [smem:$0x3FFE];
	[sflag:s23] =	ssyncadd.s32 $0xFFFFFFFF  }
0xa5: {  	s26 =	simm.s32 $execute0_lowered;
	[smem:$0x3FD2] =	sst s25  }
0xa6: {  	s4 =	sshll.u32 s26, $0x1;
	_ =	strace $0x8000004F;
	[dreg:$0x1] =	wrdreg $0xFFFFFFFF  }
0xa7: {  	s28 =	simm.s32 $_size_execute0_lowered;
	s2 =	sadd.s32 s2, s4;
	[dreg:$0x0] =	wrdreg $0x0  }
0xa8: {  	s4 =	sshll.u32 s28, $0x1;
	[dreg:$0x2] =	wrdreg s2  }
0xa9: {  	[dreg:$0x3] =	wrdreg s4  }
0xaa: {  	[dreg:$0x4] =	wrdreg $0xC0  }
0xab: {  	_ =	task [dreg:s6], $0x5FFFF  }
0xac: {  	[dreg:$0x1] =	wrdreg $0xFFFFFFFF  }
0xad: {  	[dreg:$0x0] =	wrdreg $0x60  }
0xae: {  	[dreg:$0x2] =	wrdreg s24  }
0xaf: {  	[dreg:$0x3] =	wrdreg $0x9  }
0xb0: {  	_ =	task.clear_ibuf [dreg:s6], $0x4FFFF;
	_ =	strace $0x9000004F  }
0xb1: {  	s29 =	simm.s32 $0x9;
	_ =	strace $0x80000051  }
0xb2: {  	_ =	swait.ge [sflag:s29], $0x1  }
0xb3: {  	[sflag:s29] =	ssyncadd.s32 $0xFFFFFFFF  }
0xb4: {  	_ =	strace $0x90000051  }
0xb5: {  	_ =	sfence  }
0xb6: {  	s30 =	sld [smem:$0x0];
	_ =	sdelay $0x2  }
0xb7: {  	s31 =	sshll.u32 s1, $0xD;
	s1 =	sshrl.u32 s1, $0x2  }
0xb8: {  	s3 =	sand.u32 $0x4000, s31;
	s1 =	sadd.s32 s1, s30  }
0xb9: {  	s0 =	sor.u32 s3, s0;
	s1 =	sshll.u32 s1, $0x11  }
0xba: {  	s0 =	sor.u32 s1, s0  }
0xbb: {  	s0 =	sadd.s32 $0x8F2B, s0  }
0xbc: {  	[sflag:s0] =	ssyncadd.remote.s32 $0x1  }
0xbd: {  	_ =	sfence.sel $0xFFFF  }
0xbe: {  	[dreg:$0x0] =	wrdreg $0xFFFFFFFF;
	(pc) =	sbr.abs _section_cstart, $3  }
0xbf: {  	[dreg:$0x1] =	wrdreg $0xFFFFFFFF  }
0xc0: {  	_ =	task.clear_ibuf [dreg:s6], $0x2FFFF;
	_ =	strace $0x9FFFFFFF  }
0xc1: {  	(tm) =	ssettm $0x7FFFFFFF  }
tec
execute0_lowered:
.L_overlay_start_1:
0x0: {  	(tag) =	ssettag $0x1  }
0x1: {  	s4 =	rddreg [dreg:$0x0]  }
0x2: {  	s0 =	rddreg [dreg:$0x1];
	s2 =	simm.s32 $0x0;
	s1 =	stileid.u32  }
0x3: {  	s3 =	srdreg.scid;
	s10 =	simm.s32 $0x0;
	s6 =	smul.u32 $0x3000, s1  }
0x4: {  	[smem:$0x7FF] =	sst s2;
	s5 =	sand.u32 $0x1, s3;
	s8 =	smul.u32 $0x30000, s1  }
0x5: {  	s3 =	sadd.s32 $0xA5C00, s4;
	s7 =	smul.u32 $0x1800, s5;
	s9 =	ssub.s32 $0x2, s5  }
0x6: {  	_ =	strace $0x80000050;
	s5 =	smul.u32 $0x18000, s5;
	s31 =	sshrl.u32 s9, $0x1  }
0x7: {  	s8 =	sadd.s32 s8, s4;
	s6 =	sadd.s32 s7, s6;
	s7 =	ssub.s32 s9, s31  }
0x8: {  	s5 =	sadd.s32 s5, s8;
	s8 =	simm.s32 $0x180;
	s6 =	sshrl.u32 s6, $0x3  }
0x9: {  	s9 =	simm.s32 $0x1;
	s5 =	sadd.s32 $0x11A200, s5;
	s6 =	sadd.s32 s6, s4  }
0xa: {  	s4 =	smax.u32 s7, $0x1;
	s7 =	simm.s32 $0x2;
	s6 =	sadd.s32 $0xD6400, s6  }
.LBB2_1:
0xb: {  	s11 =	sadd.s32 $0x0, s6  }
0xc: {  	[tilespmem:s2], [sflag:$0x2] =	stream.linear.gather [hbm4b:s11+s2], $0x180, $0x38;
	[tilespmem:$0xC180] =	vst v63  }
0xd: {  	_ =	swait.ge [sflag:s7], $0x180  }
0xe: {  	[sflag:s7] =	ssyncset.done $0x0  }
0xf: {  	[sflag:s7] =	ssyncadd.s32 $0xFFFFFE80  }
0x10: {  	[tilespmem:s8], [sflag:$0x1] =	stream.indirect.gather [hbm4b:s3+s8], $0x80, s2, s8, $0xb8;
	[tilespmem:$0xC180] =	vst v63  }
0x11: {  	_ =	swait.ge [sflag:s9], $0xC000  }
0x12: {  	[sflag:s9] =	ssyncset.done $0x0  }
0x13: {  	[sflag:s9] =	ssyncadd.s32 $0xFFFF4000  }
0x14: {  	[hbm4b:s5+s2] =	stream.linear.scatter [tilespmem:s8], [sflag:$0x2], $0xC000, $0x38;
	[tilespmem:$0xC180] =	vst v63  }
0x15: {  	s12 =	simm.s32 $0x30;
	_ =	swait.ge [sflag:s7], $0xC000  }
0x16: {  	s13 =	simm.s32 $0x60;
	s11 =	sadd.s32 $0x1800, s5;
	[sflag:s7] =	ssyncset.done $0x0  }
.LBB2_2:
0x17: {  	s14 =	sadd.s32 s12, s6  }
0x18: {  	[sflag:s7] =	ssyncadd.s32 $0xFFFF4000;
	s12 =	smov.u32 s13;
	s15 =	sadd.s32 $0x30, s13  }
0x19: {  	[tilespmem:s2], [sflag:$0x2] =	stream.linear.gather [hbm4b:s14+s2], $0x180, $0x38;
	[tilespmem:$0xC180] =	vst v63  }
0x1a: {  	p0 =	sne.s32 s13, $0x2D0;
	_ =	swait.ge [sflag:s7], $0x180  }
0x1b: {  	[sflag:s7] =	ssyncset.done $0x0  }
0x1c: {  	[sflag:s7] =	ssyncadd.s32 $0xFFFFFE80  }
0x1d: {  	[tilespmem:s8], [sflag:$0x1] =	stream.indirect.gather [hbm4b:s3+s8], $0x80, s2, s8, $0xb8;
	[tilespmem:$0xC180] =	vst v63  }
0x1e: {  	_ =	swait.ge [sflag:s9], $0xC000  }
.Ltmp0:
0x1f: {  	[sflag:s9] =	ssyncset.done $0x0;
	(pc) =	sbr.rel @p0 .LBB2_2-.Ltmp0, $4  }
0x20: {  	[sflag:s9] =	ssyncadd.s32 $0xFFFF4000  }
0x21: {  	[hbm4b:s11+s2] =	stream.linear.scatter [tilespmem:s8], [sflag:$0x2], $0xC000, $0x38;
	[tilespmem:$0xC180] =	vst v63  }
0x22: {  	_ =	swait.ge [sflag:s7], $0xC000  }
0x23: {  	s13 =	smov.u32 s15;
	s11 =	sadd.s32 $0x1800, s11;
	[sflag:s7] =	ssyncset.done $0x0  }
0x24: {  	s12 =	sadd.s32 s12, s6;
	[sflag:s7] =	ssyncadd.s32 $0xFFFF4000  }
0x25: {  	[tilespmem:s2], [sflag:$0x2] =	stream.linear.gather [hbm4b:s12+s2], $0x180, $0x38;
	[tilespmem:$0xC180] =	vst v63  }
0x26: {  	_ =	swait.ge [sflag:s7], $0x180  }
0x27: {  	[sflag:s7] =	ssyncset.done $0x0  }
0x28: {  	[sflag:s7] =	ssyncadd.s32 $0xFFFFFE80  }
0x29: {  	[tilespmem:s8], [sflag:$0x1] =	stream.indirect.gather [hbm4b:s3+s8], $0x80, s2, s8, $0xb8;
	[tilespmem:$0xC180] =	vst v63  }
0x2a: {  	s10 =	sadd.s32 $0x1, s10;
	_ =	swait.ge [sflag:s9], $0xC000  }
0x2b: {  	p0 =	sne.s32 s10, s4;
	[sflag:s9] =	ssyncset.done $0x0  }
.Ltmp1:
0x2c: {  	[sflag:s9] =	ssyncadd.s32 $0xFFFF4000;
	(pc) =	sbr.rel @p0 .LBB2_1-.Ltmp1, $4  }
0x2d: {  	[hbm4b:s11+s2] =	stream.linear.scatter [tilespmem:s8], [sflag:$0x2], $0xC000, $0x38;
	[tilespmem:$0xC180] =	vst v63  }
0x2e: {  	_ =	swait.ge [sflag:s7], $0xC000  }
0x2f: {  	[sflag:s7] =	ssyncset.done $0x0  }
0x30: {  	[sflag:s7] =	ssyncadd.s32 $0xFFFF4000  }
0x31: {  	_ =	sfence.sel $0x180000  }
0x32: {  	[bflag:$0x0] =	sbarrier.arrive $0xFFFF  }
0x33: {  	p0 =	sne.s32 s1, $0x0;
	_ =	strace $0x90000050  }
0x34: {  	s0 =	sadd.s32 @!p0 $0x100000, s0;
	[bflag:$0x2] =	sbarrier.arrive $0xFFFF  }
0x35: {  	[sflag:s0] =	ssyncadd.tile.s32 @!p0 $0x1;
	_ =	shalt  }
.Lfunc_end2:
_tile_overlayer_lowered:
.L_overlay_start_2:
0x36: {  	(tag) =	ssettag $0x2  }
0x37: {  	s0 =	rddreg [dreg:$0x0];
	s2 =	stileid.u32  }
0x38: {  	s1 =	rddreg [dreg:$0x1];
	p0 =	sne.s32 s2, $0x0  }
0x39: {  	s3 =	rddreg [dreg:$0x2];
	[bflag:$0x3] =	sbarrier.arrive $0xFFFF;
	s2 =	simm.s32 @!p0 $0x1C02  }
0x3a: {  	[timem:s3], [sflag:s2] =	dma.local @!p0 [hbm:s0], s1  }
0x3b: {  	s0 =	simm.s32 @!p0 $0x2  }
0x3c: {  	_ =	swait.ge @!p0 [sflag:s0], s1  }
0x3d: {  	s1 =	ssub.s32 @!p0 $0x0, s1;
	[sflag:s0] =	ssyncset.done @!p0 $0x0  }
0x3e: {  	[sflag:s0] =	ssyncadd.s32 @!p0 s1  }
0x3f: {  	[bflag:$0x3] =	sbarrier.arrive $0xFFFF  }
0x40: {  	_ =	shalt  }

</sc_bundles>
